<compile_context>
chip_gen: v7x
topology: tpu7x:2x2x1
jax: 0.10.2.dev20260603
libtpu: 0.0.44.dev20260713+nightly
codegen_flags: <defaults>
</compile_context>

<pallas_src>
import functools

import jax
import jax.numpy as jnp
from jax import lax
from jax.experimental import pallas as pl
from jax.experimental.pallas import tpu as pltpu
from jax.experimental.pallas import tpu_sc as plsc

NUM_EMBED = 8
NUM_EMBEDDING = 256
EMBED_DIM = 64

NC = 2
NS = 16
NW = NC * NS

LANES = 16
CHUNK = 128
NBUF = 8


def _build(batch):
    total_rows = batch * NUM_EMBED
    rows_per_w = total_rows // NW
    n_per_w = batch // NW
    n_chunks = rows_per_w // CHUNK
    tab_rows = NUM_EMBED * NUM_EMBEDDING
    stage_rows = tab_rows // NS

    mesh = plsc.VectorSubcoreMesh(
        core_axis_name="c", subcore_axis_name="s", num_cores=NC,
        num_subcores=NS)

    @functools.partial(
        pl.kernel,
        out_type=jax.ShapeDtypeStruct((total_rows, EMBED_DIM), jnp.float32),
        mesh=mesh,
        compiler_params=pltpu.CompilerParams(
            needs_layout_passes=False, use_tc_tiling_on_sc=False),
        scratch_types=[
            pltpu.VMEM((n_per_w,), jnp.int32),
            pltpu.VMEM((n_chunks, CHUNK), jnp.int32),
            pltpu.VMEM((NBUF, CHUNK, EMBED_DIM), jnp.float32),
            pltpu.VMEM_SHARED((tab_rows, EMBED_DIM), jnp.float32),
            [pltpu.SemaphoreType.DMA] * NBUF,
            [pltpu.SemaphoreType.DMA] * NBUF,
        ],
    )
    def k(x_hbm, tab_hbm, out_hbm, x_v, idx_v, rows_v, tab_sp, gsems, wsems):
        sid = lax.axis_index("s")
        wid = sid * NC + lax.axis_index("c")
        nbase = wid * n_per_w
        rbase = wid * rows_per_w

        pltpu.sync_copy(x_hbm.at[pl.ds(nbase, n_per_w)], x_v)
        stage_cp = pltpu.async_copy(
            tab_hbm.at[sid // 2, pl.ds((sid % 2) * stage_rows, stage_rows)],
            rows_v.at[0], gsems[0])

        lane = lax.iota(jnp.int32, 16)
        nsel = lax.shift_right_logical(lane, 3)
        shiftv = lax.shift_left(lane & 3, 3)
        basev = lax.shift_left(lane & 7, 8)

        def compute(j, _):
            for c in range(8):
                i = j * 8 + c
                x = plsc.load_gather(x_v, [nsel + 2 * i])
                byte = lax.shift_right_logical(jnp.abs(x), shiftv) & 255
                idx_v[j, pl.ds(c * LANES, LANES)] = basev + byte
            return 0

        lax.fori_loop(0, n_chunks, compute, 0)

        stage_cp.wait()
        pltpu.sync_copy(
            rows_v.at[0], tab_sp.at[pl.ds(sid * stage_rows, stage_rows)])
        plsc.subcore_barrier()

        def gather_start(j):
            b = j % NBUF
            return pltpu.async_copy(
                tab_sp.at[idx_v.at[j]], rows_v.at[b], gsems[b])

        def write_start(j):
            b = j % NBUF
            return pltpu.async_copy(
                rows_v.at[b],
                out_hbm.at[pl.ds(rbase + j * CHUNK, CHUNK)], wsems[b])

        gcp = [None] * n_chunks
        wcp = [None] * n_chunks
        depth = 4
        for j in range(min(depth, n_chunks)):
            gcp[j] = gather_start(j)
        for j in range(n_chunks):
            if j >= depth:
                wcp[j - depth].wait()
            if j + depth < n_chunks:
                gcp[j + depth] = gather_start(j + depth)
            gcp[j].wait()
            wcp[j] = write_start(j)
        for j in range(max(0, n_chunks - depth), n_chunks):
            wcp[j].wait()

    return k


@jax.jit
def kernel(X, tables):
    batch = X.shape[0]
    out = _build(batch)(X, tables)
    return out.reshape(batch, NUM_EMBED * EMBED_DIM)

# --- scband reference (transcript-rebuilt; emitter-appended) ---
"""Pipeline reference for scband-bitsplit-embedding-5935644803652 (READ-ONLY COPY).

The authoritative reference and input builder live on the scoring server;
editing this copy changes nothing except your own understanding.
"""

import jax, jax.numpy as jnp
import numpy as np

NUM_BITS = 32
SPLITS = 4
LEN_SPLIT = NUM_BITS // SPLITS  # 8
SIGNED = True
NUM_EMBEDDING = 1 << LEN_SPLIT  # 256
NUM_EMBED = 2 * SPLITS if SIGNED else SPLITS  # 8
EMBED_DIM = 64
BATCH = 16384


def setup_inputs(seed: int = 0) -> dict:
    key = jax.random.key(seed)
    kx, kw = jax.random.split(key)
    X = jax.random.randint(kx, (BATCH,), 0, 1000000000, dtype=jnp.int32)
    # learned embedding tables, one per bit-split (doubled for signed), stacked: [NUM_EMBED, 256, 64]
    tables = 0.02 * jax.random.normal(kw, (NUM_EMBED, NUM_EMBEDDING, EMBED_DIM), dtype=jnp.float32)
    return {"X": X, "tables": tables}


def _bit_split(X):
    Xa = jnp.abs(X)
    mask = (1 << LEN_SPLIT) - 1
    chunks = []
    for i in range(SPLITS):
        chunks.append(jnp.bitwise_and(jnp.right_shift(Xa, LEN_SPLIT * i), mask))
    idx = jnp.stack(chunks, axis=1)  # [N, SPLITS]
    if SIGNED:
        idx = jnp.concatenate([idx, idx], axis=1)  # [N, 2*SPLITS]
    return idx


def reference(X, tables):
    idx = _bit_split(X)  # [N, NUM_EMBED] int
    outs = []
    for i in range(NUM_EMBED):
        outs.append(jnp.take(tables[i], idx[:, i], axis=0))  # gather -> [N, EMBED_DIM]
    return jnp.concatenate(outs, axis=-1)  # [N, NUM_EMBED*EMBED_DIM]

if __name__ == "__main__":
    import jax
    _d = setup_inputs()
    print(jax.jit(kernel)(*tuple(_d.values())))

</pallas_src>

<mosaic_0001>
#map = affine_map<(d0, d1) -> (0)>
#map1 = affine_map<(d0, d1) -> (0, 0, 0)>
#map2 = affine_map<(d0, d1) -> (0, 0)>
module attributes {stable_mosaic.version = 14 : i64} {
  func.func @k(%arg0: i32, %arg1: i32, %arg2: memref<16384xi32, #tpu.memory_space<hbm>>, %arg3: memref<8x256x64xf32, #tpu.memory_space<hbm>>, %arg4: memref<131072x64xf32, #tpu.memory_space<hbm>>, %arg5: memref<512xi32, #tpu.memory_space<vmem>>, %arg6: memref<32x128xi32, #tpu.memory_space<vmem>>, %arg7: memref<8x128x64xf32, #tpu.memory_space<vmem>>, %arg8: memref<2048x64xf32, #tpu.memory_space<vmem_shared>>, %arg9: memref<!tpu.dma_semaphore, #tpu.memory_space<semaphore_mem>>, %arg10: memref<!tpu.dma_semaphore, #tpu.memory_space<semaphore_mem>>, %arg11: memref<!tpu.dma_semaphore, #tpu.memory_space<semaphore_mem>>, %arg12: memref<!tpu.dma_semaphore, #tpu.memory_space<semaphore_mem>>, %arg13: memref<!tpu.dma_semaphore, #tpu.memory_space<semaphore_mem>>, %arg14: memref<!tpu.dma_semaphore, #tpu.memory_space<semaphore_mem>>, %arg15: memref<!tpu.dma_semaphore, #tpu.memory_space<semaphore_mem>>, %arg16: memref<!tpu.dma_semaphore, #tpu.memory_space<semaphore_mem>>, %arg17: memref<!tpu.dma_semaphore, #tpu.memory_space<semaphore_mem>>, %arg18: memref<!tpu.dma_semaphore, #tpu.memory_space<semaphore_mem>>, %arg19: memref<!tpu.dma_semaphore, #tpu.memory_space<semaphore_mem>>, %arg20: memref<!tpu.dma_semaphore, #tpu.memory_space<semaphore_mem>>, %arg21: memref<!tpu.dma_semaphore, #tpu.memory_space<semaphore_mem>>, %arg22: memref<!tpu.dma_semaphore, #tpu.memory_space<semaphore_mem>>, %arg23: memref<!tpu.dma_semaphore, #tpu.memory_space<semaphore_mem>>, %arg24: memref<!tpu.dma_semaphore, #tpu.memory_space<semaphore_mem>>) attributes {dimension_semantics = [#tpu.dimension_semantics<core_parallel>, #tpu.dimension_semantics<subcore_parallel>], iteration_bounds = array<i64: 2, 16>, scalar_prefetch = 0 : i64, scratch_operands = 20 : i64, tpu.core_type = #tpu.core_type<sc_vector_subcore>, window_params = [{transform_indices = #map}, {transform_indices = #map1}, {transform_indices = #map2}]} {
    %mul3A = arith.constant 2 : i32
    %mul3A_0 = arith.muli %arg1, %mul3A : i32
    %add3A = arith.addi %mul3A_0, %arg0 : i32
    %mul3A_1 = arith.constant 512 : i32
    %mul3A_2 = arith.muli %add3A, %mul3A_1 : i32
    %mul3A_3 = arith.constant 4096 : i32
    %mul3A_4 = arith.muli %add3A, %mul3A_3 : i32
    "tpu.region"() ({
      %run_scoped3A_1750 = tpu.sem_alloc : memref<!tpu.dma_semaphore, #tpu.memory_space<semaphore_mem>>
      %dma_start3A_1751 = tpu.memref_slice %arg2[%mul3A_2] : memref<16384xi32, #tpu.memory_space<hbm>> -> memref<512xi32, #tpu.memory_space<hbm>>
      %dma_start3A_1752 = tpu.memref_slice %arg2[%mul3A_2] : memref<16384xi32, #tpu.memory_space<hbm>> -> memref<512xi32, #tpu.memory_space<hbm>>
      tpu.enqueue_dma source(%dma_start3A_1752 : memref<512xi32, #tpu.memory_space<hbm>>) target(%arg5 : memref<512xi32, #tpu.memory_space<vmem>>) target_semaphore(%run_scoped3A_1750 : memref<!tpu.dma_semaphore, #tpu.memory_space<semaphore_mem>>)
      %dma_wait3A_1753 = tpu.memref_slice %arg2[%mul3A_2] : memref<16384xi32, #tpu.memory_space<hbm>> -> memref<512xi32, #tpu.memory_space<hbm>>
      %dma_wait3A_1754 = tpu.memref_slice %arg2[%mul3A_2] : memref<16384xi32, #tpu.memory_space<hbm>> -> memref<512xi32, #tpu.memory_space<hbm>>
      tpu.wait_dma2 semaphore(%run_scoped3A_1750 : memref<!tpu.dma_semaphore, #tpu.memory_space<semaphore_mem>>) src(%dma_wait3A_1754 : memref<512xi32, #tpu.memory_space<hbm>>) dst(%arg5 : memref<512xi32, #tpu.memory_space<vmem>>)
      tpu.yield
    }) : () -> ()
    %jit3A = arith.constant 2 : i32
    %div3A = arith.divsi %arg1, %jit3A : i32
    %sign3A = arith.constant 0 : i32
    %sign3A_5 = arith.cmpi sgt, %arg1, %sign3A : i32
    %sign3A_6 = arith.extui %sign3A_5 : i1 to i32
    %sign3A_7 = arith.constant 0 : i32
    %sign3A_8 = arith.cmpi slt, %arg1, %sign3A_7 : i32
    %sign3A_9 = arith.extui %sign3A_8 : i1 to i32
    %sign3A_10 = arith.subi %sign3A_6, %sign3A_9 : i32
    %sign3A_11 = arith.constant 0 : i32
    %sign3A_12 = arith.cmpi sgt, %jit3A, %sign3A_11 : i32
    %sign3A_13 = arith.extui %sign3A_12 : i1 to i32
    %sign3A_14 = arith.constant 0 : i32
    %sign3A_15 = arith.cmpi slt, %jit3A, %sign3A_14 : i32
    %sign3A_16 = arith.extui %sign3A_15 : i1 to i32
    %sign3A_17 = arith.subi %sign3A_13, %sign3A_16 : i32
    %ne3A = arith.cmpi ne, %sign3A_10, %sign3A_17 : i32
    %rem3A = arith.remsi %arg1, %jit3A : i32
    %ne3A_18 = arith.constant 0 : i32
    %ne3A_19 = arith.cmpi ne, %rem3A, %ne3A_18 : i32
    %and3A = arith.andi %ne3A, %ne3A_19 : i1
    %sub3A = arith.constant 1 : i32
    %sub3A_20 = arith.subi %div3A, %sub3A : i32
    %select_n3A = arith.select %and3A, %sub3A_20, %div3A : i32
    %jit3A_21 = arith.constant 2 : i32
    %eq3A = arith.constant 0 : i32
    %eq3A_22 = arith.cmpi eq, %jit3A_21, %eq3A : i32
    %jit3A_23 = arith.constant 1 : i32
    %select_n3A_24 = arith.select %eq3A_22, %jit3A_23, %jit3A_21 : i32
    %rem3A_25 = arith.remsi %arg1, %select_n3A_24 : i32
    %ne3A_26 = arith.constant 0 : i32
    %ne3A_27 = arith.cmpi ne, %rem3A_25, %ne3A_26 : i32
    %lt3A = arith.constant 0 : i32
    %lt3A_28 = arith.cmpi slt, %rem3A_25, %lt3A : i32
    %lt3A_29 = arith.constant 0 : i32
    %lt3A_30 = arith.cmpi slt, %select_n3A_24, %lt3A_29 : i32
    %ne3A_31 = arith.xori %lt3A_28, %lt3A_30 : i1
    %and3A_32 = arith.andi %ne3A_31, %ne3A_27 : i1
    %add3A_33 = arith.addi %rem3A_25, %select_n3A_24 : i32
    %select_n3A_34 = arith.select %and3A_32, %add3A_33, %rem3A_25 : i32
    %mul3A_35 = arith.constant 128 : i32
    %mul3A_36 = arith.muli %select_n3A_34, %mul3A_35 : i32
    %dma_start3A = arith.constant 0 : i32
    %dma_start3A_37 = arith.constant 0 : i32
    %dma_start3A_38 = arith.constant 0 : i32
    %dma_start3A_39 = tpu.memref_slice %arg7[%dma_start3A, %dma_start3A_37, %dma_start3A_38] : memref<8x128x64xf32, #tpu.memory_space<vmem>> -> memref<1x128x64xf32, #tpu.memory_space<vmem>>
    %dma_start3A_40 = tpu.memref_squeeze %dma_start3A_39 : memref<1x128x64xf32, #tpu.memory_space<vmem>> -> memref<128x64xf32, #tpu.memory_space<vmem>>
    %dma_start3A_41 = arith.constant 0 : i32
    %dma_start3A_42 = tpu.memref_slice %arg3[%select_n3A, %mul3A_36, %dma_start3A_41] : memref<8x256x64xf32, #tpu.memory_space<hbm>> -> memref<1x128x64xf32, #tpu.memory_space<hbm>>
    %dma_start3A_43 = tpu.memref_squeeze %dma_start3A_42 : memref<1x128x64xf32, #tpu.memory_space<hbm>> -> memref<128x64xf32, #tpu.memory_space<hbm>>
    %dma_start3A_44 = arith.constant 0 : i32
    %dma_start3A_45 = arith.constant 0 : i32
    %dma_start3A_46 = tpu.memref_slice %arg7[%dma_start3A, %dma_start3A_44, %dma_start3A_45] : memref<8x128x64xf32, #tpu.memory_space<vmem>> -> memref<1x128x64xf32, #tpu.memory_space<vmem>>
    %dma_start3A_47 = tpu.memref_squeeze %dma_start3A_46 : memref<1x128x64xf32, #tpu.memory_space<vmem>> -> memref<128x64xf32, #tpu.memory_space<vmem>>
    %dma_start3A_48 = arith.constant 0 : i32
    %dma_start3A_49 = tpu.memref_slice %arg3[%select_n3A, %mul3A_36, %dma_start3A_48] : memref<8x256x64xf32, #tpu.memory_space<hbm>> -> memref<1x128x64xf32, #tpu.memory_space<hbm>>
    %dma_start3A_50 = tpu.memref_squeeze %dma_start3A_49 : memref<1x128x64xf32, #tpu.memory_space<hbm>> -> memref<128x64xf32, #tpu.memory_space<hbm>>
    tpu.enqueue_dma source(%dma_start3A_50 : memref<128x64xf32, #tpu.memory_space<hbm>>) target(%dma_start3A_47 : memref<128x64xf32, #tpu.memory_space<vmem>>) target_semaphore(%arg9 : memref<!tpu.dma_semaphore, #tpu.memory_space<semaphore_mem>>)
    %iota3A = tpu.iota {dimensions = array<i32: 0>} : vector<16xi32>
    %shift_right_logical3A = arith.constant 3 : i32
    %shift_right_logical3A_51 = vector.broadcast %shift_right_logical3A : i32 to vector<16xi32>
    %shift_right_logical3A_52 = arith.shrui %iota3A, %shift_right_logical3A_51 : vector<16xi32>
    %and3A_53 = arith.constant 3 : i32
    %and3A_54 = vector.broadcast %and3A_53 : i32 to vector<16xi32>
    %and3A_55 = arith.andi %iota3A, %and3A_54 : vector<16xi32>
    %shift_left3A = arith.constant 3 : i32
    %shift_left3A_56 = vector.broadcast %shift_left3A : i32 to vector<16xi32>
    %shift_left3A_57 = arith.shli %and3A_55, %shift_left3A_56 : vector<16xi32>
    %and3A_58 = arith.constant 7 : i32
    %and3A_59 = vector.broadcast %and3A_58 : i32 to vector<16xi32>
    %and3A_60 = arith.andi %iota3A, %and3A_59 : vector<16xi32>
    %shift_left3A_61 = arith.constant 8 : i32
    %shift_left3A_62 = vector.broadcast %shift_left3A_61 : i32 to vector<16xi32>
    %shift_left3A_63 = arith.shli %and3A_60, %shift_left3A_62 : vector<16xi32>
    %scan3A = arith.constant 0 : i32
    %scan3A_64 = arith.constant 0 : i32
    %scan3A_65 = arith.constant 32 : i32
    %scan3A_66 = arith.addi %scan3A_64, %scan3A_65 : i32
    %scan3A_67 = arith.constant 1 : i32
    %scan3A_68 = scf.for %scan3A_1750 = %scan3A_64 to %scan3A_66 step %scan3A_67 iter_args(%scan3A_1751 = %scan3A) -> (i32)  : i32 {
      %mul3A_1752 = arith.constant 8 : i32
      %mul3A_1753 = arith.muli %scan3A_1750, %mul3A_1752 : i32
      %add3A_1754 = arith.constant 0 : i32
      %add3A_1755 = arith.addi %mul3A_1753, %add3A_1754 : i32
      %mul3A_1756 = arith.constant 2 : i32
      %mul3A_1757 = arith.muli %mul3A_1756, %add3A_1755 : i32
      %add3A_1758 = vector.broadcast %mul3A_1757 : i32 to vector<16xi32>
      %add3A_1759 = arith.addi %shift_right_logical3A_52, %add3A_1758 : vector<16xi32>
      %gather3A = tpu.vector_load_idx %arg5[%add3A_1759] : memref<512xi32, #tpu.memory_space<vmem>>[vector<16xi32>], vector<16xi32>,
      %abs3A = math.absi %gather3A : vector<16xi32>
      %shift_right_logical3A_1760 = arith.shrui %abs3A, %shift_left3A_57 : vector<16xi32>
      %and3A_1761 = arith.constant 255 : i32
      %and3A_1762 = vector.broadcast %and3A_1761 : i32 to vector<16xi32>
      %and3A_1763 = arith.andi %shift_right_logical3A_1760, %and3A_1762 : vector<16xi32>
      %add3A_1764 = arith.addi %shift_left3A_63, %and3A_1763 : vector<16xi32>
      %swap3A = arith.index_cast %scan3A_1750 : i32 to index
      %swap3A_1765 = arith.constant 0 : index
      %swap3A_1766 = tpu.vector_load %arg6[%swap3A, %swap3A_1765] {strides = array<i32>} : memref<32x128xi32, #tpu.memory_space<vmem>>, vector<16xi32>,
      tpu.vector_store %arg6[%swap3A, %swap3A_1765], %add3A_1764 {strides = array<i32>} : memref<32x128xi32, #tpu.memory_space<vmem>>, vector<16xi32>,
      %mul3A_1767 = arith.constant 8 : i32
      %mul3A_1768 = arith.muli %scan3A_1750, %mul3A_1767 : i32
      %add3A_1769 = arith.constant 1 : i32
      %add3A_1770 = arith.addi %mul3A_1768, %add3A_1769 : i32
      %mul3A_1771 = arith.constant 2 : i32
      %mul3A_1772 = arith.muli %mul3A_1771, %add3A_1770 : i32
      %add3A_1773 = vector.broadcast %mul3A_1772 : i32 to vector<16xi32>
      %add3A_1774 = arith.addi %shift_right_logical3A_52, %add3A_1773 : vector<16xi32>
      %gather3A_1775 = tpu.vector_load_idx %arg5[%add3A_1774] : memref<512xi32, #tpu.memory_space<vmem>>[vector<16xi32>], vector<16xi32>,
      %abs3A_1776 = math.absi %gather3A_1775 : vector<16xi32>
      %shift_right_logical3A_1777 = arith.shrui %abs3A_1776, %shift_left3A_57 : vector<16xi32>
      %and3A_1778 = arith.constant 255 : i32
      %and3A_1779 = vector.broadcast %and3A_1778 : i32 to vector<16xi32>
      %and3A_1780 = arith.andi %shift_right_logical3A_1777, %and3A_1779 : vector<16xi32>
      %add3A_1781 = arith.addi %shift_left3A_63, %and3A_1780 : vector<16xi32>
      %swap3A_1782 = arith.index_cast %scan3A_1750 : i32 to index
      %swap3A_1783 = arith.constant 16 : index
      %swap3A_1784 = tpu.vector_load %arg6[%swap3A_1782, %swap3A_1783] {strides = array<i32>} : memref<32x128xi32, #tpu.memory_space<vmem>>, vector<16xi32>,
      tpu.vector_store %arg6[%swap3A_1782, %swap3A_1783], %add3A_1781 {strides = array<i32>} : memref<32x128xi32, #tpu.memory_space<vmem>>, vector<16xi32>,
      %mul3A_1785 = arith.constant 8 : i32
      %mul3A_1786 = arith.muli %scan3A_1750, %mul3A_1785 : i32
      %add3A_1787 = arith.constant 2 : i32
      %add3A_1788 = arith.addi %mul3A_1786, %add3A_1787 : i32
      %mul3A_1789 = arith.constant 2 : i32
      %mul3A_1790 = arith.muli %mul3A_1789, %add3A_1788 : i32
      %add3A_1791 = vector.broadcast %mul3A_1790 : i32 to vector<16xi32>
      %add3A_1792 = arith.addi %shift_right_logical3A_52, %add3A_1791 : vector<16xi32>
      %gather3A_1793 = tpu.vector_load_idx %arg5[%add3A_1792] : memref<512xi32, #tpu.memory_space<vmem>>[vector<16xi32>], vector<16xi32>,
      %abs3A_1794 = math.absi %gather3A_1793 : vector<16xi32>
      %shift_right_logical3A_1795 = arith.shrui %abs3A_1794, %shift_left3A_57 : vector<16xi32>
      %and3A_1796 = arith.constant 255 : i32
      %and3A_1797 = vector.broadcast %and3A_1796 : i32 to vector<16xi32>
      %and3A_1798 = arith.andi %shift_right_logical3A_1795, %and3A_1797 : vector<16xi32>
      %add3A_1799 = arith.addi %shift_left3A_63, %and3A_1798 : vector<16xi32>
      %swap3A_1800 = arith.index_cast %scan3A_1750 : i32 to index
      %swap3A_1801 = arith.constant 32 : index
      %swap3A_1802 = tpu.vector_load %arg6[%swap3A_1800, %swap3A_1801] {strides = array<i32>} : memref<32x128xi32, #tpu.memory_space<vmem>>, vector<16xi32>,
      tpu.vector_store %arg6[%swap3A_1800, %swap3A_1801], %add3A_1799 {strides = array<i32>} : memref<32x128xi32, #tpu.memory_space<vmem>>, vector<16xi32>,
      %mul3A_1803 = arith.constant 8 : i32
      %mul3A_1804 = arith.muli %scan3A_1750, %mul3A_1803 : i32
      %add3A_1805 = arith.constant 3 : i32
      %add3A_1806 = arith.addi %mul3A_1804, %add3A_1805 : i32
      %mul3A_1807 = arith.constant 2 : i32
      %mul3A_1808 = arith.muli %mul3A_1807, %add3A_1806 : i32
      %add3A_1809 = vector.broadcast %mul3A_1808 : i32 to vector<16xi32>
      %add3A_1810 = arith.addi %shift_right_logical3A_52, %add3A_1809 : vector<16xi32>
      %gather3A_1811 = tpu.vector_load_idx %arg5[%add3A_1810] : memref<512xi32, #tpu.memory_space<vmem>>[vector<16xi32>], vector<16xi32>,
      %abs3A_1812 = math.absi %gather3A_1811 : vector<16xi32>
      %shift_right_logical3A_1813 = arith.shrui %abs3A_1812, %shift_left3A_57 : vector<16xi32>
      %and3A_1814 = arith.constant 255 : i32
      %and3A_1815 = vector.broadcast %and3A_1814 : i32 to vector<16xi32>
      %and3A_1816 = arith.andi %shift_right_logical3A_1813, %and3A_1815 : vector<16xi32>
      %add3A_1817 = arith.addi %shift_left3A_63, %and3A_1816 : vector<16xi32>
      %swap3A_1818 = arith.index_cast %scan3A_1750 : i32 to index
      %swap3A_1819 = arith.constant 48 : index
      %swap3A_1820 = tpu.vector_load %arg6[%swap3A_1818, %swap3A_1819] {strides = array<i32>} : memref<32x128xi32, #tpu.memory_space<vmem>>, vector<16xi32>,
      tpu.vector_store %arg6[%swap3A_1818, %swap3A_1819], %add3A_1817 {strides = array<i32>} : memref<32x128xi32, #tpu.memory_space<vmem>>, vector<16xi32>,
      %mul3A_1821 = arith.constant 8 : i32
      %mul3A_1822 = arith.muli %scan3A_1750, %mul3A_1821 : i32
      %add3A_1823 = arith.constant 4 : i32
      %add3A_1824 = arith.addi %mul3A_1822, %add3A_1823 : i32
      %mul3A_1825 = arith.constant 2 : i32
      %mul3A_1826 = arith.muli %mul3A_1825, %add3A_1824 : i32
      %add3A_1827 = vector.broadcast %mul3A_1826 : i32 to vector<16xi32>
      %add3A_1828 = arith.addi %shift_right_logical3A_52, %add3A_1827 : vector<16xi32>
      %gather3A_1829 = tpu.vector_load_idx %arg5[%add3A_1828] : memref<512xi32, #tpu.memory_space<vmem>>[vector<16xi32>], vector<16xi32>,
      %abs3A_1830 = math.absi %gather3A_1829 : vector<16xi32>
      %shift_right_logical3A_1831 = arith.shrui %abs3A_1830, %shift_left3A_57 : vector<16xi32>
      %and3A_1832 = arith.constant 255 : i32
      %and3A_1833 = vector.broadcast %and3A_1832 : i32 to vector<16xi32>
      %and3A_1834 = arith.andi %shift_right_logical3A_1831, %and3A_1833 : vector<16xi32>
      %add3A_1835 = arith.addi %shift_left3A_63, %and3A_1834 : vector<16xi32>
      %swap3A_1836 = arith.index_cast %scan3A_1750 : i32 to index
      %swap3A_1837 = arith.constant 64 : index
      %swap3A_1838 = tpu.vector_load %arg6[%swap3A_1836, %swap3A_1837] {strides = array<i32>} : memref<32x128xi32, #tpu.memory_space<vmem>>, vector<16xi32>,
      tpu.vector_store %arg6[%swap3A_1836, %swap3A_1837], %add3A_1835 {strides = array<i32>} : memref<32x128xi32, #tpu.memory_space<vmem>>, vector<16xi32>,
      %mul3A_1839 = arith.constant 8 : i32
      %mul3A_1840 = arith.muli %scan3A_1750, %mul3A_1839 : i32
      %add3A_1841 = arith.constant 5 : i32
      %add3A_1842 = arith.addi %mul3A_1840, %add3A_1841 : i32
      %mul3A_1843 = arith.constant 2 : i32
      %mul3A_1844 = arith.muli %mul3A_1843, %add3A_1842 : i32
      %add3A_1845 = vector.broadcast %mul3A_1844 : i32 to vector<16xi32>
      %add3A_1846 = arith.addi %shift_right_logical3A_52, %add3A_1845 : vector<16xi32>
      %gather3A_1847 = tpu.vector_load_idx %arg5[%add3A_1846] : memref<512xi32, #tpu.memory_space<vmem>>[vector<16xi32>], vector<16xi32>,
      %abs3A_1848 = math.absi %gather3A_1847 : vector<16xi32>
      %shift_right_logical3A_1849 = arith.shrui %abs3A_1848, %shift_left3A_57 : vector<16xi32>
      %and3A_1850 = arith.constant 255 : i32
      %and3A_1851 = vector.broadcast %and3A_1850 : i32 to vector<16xi32>
      %and3A_1852 = arith.andi %shift_right_logical3A_1849, %and3A_1851 : vector<16xi32>
      %add3A_1853 = arith.addi %shift_left3A_63, %and3A_1852 : vector<16xi32>
      %swap3A_1854 = arith.index_cast %scan3A_1750 : i32 to index
      %swap3A_1855 = arith.constant 80 : index
      %swap3A_1856 = tpu.vector_load %arg6[%swap3A_1854, %swap3A_1855] {strides = array<i32>} : memref<32x128xi32, #tpu.memory_space<vmem>>, vector<16xi32>,
      tpu.vector_store %arg6[%swap3A_1854, %swap3A_1855], %add3A_1853 {strides = array<i32>} : memref<32x128xi32, #tpu.memory_space<vmem>>, vector<16xi32>,
      %mul3A_1857 = arith.constant 8 : i32
      %mul3A_1858 = arith.muli %scan3A_1750, %mul3A_1857 : i32
      %add3A_1859 = arith.constant 6 : i32
      %add3A_1860 = arith.addi %mul3A_1858, %add3A_1859 : i32
      %mul3A_1861 = arith.constant 2 : i32
      %mul3A_1862 = arith.muli %mul3A_1861, %add3A_1860 : i32
      %add3A_1863 = vector.broadcast %mul3A_1862 : i32 to vector<16xi32>
      %add3A_1864 = arith.addi %shift_right_logical3A_52, %add3A_1863 : vector<16xi32>
      %gather3A_1865 = tpu.vector_load_idx %arg5[%add3A_1864] : memref<512xi32, #tpu.memory_space<vmem>>[vector<16xi32>], vector<16xi32>,
      %abs3A_1866 = math.absi %gather3A_1865 : vector<16xi32>
      %shift_right_logical3A_1867 = arith.shrui %abs3A_1866, %shift_left3A_57 : vector<16xi32>
      %and3A_1868 = arith.constant 255 : i32
      %and3A_1869 = vector.broadcast %and3A_1868 : i32 to vector<16xi32>
      %and3A_1870 = arith.andi %shift_right_logical3A_1867, %and3A_1869 : vector<16xi32>
      %add3A_1871 = arith.addi %shift_left3A_63, %and3A_1870 : vector<16xi32>
      %swap3A_1872 = arith.index_cast %scan3A_1750 : i32 to index
      %swap3A_1873 = arith.constant 96 : index
      %swap3A_1874 = tpu.vector_load %arg6[%swap3A_1872, %swap3A_1873] {strides = array<i32>} : memref<32x128xi32, #tpu.memory_space<vmem>>, vector<16xi32>,
      tpu.vector_store %arg6[%swap3A_1872, %swap3A_1873], %add3A_1871 {strides = array<i32>} : memref<32x128xi32, #tpu.memory_space<vmem>>, vector<16xi32>,
      %mul3A_1875 = arith.constant 8 : i32
      %mul3A_1876 = arith.muli %scan3A_1750, %mul3A_1875 : i32
      %add3A_1877 = arith.constant 7 : i32
      %add3A_1878 = arith.addi %mul3A_1876, %add3A_1877 : i32
      %mul3A_1879 = arith.constant 2 : i32
      %mul3A_1880 = arith.muli %mul3A_1879, %add3A_1878 : i32
      %add3A_1881 = vector.broadcast %mul3A_1880 : i32 to vector<16xi32>
      %add3A_1882 = arith.addi %shift_right_logical3A_52, %add3A_1881 : vector<16xi32>
      %gather3A_1883 = tpu.vector_load_idx %arg5[%add3A_1882] : memref<512xi32, #tpu.memory_space<vmem>>[vector<16xi32>], vector<16xi32>,
      %abs3A_1884 = math.absi %gather3A_1883 : vector<16xi32>
      %shift_right_logical3A_1885 = arith.shrui %abs3A_1884, %shift_left3A_57 : vector<16xi32>
      %and3A_1886 = arith.constant 255 : i32
      %and3A_1887 = vector.broadcast %and3A_1886 : i32 to vector<16xi32>
      %and3A_1888 = arith.andi %shift_right_logical3A_1885, %and3A_1887 : vector<16xi32>
      %add3A_1889 = arith.addi %shift_left3A_63, %and3A_1888 : vector<16xi32>
      %swap3A_1890 = arith.index_cast %scan3A_1750 : i32 to index
      %swap3A_1891 = arith.constant 112 : index
      %swap3A_1892 = tpu.vector_load %arg6[%swap3A_1890, %swap3A_1891] {strides = array<i32>} : memref<32x128xi32, #tpu.memory_space<vmem>>, vector<16xi32>,
      tpu.vector_store %arg6[%swap3A_1890, %swap3A_1891], %add3A_1889 {strides = array<i32>} : memref<32x128xi32, #tpu.memory_space<vmem>>, vector<16xi32>,
      %scan3A_1893 = arith.constant 0 : i32
      scf.yield %scan3A_1893 : i32
    }
    %scan3A_69 = arith.constant 32 : i32
    %dma_wait3A = arith.constant 0 : i32
    %dma_wait3A_70 = arith.constant 0 : i32
    %dma_wait3A_71 = arith.constant 0 : i32
    %dma_wait3A_72 = tpu.memref_slice %arg7[%dma_wait3A, %dma_wait3A_70, %dma_wait3A_71] : memref<8x128x64xf32, #tpu.memory_space<vmem>> -> memref<1x128x64xf32, #tpu.memory_space<vmem>>
    %dma_wait3A_73 = tpu.memref_squeeze %dma_wait3A_72 : memref<1x128x64xf32, #tpu.memory_space<vmem>> -> memref<128x64xf32, #tpu.memory_space<vmem>>
    %dma_wait3A_74 = arith.constant 0 : i32
    %dma_wait3A_75 = tpu.memref_slice %arg3[%select_n3A, %mul3A_36, %dma_wait3A_74] : memref<8x256x64xf32, #tpu.memory_space<hbm>> -> memref<1x128x64xf32, #tpu.memory_space<hbm>>
    %dma_wait3A_76 = tpu.memref_squeeze %dma_wait3A_75 : memref<1x128x64xf32, #tpu.memory_space<hbm>> -> memref<128x64xf32, #tpu.memory_space<hbm>>
    %dma_wait3A_77 = arith.constant 0 : i32
    %dma_wait3A_78 = arith.constant 0 : i32
    %dma_wait3A_79 = tpu.memref_slice %arg7[%dma_wait3A, %dma_wait3A_77, %dma_wait3A_78] : memref<8x128x64xf32, #tpu.memory_space<vmem>> -> memref<1x128x64xf32, #tpu.memory_space<vmem>>
    %dma_wait3A_80 = tpu.memref_squeeze %dma_wait3A_79 : memref<1x128x64xf32, #tpu.memory_space<vmem>> -> memref<128x64xf32, #tpu.memory_space<vmem>>
    %dma_wait3A_81 = arith.constant 0 : i32
    %dma_wait3A_82 = tpu.memref_slice %arg3[%select_n3A, %mul3A_36, %dma_wait3A_81] : memref<8x256x64xf32, #tpu.memory_space<hbm>> -> memref<1x128x64xf32, #tpu.memory_space<hbm>>
    %dma_wait3A_83 = tpu.memref_squeeze %dma_wait3A_82 : memref<1x128x64xf32, #tpu.memory_space<hbm>> -> memref<128x64xf32, #tpu.memory_space<hbm>>
    tpu.wait_dma2 semaphore(%arg9 : memref<!tpu.dma_semaphore, #tpu.memory_space<semaphore_mem>>) src(%dma_wait3A_83 : memref<128x64xf32, #tpu.memory_space<hbm>>) dst(%dma_wait3A_80 : memref<128x64xf32, #tpu.memory_space<vmem>>)
    %mul3A_84 = arith.constant 128 : i32
    %mul3A_85 = arith.muli %arg1, %mul3A_84 : i32
    %run_scoped3A = arith.constant 0 : i32
    "tpu.region"() ({
      %run_scoped3A_1750 = tpu.sem_alloc : memref<!tpu.dma_semaphore, #tpu.memory_space<semaphore_mem>>
      %dma_start3A_1751 = arith.constant 0 : i32
      %dma_start3A_1752 = arith.constant 0 : i32
      %dma_start3A_1753 = tpu.memref_slice %arg7[%run_scoped3A, %dma_start3A_1751, %dma_start3A_1752] : memref<8x128x64xf32, #tpu.memory_space<vmem>> -> memref<1x128x64xf32, #tpu.memory_space<vmem>>
      %dma_start3A_1754 = tpu.memref_squeeze %dma_start3A_1753 : memref<1x128x64xf32, #tpu.memory_space<vmem>> -> memref<128x64xf32, #tpu.memory_space<vmem>>
      %dma_start3A_1755 = arith.constant 0 : i32
      %dma_start3A_1756 = tpu.memref_slice %arg8[%mul3A_85, %dma_start3A_1755] : memref<2048x64xf32, #tpu.memory_space<vmem_shared>> -> memref<128x64xf32, #tpu.memory_space<vmem_shared>>
      %dma_start3A_1757 = arith.constant 0 : i32
      %dma_start3A_1758 = tpu.memref_slice %arg8[%mul3A_85, %dma_start3A_1757] : memref<2048x64xf32, #tpu.memory_space<vmem_shared>> -> memref<128x64xf32, #tpu.memory_space<vmem_shared>>
      %dma_start3A_1759 = arith.constant 0 : i32
      %dma_start3A_1760 = arith.constant 0 : i32
      %dma_start3A_1761 = tpu.memref_slice %arg7[%run_scoped3A, %dma_start3A_1759, %dma_start3A_1760] : memref<8x128x64xf32, #tpu.memory_space<vmem>> -> memref<1x128x64xf32, #tpu.memory_space<vmem>>
      %dma_start3A_1762 = tpu.memref_squeeze %dma_start3A_1761 : memref<1x128x64xf32, #tpu.memory_space<vmem>> -> memref<128x64xf32, #tpu.memory_space<vmem>>
      tpu.enqueue_dma source(%dma_start3A_1762 : memref<128x64xf32, #tpu.memory_space<vmem>>) target(%dma_start3A_1758 : memref<128x64xf32, #tpu.memory_space<vmem_shared>>) target_semaphore(%run_scoped3A_1750 : memref<!tpu.dma_semaphore, #tpu.memory_space<semaphore_mem>>)
      %dma_wait3A_1763 = arith.constant 0 : i32
      %dma_wait3A_1764 = arith.constant 0 : i32
      %dma_wait3A_1765 = tpu.memref_slice %arg7[%run_scoped3A, %dma_wait3A_1763, %dma_wait3A_1764] : memref<8x128x64xf32, #tpu.memory_space<vmem>> -> memref<1x128x64xf32, #tpu.memory_space<vmem>>
      %dma_wait3A_1766 = tpu.memref_squeeze %dma_wait3A_1765 : memref<1x128x64xf32, #tpu.memory_space<vmem>> -> memref<128x64xf32, #tpu.memory_space<vmem>>
      %dma_wait3A_1767 = arith.constant 0 : i32
      %dma_wait3A_1768 = tpu.memref_slice %arg8[%mul3A_85, %dma_wait3A_1767] : memref<2048x64xf32, #tpu.memory_space<vmem_shared>> -> memref<128x64xf32, #tpu.memory_space<vmem_shared>>
      %dma_wait3A_1769 = arith.constant 0 : i32
      %dma_wait3A_1770 = tpu.memref_slice %arg8[%mul3A_85, %dma_wait3A_1769] : memref<2048x64xf32, #tpu.memory_space<vmem_shared>> -> memref<128x64xf32, #tpu.memory_space<vmem_shared>>
      %dma_wait3A_1771 = arith.constant 0 : i32
      %dma_wait3A_1772 = arith.constant 0 : i32
      %dma_wait3A_1773 = tpu.memref_slice %arg7[%run_scoped3A, %dma_wait3A_1771, %dma_wait3A_1772] : memref<8x128x64xf32, #tpu.memory_space<vmem>> -> memref<1x128x64xf32, #tpu.memory_space<vmem>>
      %dma_wait3A_1774 = tpu.memref_squeeze %dma_wait3A_1773 : memref<1x128x64xf32, #tpu.memory_space<vmem>> -> memref<128x64xf32, #tpu.memory_space<vmem>>
      tpu.wait_dma2 semaphore(%run_scoped3A_1750 : memref<!tpu.dma_semaphore, #tpu.memory_space<semaphore_mem>>) src(%dma_wait3A_1774 : memref<128x64xf32, #tpu.memory_space<vmem>>) dst(%dma_wait3A_1770 : memref<128x64xf32, #tpu.memory_space<vmem_shared>>)
      tpu.yield
    }) : () -> ()
    %barrier3A = arith.constant 0 : index
    tpu.barrier barrier_id(%barrier3A)
    %dma_start3A_86 = arith.constant 0 : i32
    %dma_start3A_87 = arith.constant 0 : i32
    %dma_start3A_88 = arith.constant 0 : i32
    %dma_start3A_89 = arith.constant 0 : i32
    %dma_start3A_90 = tpu.memref_slice %arg7[%dma_start3A_87, %dma_start3A_88, %dma_start3A_89] : memref<8x128x64xf32, #tpu.memory_space<vmem>> -> memref<1x128x64xf32, #tpu.memory_space<vmem>>
    %dma_start3A_91 = tpu.memref_squeeze %dma_start3A_90 : memref<1x128x64xf32, #tpu.memory_space<vmem>> -> memref<128x64xf32, #tpu.memory_space<vmem>>
    %dma_start3A_92 = arith.constant 0 : i32
    %dma_start3A_93 = tpu.memref_slice %arg6[%dma_start3A_86, %dma_start3A_92] : memref<32x128xi32, #tpu.memory_space<vmem>> -> memref<1x128xi32, #tpu.memory_space<vmem>>
    %dma_start3A_94 = tpu.memref_squeeze %dma_start3A_93 : memref<1x128xi32, #tpu.memory_space<vmem>> -> memref<128xi32, #tpu.memory_space<vmem>>
    %dma_start3A_95 = arith.constant 0 : i32
    %dma_start3A_96 = arith.constant 0 : i32
    %dma_start3A_97 = tpu.memref_slice %arg8[%dma_start3A_95, %dma_start3A_96] : memref<2048x64xf32, #tpu.memory_space<vmem_shared>> -> memref<2048x64xf32, #tpu.memory_space<vmem_shared>>
    tpu.enqueue_indirect_dma source(%dma_start3A_97 : memref<2048x64xf32, #tpu.memory_space<vmem_shared>>) target(%dma_start3A_91 : memref<128x64xf32, #tpu.memory_space<vmem>>) offsets(%dma_start3A_94 : memref<128xi32, #tpu.memory_space<vmem>>) semaphore(%arg9 : memref<!tpu.dma_semaphore, #tpu.memory_space<semaphore_mem>>)
    %dma_start3A_98 = arith.constant 1 : i32
    %dma_start3A_99 = arith.constant 1 : i32
    %dma_start3A_100 = arith.constant 0 : i32
    %dma_start3A_101 = arith.constant 0 : i32
    %dma_start3A_102 = tpu.memref_slice %arg7[%dma_start3A_99, %dma_start3A_100, %dma_start3A_101] : memref<8x128x64xf32, #tpu.memory_space<vmem>> -> memref<1x128x64xf32, #tpu.memory_space<vmem>>
    %dma_start3A_103 = tpu.memref_squeeze %dma_start3A_102 : memref<1x128x64xf32, #tpu.memory_space<vmem>> -> memref<128x64xf32, #tpu.memory_space<vmem>>
    %dma_start3A_104 = arith.constant 0 : i32
    %dma_start3A_105 = tpu.memref_slice %arg6[%dma_start3A_98, %dma_start3A_104] : memref<32x128xi32, #tpu.memory_space<vmem>> -> memref<1x128xi32, #tpu.memory_space<vmem>>
    %dma_start3A_106 = tpu.memref_squeeze %dma_start3A_105 : memref<1x128xi32, #tpu.memory_space<vmem>> -> memref<128xi32, #tpu.memory_space<vmem>>
    %dma_start3A_107 = arith.constant 0 : i32
    %dma_start3A_108 = arith.constant 0 : i32
    %dma_start3A_109 = tpu.memref_slice %arg8[%dma_start3A_107, %dma_start3A_108] : memref<2048x64xf32, #tpu.memory_space<vmem_shared>> -> memref<2048x64xf32, #tpu.memory_space<vmem_shared>>
    tpu.enqueue_indirect_dma source(%dma_start3A_109 : memref<2048x64xf32, #tpu.memory_space<vmem_shared>>) target(%dma_start3A_103 : memref<128x64xf32, #tpu.memory_space<vmem>>) offsets(%dma_start3A_106 : memref<128xi32, #tpu.memory_space<vmem>>) semaphore(%arg10 : memref<!tpu.dma_semaphore, #tpu.memory_space<semaphore_mem>>)
    %dma_start3A_110 = arith.constant 2 : i32
    %dma_start3A_111 = arith.constant 2 : i32
    %dma_start3A_112 = arith.constant 0 : i32
    %dma_start3A_113 = arith.constant 0 : i32
    %dma_start3A_114 = tpu.memref_slice %arg7[%dma_start3A_111, %dma_start3A_112, %dma_start3A_113] : memref<8x128x64xf32, #tpu.memory_space<vmem>> -> memref<1x128x64xf32, #tpu.memory_space<vmem>>
    %dma_start3A_115 = tpu.memref_squeeze %dma_start3A_114 : memref<1x128x64xf32, #tpu.memory_space<vmem>> -> memref<128x64xf32, #tpu.memory_space<vmem>>
    %dma_start3A_116 = arith.constant 0 : i32
    %dma_start3A_117 = tpu.memref_slice %arg6[%dma_start3A_110, %dma_start3A_116] : memref<32x128xi32, #tpu.memory_space<vmem>> -> memref<1x128xi32, #tpu.memory_space<vmem>>
    %dma_start3A_118 = tpu.memref_squeeze %dma_start3A_117 : memref<1x128xi32, #tpu.memory_space<vmem>> -> memref<128xi32, #tpu.memory_space<vmem>>
    %dma_start3A_119 = arith.constant 0 : i32
    %dma_start3A_120 = arith.constant 0 : i32
    %dma_start3A_121 = tpu.memref_slice %arg8[%dma_start3A_119, %dma_start3A_120] : memref<2048x64xf32, #tpu.memory_space<vmem_shared>> -> memref<2048x64xf32, #tpu.memory_space<vmem_shared>>
    tpu.enqueue_indirect_dma source(%dma_start3A_121 : memref<2048x64xf32, #tpu.memory_space<vmem_shared>>) target(%dma_start3A_115 : memref<128x64xf32, #tpu.memory_space<vmem>>) offsets(%dma_start3A_118 : memref<128xi32, #tpu.memory_space<vmem>>) semaphore(%arg11 : memref<!tpu.dma_semaphore, #tpu.memory_space<semaphore_mem>>)
    %dma_start3A_122 = arith.constant 3 : i32
    %dma_start3A_123 = arith.constant 3 : i32
    %dma_start3A_124 = arith.constant 0 : i32
    %dma_start3A_125 = arith.constant 0 : i32
    %dma_start3A_126 = tpu.memref_slice %arg7[%dma_start3A_123, %dma_start3A_124, %dma_start3A_125] : memref<8x128x64xf32, #tpu.memory_space<vmem>> -> memref<1x128x64xf32, #tpu.memory_space<vmem>>
    %dma_start3A_127 = tpu.memref_squeeze %dma_start3A_126 : memref<1x128x64xf32, #tpu.memory_space<vmem>> -> memref<128x64xf32, #tpu.memory_space<vmem>>
    %dma_start3A_128 = arith.constant 0 : i32
    %dma_start3A_129 = tpu.memref_slice %arg6[%dma_start3A_122, %dma_start3A_128] : memref<32x128xi32, #tpu.memory_space<vmem>> -> memref<1x128xi32, #tpu.memory_space<vmem>>
    %dma_start3A_130 = tpu.memref_squeeze %dma_start3A_129 : memref<1x128xi32, #tpu.memory_space<vmem>> -> memref<128xi32, #tpu.memory_space<vmem>>
    %dma_start3A_131 = arith.constant 0 : i32
    %dma_start3A_132 = arith.constant 0 : i32
    %dma_start3A_133 = tpu.memref_slice %arg8[%dma_start3A_131, %dma_start3A_132] : memref<2048x64xf32, #tpu.memory_space<vmem_shared>> -> memref<2048x64xf32, #tpu.memory_space<vmem_shared>>
    tpu.enqueue_indirect_dma source(%dma_start3A_133 : memref<2048x64xf32, #tpu.memory_space<vmem_shared>>) target(%dma_start3A_127 : memref<128x64xf32, #tpu.memory_space<vmem>>) offsets(%dma_start3A_130 : memref<128xi32, #tpu.memory_space<vmem>>) semaphore(%arg12 : memref<!tpu.dma_semaphore, #tpu.memory_space<semaphore_mem>>)
    %dma_start3A_134 = arith.constant 4 : i32
    %dma_start3A_135 = arith.constant 4 : i32
    %dma_start3A_136 = arith.constant 0 : i32
    %dma_start3A_137 = arith.constant 0 : i32
    %dma_start3A_138 = tpu.memref_slice %arg7[%dma_start3A_135, %dma_start3A_136, %dma_start3A_137] : memref<8x128x64xf32, #tpu.memory_space<vmem>> -> memref<1x128x64xf32, #tpu.memory_space<vmem>>
    %dma_start3A_139 = tpu.memref_squeeze %dma_start3A_138 : memref<1x128x64xf32, #tpu.memory_space<vmem>> -> memref<128x64xf32, #tpu.memory_space<vmem>>
    %dma_start3A_140 = arith.constant 0 : i32
    %dma_start3A_141 = tpu.memref_slice %arg6[%dma_start3A_134, %dma_start3A_140] : memref<32x128xi32, #tpu.memory_space<vmem>> -> memref<1x128xi32, #tpu.memory_space<vmem>>
    %dma_start3A_142 = tpu.memref_squeeze %dma_start3A_141 : memref<1x128xi32, #tpu.memory_space<vmem>> -> memref<128xi32, #tpu.memory_space<vmem>>
    %dma_start3A_143 = arith.constant 0 : i32
    %dma_start3A_144 = arith.constant 0 : i32
    %dma_start3A_145 = tpu.memref_slice %arg8[%dma_start3A_143, %dma_start3A_144] : memref<2048x64xf32, #tpu.memory_space<vmem_shared>> -> memref<2048x64xf32, #tpu.memory_space<vmem_shared>>
    tpu.enqueue_indirect_dma source(%dma_start3A_145 : memref<2048x64xf32, #tpu.memory_space<vmem_shared>>) target(%dma_start3A_139 : memref<128x64xf32, #tpu.memory_space<vmem>>) offsets(%dma_start3A_142 : memref<128xi32, #tpu.memory_space<vmem>>) semaphore(%arg13 : memref<!tpu.dma_semaphore, #tpu.memory_space<semaphore_mem>>)
    %dma_wait3A_146 = arith.constant 0 : i32
    %dma_wait3A_147 = arith.constant 0 : i32
    %dma_wait3A_148 = arith.constant 0 : i32
    %dma_wait3A_149 = arith.constant 0 : i32
    %dma_wait3A_150 = tpu.memref_slice %arg7[%dma_wait3A_147, %dma_wait3A_148, %dma_wait3A_149] : memref<8x128x64xf32, #tpu.memory_space<vmem>> -> memref<1x128x64xf32, #tpu.memory_space<vmem>>
    %dma_wait3A_151 = tpu.memref_squeeze %dma_wait3A_150 : memref<1x128x64xf32, #tpu.memory_space<vmem>> -> memref<128x64xf32, #tpu.memory_space<vmem>>
    %dma_wait3A_152 = arith.constant 0 : i32
    %dma_wait3A_153 = tpu.memref_slice %arg6[%dma_wait3A_146, %dma_wait3A_152] : memref<32x128xi32, #tpu.memory_space<vmem>> -> memref<1x128xi32, #tpu.memory_space<vmem>>
    %dma_wait3A_154 = tpu.memref_squeeze %dma_wait3A_153 : memref<1x128xi32, #tpu.memory_space<vmem>> -> memref<128xi32, #tpu.memory_space<vmem>>
    %dma_wait3A_155 = arith.constant 0 : i32
    %dma_wait3A_156 = arith.constant 0 : i32
    %dma_wait3A_157 = tpu.memref_slice %arg8[%dma_wait3A_155, %dma_wait3A_156] : memref<2048x64xf32, #tpu.memory_space<vmem_shared>> -> memref<2048x64xf32, #tpu.memory_space<vmem_shared>>
    tpu.wait_indirect_dma semaphore(%arg9 : memref<!tpu.dma_semaphore, #tpu.memory_space<semaphore_mem>>) src(%dma_wait3A_157 : memref<2048x64xf32, #tpu.memory_space<vmem_shared>>) dst(%dma_wait3A_151 : memref<128x64xf32, #tpu.memory_space<vmem>>)
    %add3A_158 = arith.constant 0 : i32
    %add3A_159 = arith.addi %mul3A_4, %add3A_158 : i32
    %dma_start3A_160 = arith.constant 0 : i32
    %dma_start3A_161 = arith.constant 0 : i32
    %dma_start3A_162 = arith.constant 0 : i32
    %dma_start3A_163 = tpu.memref_slice %arg7[%dma_start3A_160, %dma_start3A_161, %dma_start3A_162] : memref<8x128x64xf32, #tpu.memory_space<vmem>> -> memref<1x128x64xf32, #tpu.memory_space<vmem>>
    %dma_start3A_164 = tpu.memref_squeeze %dma_start3A_163 : memref<1x128x64xf32, #tpu.memory_space<vmem>> -> memref<128x64xf32, #tpu.memory_space<vmem>>
    %dma_start3A_165 = arith.constant 0 : i32
    %dma_start3A_166 = tpu.memref_slice %arg4[%add3A_159, %dma_start3A_165] : memref<131072x64xf32, #tpu.memory_space<hbm>> -> memref<128x64xf32, #tpu.memory_space<hbm>>
    %dma_start3A_167 = arith.constant 0 : i32
    %dma_start3A_168 = tpu.memref_slice %arg4[%add3A_159, %dma_start3A_167] : memref<131072x64xf32, #tpu.memory_space<hbm>> -> memref<128x64xf32, #tpu.memory_space<hbm>>
    %dma_start3A_169 = arith.constant 0 : i32
    %dma_start3A_170 = arith.constant 0 : i32
    %dma_start3A_171 = tpu.memref_slice %arg7[%dma_start3A_160, %dma_start3A_169, %dma_start3A_170] : memref<8x128x64xf32, #tpu.memory_space<vmem>> -> memref<1x128x64xf32, #tpu.memory_space<vmem>>
    %dma_start3A_172 = tpu.memref_squeeze %dma_start3A_171 : memref<1x128x64xf32, #tpu.memory_space<vmem>> -> memref<128x64xf32, #tpu.memory_space<vmem>>
    tpu.enqueue_dma source(%dma_start3A_172 : memref<128x64xf32, #tpu.memory_space<vmem>>) target(%dma_start3A_168 : memref<128x64xf32, #tpu.memory_space<hbm>>) target_semaphore(%arg17 : memref<!tpu.dma_semaphore, #tpu.memory_space<semaphore_mem>>)
    %dma_start3A_173 = arith.constant 5 : i32
    %dma_start3A_174 = arith.constant 5 : i32
    %dma_start3A_175 = arith.constant 0 : i32
    %dma_start3A_176 = arith.constant 0 : i32
    %dma_start3A_177 = tpu.memref_slice %arg7[%dma_start3A_174, %dma_start3A_175, %dma_start3A_176] : memref<8x128x64xf32, #tpu.memory_space<vmem>> -> memref<1x128x64xf32, #tpu.memory_space<vmem>>
    %dma_start3A_178 = tpu.memref_squeeze %dma_start3A_177 : memref<1x128x64xf32, #tpu.memory_space<vmem>> -> memref<128x64xf32, #tpu.memory_space<vmem>>
    %dma_start3A_179 = arith.constant 0 : i32
    %dma_start3A_180 = tpu.memref_slice %arg6[%dma_start3A_173, %dma_start3A_179] : memref<32x128xi32, #tpu.memory_space<vmem>> -> memref<1x128xi32, #tpu.memory_space<vmem>>
    %dma_start3A_181 = tpu.memref_squeeze %dma_start3A_180 : memref<1x128xi32, #tpu.memory_space<vmem>> -> memref<128xi32, #tpu.memory_space<vmem>>
    %dma_start3A_182 = arith.constant 0 : i32
    %dma_start3A_183 = arith.constant 0 : i32
    %dma_start3A_184 = tpu.memref_slice %arg8[%dma_start3A_182, %dma_start3A_183] : memref<2048x64xf32, #tpu.memory_space<vmem_shared>> -> memref<2048x64xf32, #tpu.memory_space<vmem_shared>>
    tpu.enqueue_indirect_dma source(%dma_start3A_184 : memref<2048x64xf32, #tpu.memory_space<vmem_shared>>) target(%dma_start3A_178 : memref<128x64xf32, #tpu.memory_space<vmem>>) offsets(%dma_start3A_181 : memref<128xi32, #tpu.memory_space<vmem>>) semaphore(%arg14 : memref<!tpu.dma_semaphore, #tpu.memory_space<semaphore_mem>>)
    %dma_wait3A_185 = arith.constant 1 : i32
    %dma_wait3A_186 = arith.constant 1 : i32
    %dma_wait3A_187 = arith.constant 0 : i32
    %dma_wait3A_188 = arith.constant 0 : i32
    %dma_wait3A_189 = tpu.memref_slice %arg7[%dma_wait3A_186, %dma_wait3A_187, %dma_wait3A_188] : memref<8x128x64xf32, #tpu.memory_space<vmem>> -> memref<1x128x64xf32, #tpu.memory_space<vmem>>
    %dma_wait3A_190 = tpu.memref_squeeze %dma_wait3A_189 : memref<1x128x64xf32, #tpu.memory_space<vmem>> -> memref<128x64xf32, #tpu.memory_space<vmem>>
    %dma_wait3A_191 = arith.constant 0 : i32
    %dma_wait3A_192 = tpu.memref_slice %arg6[%dma_wait3A_185, %dma_wait3A_191] : memref<32x128xi32, #tpu.memory_space<vmem>> -> memref<1x128xi32, #tpu.memory_space<vmem>>
    %dma_wait3A_193 = tpu.memref_squeeze %dma_wait3A_192 : memref<1x128xi32, #tpu.memory_space<vmem>> -> memref<128xi32, #tpu.memory_space<vmem>>
    %dma_wait3A_194 = arith.constant 0 : i32
    %dma_wait3A_195 = arith.constant 0 : i32
    %dma_wait3A_196 = tpu.memref_slice %arg8[%dma_wait3A_194, %dma_wait3A_195] : memref<2048x64xf32, #tpu.memory_space<vmem_shared>> -> memref<2048x64xf32, #tpu.memory_space<vmem_shared>>
    tpu.wait_indirect_dma semaphore(%arg10 : memref<!tpu.dma_semaphore, #tpu.memory_space<semaphore_mem>>) src(%dma_wait3A_196 : memref<2048x64xf32, #tpu.memory_space<vmem_shared>>) dst(%dma_wait3A_190 : memref<128x64xf32, #tpu.memory_space<vmem>>)
    %add3A_197 = arith.constant 128 : i32
    %add3A_198 = arith.addi %mul3A_4, %add3A_197 : i32
    %dma_start3A_199 = arith.constant 1 : i32
    %dma_start3A_200 = arith.constant 0 : i32
    %dma_start3A_201 = arith.constant 0 : i32
    %dma_start3A_202 = tpu.memref_slice %arg7[%dma_start3A_199, %dma_start3A_200, %dma_start3A_201] : memref<8x128x64xf32, #tpu.memory_space<vmem>> -> memref<1x128x64xf32, #tpu.memory_space<vmem>>
    %dma_start3A_203 = tpu.memref_squeeze %dma_start3A_202 : memref<1x128x64xf32, #tpu.memory_space<vmem>> -> memref<128x64xf32, #tpu.memory_space<vmem>>
    %dma_start3A_204 = arith.constant 0 : i32
    %dma_start3A_205 = tpu.memref_slice %arg4[%add3A_198, %dma_start3A_204] : memref<131072x64xf32, #tpu.memory_space<hbm>> -> memref<128x64xf32, #tpu.memory_space<hbm>>
    %dma_start3A_206 = arith.constant 0 : i32
    %dma_start3A_207 = tpu.memref_slice %arg4[%add3A_198, %dma_start3A_206] : memref<131072x64xf32, #tpu.memory_space<hbm>> -> memref<128x64xf32, #tpu.memory_space<hbm>>
    %dma_start3A_208 = arith.constant 0 : i32
    %dma_start3A_209 = arith.constant 0 : i32
    %dma_start3A_210 = tpu.memref_slice %arg7[%dma_start3A_199, %dma_start3A_208, %dma_start3A_209] : memref<8x128x64xf32, #tpu.memory_space<vmem>> -> memref<1x128x64xf32, #tpu.memory_space<vmem>>
    %dma_start3A_211 = tpu.memref_squeeze %dma_start3A_210 : memref<1x128x64xf32, #tpu.memory_space<vmem>> -> memref<128x64xf32, #tpu.memory_space<vmem>>
    tpu.enqueue_dma source(%dma_start3A_211 : memref<128x64xf32, #tpu.memory_space<vmem>>) target(%dma_start3A_207 : memref<128x64xf32, #tpu.memory_space<hbm>>) target_semaphore(%arg18 : memref<!tpu.dma_semaphore, #tpu.memory_space<semaphore_mem>>)
    %dma_start3A_212 = arith.constant 6 : i32
    %dma_start3A_213 = arith.constant 6 : i32
    %dma_start3A_214 = arith.constant 0 : i32
    %dma_start3A_215 = arith.constant 0 : i32
    %dma_start3A_216 = tpu.memref_slice %arg7[%dma_start3A_213, %dma_start3A_214, %dma_start3A_215] : memref<8x128x64xf32, #tpu.memory_space<vmem>> -> memref<1x128x64xf32, #tpu.memory_space<vmem>>
    %dma_start3A_217 = tpu.memref_squeeze %dma_start3A_216 : memref<1x128x64xf32, #tpu.memory_space<vmem>> -> memref<128x64xf32, #tpu.memory_space<vmem>>
    %dma_start3A_218 = arith.constant 0 : i32
    %dma_start3A_219 = tpu.memref_slice %arg6[%dma_start3A_212, %dma_start3A_218] : memref<32x128xi32, #tpu.memory_space<vmem>> -> memref<1x128xi32, #tpu.memory_space<vmem>>
    %dma_start3A_220 = tpu.memref_squeeze %dma_start3A_219 : memref<1x128xi32, #tpu.memory_space<vmem>> -> memref<128xi32, #tpu.memory_space<vmem>>
    %dma_start3A_221 = arith.constant 0 : i32
    %dma_start3A_222 = arith.constant 0 : i32
    %dma_start3A_223 = tpu.memref_slice %arg8[%dma_start3A_221, %dma_start3A_222] : memref<2048x64xf32, #tpu.memory_space<vmem_shared>> -> memref<2048x64xf32, #tpu.memory_space<vmem_shared>>
    tpu.enqueue_indirect_dma source(%dma_start3A_223 : memref<2048x64xf32, #tpu.memory_space<vmem_shared>>) target(%dma_start3A_217 : memref<128x64xf32, #tpu.memory_space<vmem>>) offsets(%dma_start3A_220 : memref<128xi32, #tpu.memory_space<vmem>>) semaphore(%arg15 : memref<!tpu.dma_semaphore, #tpu.memory_space<semaphore_mem>>)
    %dma_wait3A_224 = arith.constant 2 : i32
    %dma_wait3A_225 = arith.constant 2 : i32
    %dma_wait3A_226 = arith.constant 0 : i32
    %dma_wait3A_227 = arith.constant 0 : i32
    %dma_wait3A_228 = tpu.memref_slice %arg7[%dma_wait3A_225, %dma_wait3A_226, %dma_wait3A_227] : memref<8x128x64xf32, #tpu.memory_space<vmem>> -> memref<1x128x64xf32, #tpu.memory_space<vmem>>
    %dma_wait3A_229 = tpu.memref_squeeze %dma_wait3A_228 : memref<1x128x64xf32, #tpu.memory_space<vmem>> -> memref<128x64xf32, #tpu.memory_space<vmem>>
    %dma_wait3A_230 = arith.constant 0 : i32
    %dma_wait3A_231 = tpu.memref_slice %arg6[%dma_wait3A_224, %dma_wait3A_230] : memref<32x128xi32, #tpu.memory_space<vmem>> -> memref<1x128xi32, #tpu.memory_space<vmem>>
    %dma_wait3A_232 = tpu.memref_squeeze %dma_wait3A_231 : memref<1x128xi32, #tpu.memory_space<vmem>> -> memref<128xi32, #tpu.memory_space<vmem>>
    %dma_wait3A_233 = arith.constant 0 : i32
    %dma_wait3A_234 = arith.constant 0 : i32
    %dma_wait3A_235 = tpu.memref_slice %arg8[%dma_wait3A_233, %dma_wait3A_234] : memref<2048x64xf32, #tpu.memory_space<vmem_shared>> -> memref<2048x64xf32, #tpu.memory_space<vmem_shared>>
    tpu.wait_indirect_dma semaphore(%arg11 : memref<!tpu.dma_semaphore, #tpu.memory_space<semaphore_mem>>) src(%dma_wait3A_235 : memref<2048x64xf32, #tpu.memory_space<vmem_shared>>) dst(%dma_wait3A_229 : memref<128x64xf32, #tpu.memory_space<vmem>>)
    %add3A_236 = arith.constant 256 : i32
    %add3A_237 = arith.addi %mul3A_4, %add3A_236 : i32
    %dma_start3A_238 = arith.constant 2 : i32
    %dma_start3A_239 = arith.constant 0 : i32
    %dma_start3A_240 = arith.constant 0 : i32
    %dma_start3A_241 = tpu.memref_slice %arg7[%dma_start3A_238, %dma_start3A_239, %dma_start3A_240] : memref<8x128x64xf32, #tpu.memory_space<vmem>> -> memref<1x128x64xf32, #tpu.memory_space<vmem>>
    %dma_start3A_242 = tpu.memref_squeeze %dma_start3A_241 : memref<1x128x64xf32, #tpu.memory_space<vmem>> -> memref<128x64xf32, #tpu.memory_space<vmem>>
    %dma_start3A_243 = arith.constant 0 : i32
    %dma_start3A_244 = tpu.memref_slice %arg4[%add3A_237, %dma_start3A_243] : memref<131072x64xf32, #tpu.memory_space<hbm>> -> memref<128x64xf32, #tpu.memory_space<hbm>>
    %dma_start3A_245 = arith.constant 0 : i32
    %dma_start3A_246 = tpu.memref_slice %arg4[%add3A_237, %dma_start3A_245] : memref<131072x64xf32, #tpu.memory_space<hbm>> -> memref<128x64xf32, #tpu.memory_space<hbm>>
    %dma_start3A_247 = arith.constant 0 : i32
    %dma_start3A_248 = arith.constant 0 : i32
    %dma_start3A_249 = tpu.memref_slice %arg7[%dma_start3A_238, %dma_start3A_247, %dma_start3A_248] : memref<8x128x64xf32, #tpu.memory_space<vmem>> -> memref<1x128x64xf32, #tpu.memory_space<vmem>>
    %dma_start3A_250 = tpu.memref_squeeze %dma_start3A_249 : memref<1x128x64xf32, #tpu.memory_space<vmem>> -> memref<128x64xf32, #tpu.memory_space<vmem>>
    tpu.enqueue_dma source(%dma_start3A_250 : memref<128x64xf32, #tpu.memory_space<vmem>>) target(%dma_start3A_246 : memref<128x64xf32, #tpu.memory_space<hbm>>) target_semaphore(%arg19 : memref<!tpu.dma_semaphore, #tpu.memory_space<semaphore_mem>>)
    %dma_start3A_251 = arith.constant 7 : i32
    %dma_start3A_252 = arith.constant 7 : i32
    %dma_start3A_253 = arith.constant 0 : i32
    %dma_start3A_254 = arith.constant 0 : i32
    %dma_start3A_255 = tpu.memref_slice %arg7[%dma_start3A_252, %dma_start3A_253, %dma_start3A_254] : memref<8x128x64xf32, #tpu.memory_space<vmem>> -> memref<1x128x64xf32, #tpu.memory_space<vmem>>
    %dma_start3A_256 = tpu.memref_squeeze %dma_start3A_255 : memref<1x128x64xf32, #tpu.memory_space<vmem>> -> memref<128x64xf32, #tpu.memory_space<vmem>>
    %dma_start3A_257 = arith.constant 0 : i32
    %dma_start3A_258 = tpu.memref_slice %arg6[%dma_start3A_251, %dma_start3A_257] : memref<32x128xi32, #tpu.memory_space<vmem>> -> memref<1x128xi32, #tpu.memory_space<vmem>>
    %dma_start3A_259 = tpu.memref_squeeze %dma_start3A_258 : memref<1x128xi32, #tpu.memory_space<vmem>> -> memref<128xi32, #tpu.memory_space<vmem>>
    %dma_start3A_260 = arith.constant 0 : i32
    %dma_start3A_261 = arith.constant 0 : i32
    %dma_start3A_262 = tpu.memref_slice %arg8[%dma_start3A_260, %dma_start3A_261] : memref<2048x64xf32, #tpu.memory_space<vmem_shared>> -> memref<2048x64xf32, #tpu.memory_space<vmem_shared>>
    tpu.enqueue_indirect_dma source(%dma_start3A_262 : memref<2048x64xf32, #tpu.memory_space<vmem_shared>>) target(%dma_start3A_256 : memref<128x64xf32, #tpu.memory_space<vmem>>) offsets(%dma_start3A_259 : memref<128xi32, #tpu.memory_space<vmem>>) semaphore(%arg16 : memref<!tpu.dma_semaphore, #tpu.memory_space<semaphore_mem>>)
    %dma_wait3A_263 = arith.constant 3 : i32
    %dma_wait3A_264 = arith.constant 3 : i32
    %dma_wait3A_265 = arith.constant 0 : i32
    %dma_wait3A_266 = arith.constant 0 : i32
    %dma_wait3A_267 = tpu.memref_slice %arg7[%dma_wait3A_264, %dma_wait3A_265, %dma_wait3A_266] : memref<8x128x64xf32, #tpu.memory_space<vmem>> -> memref<1x128x64xf32, #tpu.memory_space<vmem>>
    %dma_wait3A_268 = tpu.memref_squeeze %dma_wait3A_267 : memref<1x128x64xf32, #tpu.memory_space<vmem>> -> memref<128x64xf32, #tpu.memory_space<vmem>>
    %dma_wait3A_269 = arith.constant 0 : i32
    %dma_wait3A_270 = tpu.memref_slice %arg6[%dma_wait3A_263, %dma_wait3A_269] : memref<32x128xi32, #tpu.memory_space<vmem>> -> memref<1x128xi32, #tpu.memory_space<vmem>>
    %dma_wait3A_271 = tpu.memref_squeeze %dma_wait3A_270 : memref<1x128xi32, #tpu.memory_space<vmem>> -> memref<128xi32, #tpu.memory_space<vmem>>
    %dma_wait3A_272 = arith.constant 0 : i32
    %dma_wait3A_273 = arith.constant 0 : i32
    %dma_wait3A_274 = tpu.memref_slice %arg8[%dma_wait3A_272, %dma_wait3A_273] : memref<2048x64xf32, #tpu.memory_space<vmem_shared>> -> memref<2048x64xf32, #tpu.memory_space<vmem_shared>>
    tpu.wait_indirect_dma semaphore(%arg12 : memref<!tpu.dma_semaphore, #tpu.memory_space<semaphore_mem>>) src(%dma_wait3A_274 : memref<2048x64xf32, #tpu.memory_space<vmem_shared>>) dst(%dma_wait3A_268 : memref<128x64xf32, #tpu.memory_space<vmem>>)
    %add3A_275 = arith.constant 384 : i32
    %add3A_276 = arith.addi %mul3A_4, %add3A_275 : i32
    %dma_start3A_277 = arith.constant 3 : i32
    %dma_start3A_278 = arith.constant 0 : i32
    %dma_start3A_279 = arith.constant 0 : i32
    %dma_start3A_280 = tpu.memref_slice %arg7[%dma_start3A_277, %dma_start3A_278, %dma_start3A_279] : memref<8x128x64xf32, #tpu.memory_space<vmem>> -> memref<1x128x64xf32, #tpu.memory_space<vmem>>
    %dma_start3A_281 = tpu.memref_squeeze %dma_start3A_280 : memref<1x128x64xf32, #tpu.memory_space<vmem>> -> memref<128x64xf32, #tpu.memory_space<vmem>>
    %dma_start3A_282 = arith.constant 0 : i32
    %dma_start3A_283 = tpu.memref_slice %arg4[%add3A_276, %dma_start3A_282] : memref<131072x64xf32, #tpu.memory_space<hbm>> -> memref<128x64xf32, #tpu.memory_space<hbm>>
    %dma_start3A_284 = arith.constant 0 : i32
    %dma_start3A_285 = tpu.memref_slice %arg4[%add3A_276, %dma_start3A_284] : memref<131072x64xf32, #tpu.memory_space<hbm>> -> memref<128x64xf32, #tpu.memory_space<hbm>>
    %dma_start3A_286 = arith.constant 0 : i32
    %dma_start3A_287 = arith.constant 0 : i32
    %dma_start3A_288 = tpu.memref_slice %arg7[%dma_start3A_277, %dma_start3A_286, %dma_start3A_287] : memref<8x128x64xf32, #tpu.memory_space<vmem>> -> memref<1x128x64xf32, #tpu.memory_space<vmem>>
    %dma_start3A_289 = tpu.memref_squeeze %dma_start3A_288 : memref<1x128x64xf32, #tpu.memory_space<vmem>> -> memref<128x64xf32, #tpu.memory_space<vmem>>
    tpu.enqueue_dma source(%dma_start3A_289 : memref<128x64xf32, #tpu.memory_space<vmem>>) target(%dma_start3A_285 : memref<128x64xf32, #tpu.memory_space<hbm>>) target_semaphore(%arg20 : memref<!tpu.dma_semaphore, #tpu.memory_space<semaphore_mem>>)
    %dma_wait3A_290 = arith.constant 0 : i32
    %dma_wait3A_291 = arith.constant 0 : i32
    %dma_wait3A_292 = arith.constant 0 : i32
    %dma_wait3A_293 = tpu.memref_slice %arg7[%dma_wait3A_290, %dma_wait3A_291, %dma_wait3A_292] : memref<8x128x64xf32, #tpu.memory_space<vmem>> -> memref<1x128x64xf32, #tpu.memory_space<vmem>>
    %dma_wait3A_294 = tpu.memref_squeeze %dma_wait3A_293 : memref<1x128x64xf32, #tpu.memory_space<vmem>> -> memref<128x64xf32, #tpu.memory_space<vmem>>
    %dma_wait3A_295 = arith.constant 0 : i32
    %dma_wait3A_296 = tpu.memref_slice %arg4[%add3A_159, %dma_wait3A_295] : memref<131072x64xf32, #tpu.memory_space<hbm>> -> memref<128x64xf32, #tpu.memory_space<hbm>>
    %dma_wait3A_297 = arith.constant 0 : i32
    %dma_wait3A_298 = tpu.memref_slice %arg4[%add3A_159, %dma_wait3A_297] : memref<131072x64xf32, #tpu.memory_space<hbm>> -> memref<128x64xf32, #tpu.memory_space<hbm>>
    %dma_wait3A_299 = arith.constant 0 : i32
    %dma_wait3A_300 = arith.constant 0 : i32
    %dma_wait3A_301 = tpu.memref_slice %arg7[%dma_wait3A_290, %dma_wait3A_299, %dma_wait3A_300] : memref<8x128x64xf32, #tpu.memory_space<vmem>> -> memref<1x128x64xf32, #tpu.memory_space<vmem>>
    %dma_wait3A_302 = tpu.memref_squeeze %dma_wait3A_301 : memref<1x128x64xf32, #tpu.memory_space<vmem>> -> memref<128x64xf32, #tpu.memory_space<vmem>>
    tpu.wait_dma2 semaphore(%arg17 : memref<!tpu.dma_semaphore, #tpu.memory_space<semaphore_mem>>) src(%dma_wait3A_302 : memref<128x64xf32, #tpu.memory_space<vmem>>) dst(%dma_wait3A_298 : memref<128x64xf32, #tpu.memory_space<hbm>>)
    %dma_start3A_303 = arith.constant 8 : i32
    %dma_start3A_304 = arith.constant 0 : i32
    %dma_start3A_305 = arith.constant 0 : i32
    %dma_start3A_306 = arith.constant 0 : i32
    %dma_start3A_307 = tpu.memref_slice %arg7[%dma_start3A_304, %dma_start3A_305, %dma_start3A_306] : memref<8x128x64xf32, #tpu.memory_space<vmem>> -> memref<1x128x64xf32, #tpu.memory_space<vmem>>
    %dma_start3A_308 = tpu.memref_squeeze %dma_start3A_307 : memref<1x128x64xf32, #tpu.memory_space<vmem>> -> memref<128x64xf32, #tpu.memory_space<vmem>>
    %dma_start3A_309 = arith.constant 0 : i32
    %dma_start3A_310 = tpu.memref_slice %arg6[%dma_start3A_303, %dma_start3A_309] : memref<32x128xi32, #tpu.memory_space<vmem>> -> memref<1x128xi32, #tpu.memory_space<vmem>>
    %dma_start3A_311 = tpu.memref_squeeze %dma_start3A_310 : memref<1x128xi32, #tpu.memory_space<vmem>> -> memref<128xi32, #tpu.memory_space<vmem>>
    %dma_start3A_312 = arith.constant 0 : i32
    %dma_start3A_313 = arith.constant 0 : i32
    %dma_start3A_314 = tpu.memref_slice %arg8[%dma_start3A_312, %dma_start3A_313] : memref<2048x64xf32, #tpu.memory_space<vmem_shared>> -> memref<2048x64xf32, #tpu.memory_space<vmem_shared>>
    tpu.enqueue_indirect_dma source(%dma_start3A_314 : memref<2048x64xf32, #tpu.memory_space<vmem_shared>>) target(%dma_start3A_308 : memref<128x64xf32, #tpu.memory_space<vmem>>) offsets(%dma_start3A_311 : memref<128xi32, #tpu.memory_space<vmem>>) semaphore(%arg9 : memref<!tpu.dma_semaphore, #tpu.memory_space<semaphore_mem>>)
    %dma_wait3A_315 = arith.constant 4 : i32
    %dma_wait3A_316 = arith.constant 4 : i32
    %dma_wait3A_317 = arith.constant 0 : i32
    %dma_wait3A_318 = arith.constant 0 : i32
    %dma_wait3A_319 = tpu.memref_slice %arg7[%dma_wait3A_316, %dma_wait3A_317, %dma_wait3A_318] : memref<8x128x64xf32, #tpu.memory_space<vmem>> -> memref<1x128x64xf32, #tpu.memory_space<vmem>>
    %dma_wait3A_320 = tpu.memref_squeeze %dma_wait3A_319 : memref<1x128x64xf32, #tpu.memory_space<vmem>> -> memref<128x64xf32, #tpu.memory_space<vmem>>
    %dma_wait3A_321 = arith.constant 0 : i32
    %dma_wait3A_322 = tpu.memref_slice %arg6[%dma_wait3A_315, %dma_wait3A_321] : memref<32x128xi32, #tpu.memory_space<vmem>> -> memref<1x128xi32, #tpu.memory_space<vmem>>
    %dma_wait3A_323 = tpu.memref_squeeze %dma_wait3A_322 : memref<1x128xi32, #tpu.memory_space<vmem>> -> memref<128xi32, #tpu.memory_space<vmem>>
    %dma_wait3A_324 = arith.constant 0 : i32
    %dma_wait3A_325 = arith.constant 0 : i32
    %dma_wait3A_326 = tpu.memref_slice %arg8[%dma_wait3A_324, %dma_wait3A_325] : memref<2048x64xf32, #tpu.memory_space<vmem_shared>> -> memref<2048x64xf32, #tpu.memory_space<vmem_shared>>
    tpu.wait_indirect_dma semaphore(%arg13 : memref<!tpu.dma_semaphore, #tpu.memory_space<semaphore_mem>>) src(%dma_wait3A_326 : memref<2048x64xf32, #tpu.memory_space<vmem_shared>>) dst(%dma_wait3A_320 : memref<128x64xf32, #tpu.memory_space<vmem>>)
    %add3A_327 = arith.constant 512 : i32
    %add3A_328 = arith.addi %mul3A_4, %add3A_327 : i32
    %dma_start3A_329 = arith.constant 4 : i32
    %dma_start3A_330 = arith.constant 0 : i32
    %dma_start3A_331 = arith.constant 0 : i32
    %dma_start3A_332 = tpu.memref_slice %arg7[%dma_start3A_329, %dma_start3A_330, %dma_start3A_331] : memref<8x128x64xf32, #tpu.memory_space<vmem>> -> memref<1x128x64xf32, #tpu.memory_space<vmem>>
    %dma_start3A_333 = tpu.memref_squeeze %dma_start3A_332 : memref<1x128x64xf32, #tpu.memory_space<vmem>> -> memref<128x64xf32, #tpu.memory_space<vmem>>
    %dma_start3A_334 = arith.constant 0 : i32
    %dma_start3A_335 = tpu.memref_slice %arg4[%add3A_328, %dma_start3A_334] : memref<131072x64xf32, #tpu.memory_space<hbm>> -> memref<128x64xf32, #tpu.memory_space<hbm>>
    %dma_start3A_336 = arith.constant 0 : i32
    %dma_start3A_337 = tpu.memref_slice %arg4[%add3A_328, %dma_start3A_336] : memref<131072x64xf32, #tpu.memory_space<hbm>> -> memref<128x64xf32, #tpu.memory_space<hbm>>
    %dma_start3A_338 = arith.constant 0 : i32
    %dma_start3A_339 = arith.constant 0 : i32
    %dma_start3A_340 = tpu.memref_slice %arg7[%dma_start3A_329, %dma_start3A_338, %dma_start3A_339] : memref<8x128x64xf32, #tpu.memory_space<vmem>> -> memref<1x128x64xf32, #tpu.memory_space<vmem>>
    %dma_start3A_341 = tpu.memref_squeeze %dma_start3A_340 : memref<1x128x64xf32, #tpu.memory_space<vmem>> -> memref<128x64xf32, #tpu.memory_space<vmem>>
    tpu.enqueue_dma source(%dma_start3A_341 : memref<128x64xf32, #tpu.memory_space<vmem>>) target(%dma_start3A_337 : memref<128x64xf32, #tpu.memory_space<hbm>>) target_semaphore(%arg21 : memref<!tpu.dma_semaphore, #tpu.memory_space<semaphore_mem>>)
    %dma_wait3A_342 = arith.constant 1 : i32
    %dma_wait3A_343 = arith.constant 0 : i32
    %dma_wait3A_344 = arith.constant 0 : i32
    %dma_wait3A_345 = tpu.memref_slice %arg7[%dma_wait3A_342, %dma_wait3A_343, %dma_wait3A_344] : memref<8x128x64xf32, #tpu.memory_space<vmem>> -> memref<1x128x64xf32, #tpu.memory_space<vmem>>
    %dma_wait3A_346 = tpu.memref_squeeze %dma_wait3A_345 : memref<1x128x64xf32, #tpu.memory_space<vmem>> -> memref<128x64xf32, #tpu.memory_space<vmem>>
    %dma_wait3A_347 = arith.constant 0 : i32
    %dma_wait3A_348 = tpu.memref_slice %arg4[%add3A_198, %dma_wait3A_347] : memref<131072x64xf32, #tpu.memory_space<hbm>> -> memref<128x64xf32, #tpu.memory_space<hbm>>
    %dma_wait3A_349 = arith.constant 0 : i32
    %dma_wait3A_350 = tpu.memref_slice %arg4[%add3A_198, %dma_wait3A_349] : memref<131072x64xf32, #tpu.memory_space<hbm>> -> memref<128x64xf32, #tpu.memory_space<hbm>>
    %dma_wait3A_351 = arith.constant 0 : i32
    %dma_wait3A_352 = arith.constant 0 : i32
    %dma_wait3A_353 = tpu.memref_slice %arg7[%dma_wait3A_342, %dma_wait3A_351, %dma_wait3A_352] : memref<8x128x64xf32, #tpu.memory_space<vmem>> -> memref<1x128x64xf32, #tpu.memory_space<vmem>>
    %dma_wait3A_354 = tpu.memref_squeeze %dma_wait3A_353 : memref<1x128x64xf32, #tpu.memory_space<vmem>> -> memref<128x64xf32, #tpu.memory_space<vmem>>
    tpu.wait_dma2 semaphore(%arg18 : memref<!tpu.dma_semaphore, #tpu.memory_space<semaphore_mem>>) src(%dma_wait3A_354 : memref<128x64xf32, #tpu.memory_space<vmem>>) dst(%dma_wait3A_350 : memref<128x64xf32, #tpu.memory_space<hbm>>)
    %dma_start3A_355 = arith.constant 9 : i32
    %dma_start3A_356 = arith.constant 1 : i32
    %dma_start3A_357 = arith.constant 0 : i32
    %dma_start3A_358 = arith.constant 0 : i32
    %dma_start3A_359 = tpu.memref_slice %arg7[%dma_start3A_356, %dma_start3A_357, %dma_start3A_358] : memref<8x128x64xf32, #tpu.memory_space<vmem>> -> memref<1x128x64xf32, #tpu.memory_space<vmem>>
    %dma_start3A_360 = tpu.memref_squeeze %dma_start3A_359 : memref<1x128x64xf32, #tpu.memory_space<vmem>> -> memref<128x64xf32, #tpu.memory_space<vmem>>
    %dma_start3A_361 = arith.constant 0 : i32
    %dma_start3A_362 = tpu.memref_slice %arg6[%dma_start3A_355, %dma_start3A_361] : memref<32x128xi32, #tpu.memory_space<vmem>> -> memref<1x128xi32, #tpu.memory_space<vmem>>
    %dma_start3A_363 = tpu.memref_squeeze %dma_start3A_362 : memref<1x128xi32, #tpu.memory_space<vmem>> -> memref<128xi32, #tpu.memory_space<vmem>>
    %dma_start3A_364 = arith.constant 0 : i32
    %dma_start3A_365 = arith.constant 0 : i32
    %dma_start3A_366 = tpu.memref_slice %arg8[%dma_start3A_364, %dma_start3A_365] : memref<2048x64xf32, #tpu.memory_space<vmem_shared>> -> memref<2048x64xf32, #tpu.memory_space<vmem_shared>>
    tpu.enqueue_indirect_dma source(%dma_start3A_366 : memref<2048x64xf32, #tpu.memory_space<vmem_shared>>) target(%dma_start3A_360 : memref<128x64xf32, #tpu.memory_space<vmem>>) offsets(%dma_start3A_363 : memref<128xi32, #tpu.memory_space<vmem>>) semaphore(%arg10 : memref<!tpu.dma_semaphore, #tpu.memory_space<semaphore_mem>>)
    %dma_wait3A_367 = arith.constant 5 : i32
    %dma_wait3A_368 = arith.constant 5 : i32
    %dma_wait3A_369 = arith.constant 0 : i32
    %dma_wait3A_370 = arith.constant 0 : i32
    %dma_wait3A_371 = tpu.memref_slice %arg7[%dma_wait3A_368, %dma_wait3A_369, %dma_wait3A_370] : memref<8x128x64xf32, #tpu.memory_space<vmem>> -> memref<1x128x64xf32, #tpu.memory_space<vmem>>
    %dma_wait3A_372 = tpu.memref_squeeze %dma_wait3A_371 : memref<1x128x64xf32, #tpu.memory_space<vmem>> -> memref<128x64xf32, #tpu.memory_space<vmem>>
    %dma_wait3A_373 = arith.constant 0 : i32
    %dma_wait3A_374 = tpu.memref_slice %arg6[%dma_wait3A_367, %dma_wait3A_373] : memref<32x128xi32, #tpu.memory_space<vmem>> -> memref<1x128xi32, #tpu.memory_space<vmem>>
    %dma_wait3A_375 = tpu.memref_squeeze %dma_wait3A_374 : memref<1x128xi32, #tpu.memory_space<vmem>> -> memref<128xi32, #tpu.memory_space<vmem>>
    %dma_wait3A_376 = arith.constant 0 : i32
    %dma_wait3A_377 = arith.constant 0 : i32
    %dma_wait3A_378 = tpu.memref_slice %arg8[%dma_wait3A_376, %dma_wait3A_377] : memref<2048x64xf32, #tpu.memory_space<vmem_shared>> -> memref<2048x64xf32, #tpu.memory_space<vmem_shared>>
    tpu.wait_indirect_dma semaphore(%arg14 : memref<!tpu.dma_semaphore, #tpu.memory_space<semaphore_mem>>) src(%dma_wait3A_378 : memref<2048x64xf32, #tpu.memory_space<vmem_shared>>) dst(%dma_wait3A_372 : memref<128x64xf32, #tpu.memory_space<vmem>>)
    %add3A_379 = arith.constant 640 : i32
    %add3A_380 = arith.addi %mul3A_4, %add3A_379 : i32
    %dma_start3A_381 = arith.constant 5 : i32
    %dma_start3A_382 = arith.constant 0 : i32
    %dma_start3A_383 = arith.constant 0 : i32
    %dma_start3A_384 = tpu.memref_slice %arg7[%dma_start3A_381, %dma_start3A_382, %dma_start3A_383] : memref<8x128x64xf32, #tpu.memory_space<vmem>> -> memref<1x128x64xf32, #tpu.memory_space<vmem>>
    %dma_start3A_385 = tpu.memref_squeeze %dma_start3A_384 : memref<1x128x64xf32, #tpu.memory_space<vmem>> -> memref<128x64xf32, #tpu.memory_space<vmem>>
    %dma_start3A_386 = arith.constant 0 : i32
    %dma_start3A_387 = tpu.memref_slice %arg4[%add3A_380, %dma_start3A_386] : memref<131072x64xf32, #tpu.memory_space<hbm>> -> memref<128x64xf32, #tpu.memory_space<hbm>>
    %dma_start3A_388 = arith.constant 0 : i32
    %dma_start3A_389 = tpu.memref_slice %arg4[%add3A_380, %dma_start3A_388] : memref<131072x64xf32, #tpu.memory_space<hbm>> -> memref<128x64xf32, #tpu.memory_space<hbm>>
    %dma_start3A_390 = arith.constant 0 : i32
    %dma_start3A_391 = arith.constant 0 : i32
    %dma_start3A_392 = tpu.memref_slice %arg7[%dma_start3A_381, %dma_start3A_390, %dma_start3A_391] : memref<8x128x64xf32, #tpu.memory_space<vmem>> -> memref<1x128x64xf32, #tpu.memory_space<vmem>>
    %dma_start3A_393 = tpu.memref_squeeze %dma_start3A_392 : memref<1x128x64xf32, #tpu.memory_space<vmem>> -> memref<128x64xf32, #tpu.memory_space<vmem>>
    tpu.enqueue_dma source(%dma_start3A_393 : memref<128x64xf32, #tpu.memory_space<vmem>>) target(%dma_start3A_389 : memref<128x64xf32, #tpu.memory_space<hbm>>) target_semaphore(%arg22 : memref<!tpu.dma_semaphore, #tpu.memory_space<semaphore_mem>>)
    %dma_wait3A_394 = arith.constant 2 : i32
    %dma_wait3A_395 = arith.constant 0 : i32
    %dma_wait3A_396 = arith.constant 0 : i32
    %dma_wait3A_397 = tpu.memref_slice %arg7[%dma_wait3A_394, %dma_wait3A_395, %dma_wait3A_396] : memref<8x128x64xf32, #tpu.memory_space<vmem>> -> memref<1x128x64xf32, #tpu.memory_space<vmem>>
    %dma_wait3A_398 = tpu.memref_squeeze %dma_wait3A_397 : memref<1x128x64xf32, #tpu.memory_space<vmem>> -> memref<128x64xf32, #tpu.memory_space<vmem>>
    %dma_wait3A_399 = arith.constant 0 : i32
    %dma_wait3A_400 = tpu.memref_slice %arg4[%add3A_237, %dma_wait3A_399] : memref<131072x64xf32, #tpu.memory_space<hbm>> -> memref<128x64xf32, #tpu.memory_space<hbm>>
    %dma_wait3A_401 = arith.constant 0 : i32
    %dma_wait3A_402 = tpu.memref_slice %arg4[%add3A_237, %dma_wait3A_401] : memref<131072x64xf32, #tpu.memory_space<hbm>> -> memref<128x64xf32, #tpu.memory_space<hbm>>
    %dma_wait3A_403 = arith.constant 0 : i32
    %dma_wait3A_404 = arith.constant 0 : i32
    %dma_wait3A_405 = tpu.memref_slice %arg7[%dma_wait3A_394, %dma_wait3A_403, %dma_wait3A_404] : memref<8x128x64xf32, #tpu.memory_space<vmem>> -> memref<1x128x64xf32, #tpu.memory_space<vmem>>
    %dma_wait3A_406 = tpu.memref_squeeze %dma_wait3A_405 : memref<1x128x64xf32, #tpu.memory_space<vmem>> -> memref<128x64xf32, #tpu.memory_space<vmem>>
    tpu.wait_dma2 semaphore(%arg19 : memref<!tpu.dma_semaphore, #tpu.memory_space<semaphore_mem>>) src(%dma_wait3A_406 : memref<128x64xf32, #tpu.memory_space<vmem>>) dst(%dma_wait3A_402 : memref<128x64xf32, #tpu.memory_space<hbm>>)
    %dma_start3A_407 = arith.constant 10 : i32
    %dma_start3A_408 = arith.constant 2 : i32
    %dma_start3A_409 = arith.constant 0 : i32
    %dma_start3A_410 = arith.constant 0 : i32
    %dma_start3A_411 = tpu.memref_slice %arg7[%dma_start3A_408, %dma_start3A_409, %dma_start3A_410] : memref<8x128x64xf32, #tpu.memory_space<vmem>> -> memref<1x128x64xf32, #tpu.memory_space<vmem>>
    %dma_start3A_412 = tpu.memref_squeeze %dma_start3A_411 : memref<1x128x64xf32, #tpu.memory_space<vmem>> -> memref<128x64xf32, #tpu.memory_space<vmem>>
    %dma_start3A_413 = arith.constant 0 : i32
    %dma_start3A_414 = tpu.memref_slice %arg6[%dma_start3A_407, %dma_start3A_413] : memref<32x128xi32, #tpu.memory_space<vmem>> -> memref<1x128xi32, #tpu.memory_space<vmem>>
    %dma_start3A_415 = tpu.memref_squeeze %dma_start3A_414 : memref<1x128xi32, #tpu.memory_space<vmem>> -> memref<128xi32, #tpu.memory_space<vmem>>
    %dma_start3A_416 = arith.constant 0 : i32
    %dma_start3A_417 = arith.constant 0 : i32
    %dma_start3A_418 = tpu.memref_slice %arg8[%dma_start3A_416, %dma_start3A_417] : memref<2048x64xf32, #tpu.memory_space<vmem_shared>> -> memref<2048x64xf32, #tpu.memory_space<vmem_shared>>
    tpu.enqueue_indirect_dma source(%dma_start3A_418 : memref<2048x64xf32, #tpu.memory_space<vmem_shared>>) target(%dma_start3A_412 : memref<128x64xf32, #tpu.memory_space<vmem>>) offsets(%dma_start3A_415 : memref<128xi32, #tpu.memory_space<vmem>>) semaphore(%arg11 : memref<!tpu.dma_semaphore, #tpu.memory_space<semaphore_mem>>)
    %dma_wait3A_419 = arith.constant 6 : i32
    %dma_wait3A_420 = arith.constant 6 : i32
    %dma_wait3A_421 = arith.constant 0 : i32
    %dma_wait3A_422 = arith.constant 0 : i32
    %dma_wait3A_423 = tpu.memref_slice %arg7[%dma_wait3A_420, %dma_wait3A_421, %dma_wait3A_422] : memref<8x128x64xf32, #tpu.memory_space<vmem>> -> memref<1x128x64xf32, #tpu.memory_space<vmem>>
    %dma_wait3A_424 = tpu.memref_squeeze %dma_wait3A_423 : memref<1x128x64xf32, #tpu.memory_space<vmem>> -> memref<128x64xf32, #tpu.memory_space<vmem>>
    %dma_wait3A_425 = arith.constant 0 : i32
    %dma_wait3A_426 = tpu.memref_slice %arg6[%dma_wait3A_419, %dma_wait3A_425] : memref<32x128xi32, #tpu.memory_space<vmem>> -> memref<1x128xi32, #tpu.memory_space<vmem>>
    %dma_wait3A_427 = tpu.memref_squeeze %dma_wait3A_426 : memref<1x128xi32, #tpu.memory_space<vmem>> -> memref<128xi32, #tpu.memory_space<vmem>>
    %dma_wait3A_428 = arith.constant 0 : i32
    %dma_wait3A_429 = arith.constant 0 : i32
    %dma_wait3A_430 = tpu.memref_slice %arg8[%dma_wait3A_428, %dma_wait3A_429] : memref<2048x64xf32, #tpu.memory_space<vmem_shared>> -> memref<2048x64xf32, #tpu.memory_space<vmem_shared>>
    tpu.wait_indirect_dma semaphore(%arg15 : memref<!tpu.dma_semaphore, #tpu.memory_space<semaphore_mem>>) src(%dma_wait3A_430 : memref<2048x64xf32, #tpu.memory_space<vmem_shared>>) dst(%dma_wait3A_424 : memref<128x64xf32, #tpu.memory_space<vmem>>)
    %add3A_431 = arith.constant 768 : i32
    %add3A_432 = arith.addi %mul3A_4, %add3A_431 : i32
    %dma_start3A_433 = arith.constant 6 : i32
    %dma_start3A_434 = arith.constant 0 : i32
    %dma_start3A_435 = arith.constant 0 : i32
    %dma_start3A_436 = tpu.memref_slice %arg7[%dma_start3A_433, %dma_start3A_434, %dma_start3A_435] : memref<8x128x64xf32, #tpu.memory_space<vmem>> -> memref<1x128x64xf32, #tpu.memory_space<vmem>>
    %dma_start3A_437 = tpu.memref_squeeze %dma_start3A_436 : memref<1x128x64xf32, #tpu.memory_space<vmem>> -> memref<128x64xf32, #tpu.memory_space<vmem>>
    %dma_start3A_438 = arith.constant 0 : i32
    %dma_start3A_439 = tpu.memref_slice %arg4[%add3A_432, %dma_start3A_438] : memref<131072x64xf32, #tpu.memory_space<hbm>> -> memref<128x64xf32, #tpu.memory_space<hbm>>
    %dma_start3A_440 = arith.constant 0 : i32
    %dma_start3A_441 = tpu.memref_slice %arg4[%add3A_432, %dma_start3A_440] : memref<131072x64xf32, #tpu.memory_space<hbm>> -> memref<128x64xf32, #tpu.memory_space<hbm>>
    %dma_start3A_442 = arith.constant 0 : i32
    %dma_start3A_443 = arith.constant 0 : i32
    %dma_start3A_444 = tpu.memref_slice %arg7[%dma_start3A_433, %dma_start3A_442, %dma_start3A_443] : memref<8x128x64xf32, #tpu.memory_space<vmem>> -> memref<1x128x64xf32, #tpu.memory_space<vmem>>
    %dma_start3A_445 = tpu.memref_squeeze %dma_start3A_444 : memref<1x128x64xf32, #tpu.memory_space<vmem>> -> memref<128x64xf32, #tpu.memory_space<vmem>>
    tpu.enqueue_dma source(%dma_start3A_445 : memref<128x64xf32, #tpu.memory_space<vmem>>) target(%dma_start3A_441 : memref<128x64xf32, #tpu.memory_space<hbm>>) target_semaphore(%arg23 : memref<!tpu.dma_semaphore, #tpu.memory_space<semaphore_mem>>)
    %dma_wait3A_446 = arith.constant 3 : i32
    %dma_wait3A_447 = arith.constant 0 : i32
    %dma_wait3A_448 = arith.constant 0 : i32
    %dma_wait3A_449 = tpu.memref_slice %arg7[%dma_wait3A_446, %dma_wait3A_447, %dma_wait3A_448] : memref<8x128x64xf32, #tpu.memory_space<vmem>> -> memref<1x128x64xf32, #tpu.memory_space<vmem>>
    %dma_wait3A_450 = tpu.memref_squeeze %dma_wait3A_449 : memref<1x128x64xf32, #tpu.memory_space<vmem>> -> memref<128x64xf32, #tpu.memory_space<vmem>>
    %dma_wait3A_451 = arith.constant 0 : i32
    %dma_wait3A_452 = tpu.memref_slice %arg4[%add3A_276, %dma_wait3A_451] : memref<131072x64xf32, #tpu.memory_space<hbm>> -> memref<128x64xf32, #tpu.memory_space<hbm>>
    %dma_wait3A_453 = arith.constant 0 : i32
    %dma_wait3A_454 = tpu.memref_slice %arg4[%add3A_276, %dma_wait3A_453] : memref<131072x64xf32, #tpu.memory_space<hbm>> -> memref<128x64xf32, #tpu.memory_space<hbm>>
    %dma_wait3A_455 = arith.constant 0 : i32
    %dma_wait3A_456 = arith.constant 0 : i32
    %dma_wait3A_457 = tpu.memref_slice %arg7[%dma_wait3A_446, %dma_wait3A_455, %dma_wait3A_456] : memref<8x128x64xf32, #tpu.memory_space<vmem>> -> memref<1x128x64xf32, #tpu.memory_space<vmem>>
    %dma_wait3A_458 = tpu.memref_squeeze %dma_wait3A_457 : memref<1x128x64xf32, #tpu.memory_space<vmem>> -> memref<128x64xf32, #tpu.memory_space<vmem>>
    tpu.wait_dma2 semaphore(%arg20 : memref<!tpu.dma_semaphore, #tpu.memory_space<semaphore_mem>>) src(%dma_wait3A_458 : memref<128x64xf32, #tpu.memory_space<vmem>>) dst(%dma_wait3A_454 : memref<128x64xf32, #tpu.memory_space<hbm>>)
    %dma_start3A_459 = arith.constant 11 : i32
    %dma_start3A_460 = arith.constant 3 : i32
    %dma_start3A_461 = arith.constant 0 : i32
    %dma_start3A_462 = arith.constant 0 : i32
    %dma_start3A_463 = tpu.memref_slice %arg7[%dma_start3A_460, %dma_start3A_461, %dma_start3A_462] : memref<8x128x64xf32, #tpu.memory_space<vmem>> -> memref<1x128x64xf32, #tpu.memory_space<vmem>>
    %dma_start3A_464 = tpu.memref_squeeze %dma_start3A_463 : memref<1x128x64xf32, #tpu.memory_space<vmem>> -> memref<128x64xf32, #tpu.memory_space<vmem>>
    %dma_start3A_465 = arith.constant 0 : i32
    %dma_start3A_466 = tpu.memref_slice %arg6[%dma_start3A_459, %dma_start3A_465] : memref<32x128xi32, #tpu.memory_space<vmem>> -> memref<1x128xi32, #tpu.memory_space<vmem>>
    %dma_start3A_467 = tpu.memref_squeeze %dma_start3A_466 : memref<1x128xi32, #tpu.memory_space<vmem>> -> memref<128xi32, #tpu.memory_space<vmem>>
    %dma_start3A_468 = arith.constant 0 : i32
    %dma_start3A_469 = arith.constant 0 : i32
    %dma_start3A_470 = tpu.memref_slice %arg8[%dma_start3A_468, %dma_start3A_469] : memref<2048x64xf32, #tpu.memory_space<vmem_shared>> -> memref<2048x64xf32, #tpu.memory_space<vmem_shared>>
    tpu.enqueue_indirect_dma source(%dma_start3A_470 : memref<2048x64xf32, #tpu.memory_space<vmem_shared>>) target(%dma_start3A_464 : memref<128x64xf32, #tpu.memory_space<vmem>>) offsets(%dma_start3A_467 : memref<128xi32, #tpu.memory_space<vmem>>) semaphore(%arg12 : memref<!tpu.dma_semaphore, #tpu.memory_space<semaphore_mem>>)
    %dma_wait3A_471 = arith.constant 7 : i32
    %dma_wait3A_472 = arith.constant 7 : i32
    %dma_wait3A_473 = arith.constant 0 : i32
    %dma_wait3A_474 = arith.constant 0 : i32
    %dma_wait3A_475 = tpu.memref_slice %arg7[%dma_wait3A_472, %dma_wait3A_473, %dma_wait3A_474] : memref<8x128x64xf32, #tpu.memory_space<vmem>> -> memref<1x128x64xf32, #tpu.memory_space<vmem>>
    %dma_wait3A_476 = tpu.memref_squeeze %dma_wait3A_475 : memref<1x128x64xf32, #tpu.memory_space<vmem>> -> memref<128x64xf32, #tpu.memory_space<vmem>>
    %dma_wait3A_477 = arith.constant 0 : i32
    %dma_wait3A_478 = tpu.memref_slice %arg6[%dma_wait3A_471, %dma_wait3A_477] : memref<32x128xi32, #tpu.memory_space<vmem>> -> memref<1x128xi32, #tpu.memory_space<vmem>>
    %dma_wait3A_479 = tpu.memref_squeeze %dma_wait3A_478 : memref<1x128xi32, #tpu.memory_space<vmem>> -> memref<128xi32, #tpu.memory_space<vmem>>
    %dma_wait3A_480 = arith.constant 0 : i32
    %dma_wait3A_481 = arith.constant 0 : i32
    %dma_wait3A_482 = tpu.memref_slice %arg8[%dma_wait3A_480, %dma_wait3A_481] : memref<2048x64xf32, #tpu.memory_space<vmem_shared>> -> memref<2048x64xf32, #tpu.memory_space<vmem_shared>>
    tpu.wait_indirect_dma semaphore(%arg16 : memref<!tpu.dma_semaphore, #tpu.memory_space<semaphore_mem>>) src(%dma_wait3A_482 : memref<2048x64xf32, #tpu.memory_space<vmem_shared>>) dst(%dma_wait3A_476 : memref<128x64xf32, #tpu.memory_space<vmem>>)
    %add3A_483 = arith.constant 896 : i32
    %add3A_484 = arith.addi %mul3A_4, %add3A_483 : i32
    %dma_start3A_485 = arith.constant 7 : i32
    %dma_start3A_486 = arith.constant 0 : i32
    %dma_start3A_487 = arith.constant 0 : i32
    %dma_start3A_488 = tpu.memref_slice %arg7[%dma_start3A_485, %dma_start3A_486, %dma_start3A_487] : memref<8x128x64xf32, #tpu.memory_space<vmem>> -> memref<1x128x64xf32, #tpu.memory_space<vmem>>
    %dma_start3A_489 = tpu.memref_squeeze %dma_start3A_488 : memref<1x128x64xf32, #tpu.memory_space<vmem>> -> memref<128x64xf32, #tpu.memory_space<vmem>>
    %dma_start3A_490 = arith.constant 0 : i32
    %dma_start3A_491 = tpu.memref_slice %arg4[%add3A_484, %dma_start3A_490] : memref<131072x64xf32, #tpu.memory_space<hbm>> -> memref<128x64xf32, #tpu.memory_space<hbm>>
    %dma_start3A_492 = arith.constant 0 : i32
    %dma_start3A_493 = tpu.memref_slice %arg4[%add3A_484, %dma_start3A_492] : memref<131072x64xf32, #tpu.memory_space<hbm>> -> memref<128x64xf32, #tpu.memory_space<hbm>>
    %dma_start3A_494 = arith.constant 0 : i32
    %dma_start3A_495 = arith.constant 0 : i32
    %dma_start3A_496 = tpu.memref_slice %arg7[%dma_start3A_485, %dma_start3A_494, %dma_start3A_495] : memref<8x128x64xf32, #tpu.memory_space<vmem>> -> memref<1x128x64xf32, #tpu.memory_space<vmem>>
    %dma_start3A_497 = tpu.memref_squeeze %dma_start3A_496 : memref<1x128x64xf32, #tpu.memory_space<vmem>> -> memref<128x64xf32, #tpu.memory_space<vmem>>
    tpu.enqueue_dma source(%dma_start3A_497 : memref<128x64xf32, #tpu.memory_space<vmem>>) target(%dma_start3A_493 : memref<128x64xf32, #tpu.memory_space<hbm>>) target_semaphore(%arg24 : memref<!tpu.dma_semaphore, #tpu.memory_space<semaphore_mem>>)
    %dma_wait3A_498 = arith.constant 4 : i32
    %dma_wait3A_499 = arith.constant 0 : i32
    %dma_wait3A_500 = arith.constant 0 : i32
    %dma_wait3A_501 = tpu.memref_slice %arg7[%dma_wait3A_498, %dma_wait3A_499, %dma_wait3A_500] : memref<8x128x64xf32, #tpu.memory_space<vmem>> -> memref<1x128x64xf32, #tpu.memory_space<vmem>>
    %dma_wait3A_502 = tpu.memref_squeeze %dma_wait3A_501 : memref<1x128x64xf32, #tpu.memory_space<vmem>> -> memref<128x64xf32, #tpu.memory_space<vmem>>
    %dma_wait3A_503 = arith.constant 0 : i32
    %dma_wait3A_504 = tpu.memref_slice %arg4[%add3A_328, %dma_wait3A_503] : memref<131072x64xf32, #tpu.memory_space<hbm>> -> memref<128x64xf32, #tpu.memory_space<hbm>>
    %dma_wait3A_505 = arith.constant 0 : i32
    %dma_wait3A_506 = tpu.memref_slice %arg4[%add3A_328, %dma_wait3A_505] : memref<131072x64xf32, #tpu.memory_space<hbm>> -> memref<128x64xf32, #tpu.memory_space<hbm>>
    %dma_wait3A_507 = arith.constant 0 : i32
    %dma_wait3A_508 = arith.constant 0 : i32
    %dma_wait3A_509 = tpu.memref_slice %arg7[%dma_wait3A_498, %dma_wait3A_507, %dma_wait3A_508] : memref<8x128x64xf32, #tpu.memory_space<vmem>> -> memref<1x128x64xf32, #tpu.memory_space<vmem>>
    %dma_wait3A_510 = tpu.memref_squeeze %dma_wait3A_509 : memref<1x128x64xf32, #tpu.memory_space<vmem>> -> memref<128x64xf32, #tpu.memory_space<vmem>>
    tpu.wait_dma2 semaphore(%arg21 : memref<!tpu.dma_semaphore, #tpu.memory_space<semaphore_mem>>) src(%dma_wait3A_510 : memref<128x64xf32, #tpu.memory_space<vmem>>) dst(%dma_wait3A_506 : memref<128x64xf32, #tpu.memory_space<hbm>>)
    %dma_start3A_511 = arith.constant 12 : i32
    %dma_start3A_512 = arith.constant 4 : i32
    %dma_start3A_513 = arith.constant 0 : i32
    %dma_start3A_514 = arith.constant 0 : i32
    %dma_start3A_515 = tpu.memref_slice %arg7[%dma_start3A_512, %dma_start3A_513, %dma_start3A_514] : memref<8x128x64xf32, #tpu.memory_space<vmem>> -> memref<1x128x64xf32, #tpu.memory_space<vmem>>
    %dma_start3A_516 = tpu.memref_squeeze %dma_start3A_515 : memref<1x128x64xf32, #tpu.memory_space<vmem>> -> memref<128x64xf32, #tpu.memory_space<vmem>>
    %dma_start3A_517 = arith.constant 0 : i32
    %dma_start3A_518 = tpu.memref_slice %arg6[%dma_start3A_511, %dma_start3A_517] : memref<32x128xi32, #tpu.memory_space<vmem>> -> memref<1x128xi32, #tpu.memory_space<vmem>>
    %dma_start3A_519 = tpu.memref_squeeze %dma_start3A_518 : memref<1x128xi32, #tpu.memory_space<vmem>> -> memref<128xi32, #tpu.memory_space<vmem>>
    %dma_start3A_520 = arith.constant 0 : i32
    %dma_start3A_521 = arith.constant 0 : i32
    %dma_start3A_522 = tpu.memref_slice %arg8[%dma_start3A_520, %dma_start3A_521] : memref<2048x64xf32, #tpu.memory_space<vmem_shared>> -> memref<2048x64xf32, #tpu.memory_space<vmem_shared>>
    tpu.enqueue_indirect_dma source(%dma_start3A_522 : memref<2048x64xf32, #tpu.memory_space<vmem_shared>>) target(%dma_start3A_516 : memref<128x64xf32, #tpu.memory_space<vmem>>) offsets(%dma_start3A_519 : memref<128xi32, #tpu.memory_space<vmem>>) semaphore(%arg13 : memref<!tpu.dma_semaphore, #tpu.memory_space<semaphore_mem>>)
    %dma_wait3A_523 = arith.constant 8 : i32
    %dma_wait3A_524 = arith.constant 0 : i32
    %dma_wait3A_525 = arith.constant 0 : i32
    %dma_wait3A_526 = arith.constant 0 : i32
    %dma_wait3A_527 = tpu.memref_slice %arg7[%dma_wait3A_524, %dma_wait3A_525, %dma_wait3A_526] : memref<8x128x64xf32, #tpu.memory_space<vmem>> -> memref<1x128x64xf32, #tpu.memory_space<vmem>>
    %dma_wait3A_528 = tpu.memref_squeeze %dma_wait3A_527 : memref<1x128x64xf32, #tpu.memory_space<vmem>> -> memref<128x64xf32, #tpu.memory_space<vmem>>
    %dma_wait3A_529 = arith.constant 0 : i32
    %dma_wait3A_530 = tpu.memref_slice %arg6[%dma_wait3A_523, %dma_wait3A_529] : memref<32x128xi32, #tpu.memory_space<vmem>> -> memref<1x128xi32, #tpu.memory_space<vmem>>
    %dma_wait3A_531 = tpu.memref_squeeze %dma_wait3A_530 : memref<1x128xi32, #tpu.memory_space<vmem>> -> memref<128xi32, #tpu.memory_space<vmem>>
    %dma_wait3A_532 = arith.constant 0 : i32
    %dma_wait3A_533 = arith.constant 0 : i32
    %dma_wait3A_534 = tpu.memref_slice %arg8[%dma_wait3A_532, %dma_wait3A_533] : memref<2048x64xf32, #tpu.memory_space<vmem_shared>> -> memref<2048x64xf32, #tpu.memory_space<vmem_shared>>
    tpu.wait_indirect_dma semaphore(%arg9 : memref<!tpu.dma_semaphore, #tpu.memory_space<semaphore_mem>>) src(%dma_wait3A_534 : memref<2048x64xf32, #tpu.memory_space<vmem_shared>>) dst(%dma_wait3A_528 : memref<128x64xf32, #tpu.memory_space<vmem>>)
    %add3A_535 = arith.constant 1024 : i32
    %add3A_536 = arith.addi %mul3A_4, %add3A_535 : i32
    %dma_start3A_537 = arith.constant 0 : i32
    %dma_start3A_538 = arith.constant 0 : i32
    %dma_start3A_539 = arith.constant 0 : i32
    %dma_start3A_540 = tpu.memref_slice %arg7[%dma_start3A_537, %dma_start3A_538, %dma_start3A_539] : memref<8x128x64xf32, #tpu.memory_space<vmem>> -> memref<1x128x64xf32, #tpu.memory_space<vmem>>
    %dma_start3A_541 = tpu.memref_squeeze %dma_start3A_540 : memref<1x128x64xf32, #tpu.memory_space<vmem>> -> memref<128x64xf32, #tpu.memory_space<vmem>>
    %dma_start3A_542 = arith.constant 0 : i32
    %dma_start3A_543 = tpu.memref_slice %arg4[%add3A_536, %dma_start3A_542] : memref<131072x64xf32, #tpu.memory_space<hbm>> -> memref<128x64xf32, #tpu.memory_space<hbm>>
    %dma_start3A_544 = arith.constant 0 : i32
    %dma_start3A_545 = tpu.memref_slice %arg4[%add3A_536, %dma_start3A_544] : memref<131072x64xf32, #tpu.memory_space<hbm>> -> memref<128x64xf32, #tpu.memory_space<hbm>>
    %dma_start3A_546 = arith.constant 0 : i32
    %dma_start3A_547 = arith.constant 0 : i32
    %dma_start3A_548 = tpu.memref_slice %arg7[%dma_start3A_537, %dma_start3A_546, %dma_start3A_547] : memref<8x128x64xf32, #tpu.memory_space<vmem>> -> memref<1x128x64xf32, #tpu.memory_space<vmem>>
    %dma_start3A_549 = tpu.memref_squeeze %dma_start3A_548 : memref<1x128x64xf32, #tpu.memory_space<vmem>> -> memref<128x64xf32, #tpu.memory_space<vmem>>
    tpu.enqueue_dma source(%dma_start3A_549 : memref<128x64xf32, #tpu.memory_space<vmem>>) target(%dma_start3A_545 : memref<128x64xf32, #tpu.memory_space<hbm>>) target_semaphore(%arg17 : memref<!tpu.dma_semaphore, #tpu.memory_space<semaphore_mem>>)
    %dma_wait3A_550 = arith.constant 5 : i32
    %dma_wait3A_551 = arith.constant 0 : i32
    %dma_wait3A_552 = arith.constant 0 : i32
    %dma_wait3A_553 = tpu.memref_slice %arg7[%dma_wait3A_550, %dma_wait3A_551, %dma_wait3A_552] : memref<8x128x64xf32, #tpu.memory_space<vmem>> -> memref<1x128x64xf32, #tpu.memory_space<vmem>>
    %dma_wait3A_554 = tpu.memref_squeeze %dma_wait3A_553 : memref<1x128x64xf32, #tpu.memory_space<vmem>> -> memref<128x64xf32, #tpu.memory_space<vmem>>
    %dma_wait3A_555 = arith.constant 0 : i32
    %dma_wait3A_556 = tpu.memref_slice %arg4[%add3A_380, %dma_wait3A_555] : memref<131072x64xf32, #tpu.memory_space<hbm>> -> memref<128x64xf32, #tpu.memory_space<hbm>>
    %dma_wait3A_557 = arith.constant 0 : i32
    %dma_wait3A_558 = tpu.memref_slice %arg4[%add3A_380, %dma_wait3A_557] : memref<131072x64xf32, #tpu.memory_space<hbm>> -> memref<128x64xf32, #tpu.memory_space<hbm>>
    %dma_wait3A_559 = arith.constant 0 : i32
    %dma_wait3A_560 = arith.constant 0 : i32
    %dma_wait3A_561 = tpu.memref_slice %arg7[%dma_wait3A_550, %dma_wait3A_559, %dma_wait3A_560] : memref<8x128x64xf32, #tpu.memory_space<vmem>> -> memref<1x128x64xf32, #tpu.memory_space<vmem>>
    %dma_wait3A_562 = tpu.memref_squeeze %dma_wait3A_561 : memref<1x128x64xf32, #tpu.memory_space<vmem>> -> memref<128x64xf32, #tpu.memory_space<vmem>>
    tpu.wait_dma2 semaphore(%arg22 : memref<!tpu.dma_semaphore, #tpu.memory_space<semaphore_mem>>) src(%dma_wait3A_562 : memref<128x64xf32, #tpu.memory_space<vmem>>) dst(%dma_wait3A_558 : memref<128x64xf32, #tpu.memory_space<hbm>>)
    %dma_start3A_563 = arith.constant 13 : i32
    %dma_start3A_564 = arith.constant 5 : i32
    %dma_start3A_565 = arith.constant 0 : i32
    %dma_start3A_566 = arith.constant 0 : i32
    %dma_start3A_567 = tpu.memref_slice %arg7[%dma_start3A_564, %dma_start3A_565, %dma_start3A_566] : memref<8x128x64xf32, #tpu.memory_space<vmem>> -> memref<1x128x64xf32, #tpu.memory_space<vmem>>
    %dma_start3A_568 = tpu.memref_squeeze %dma_start3A_567 : memref<1x128x64xf32, #tpu.memory_space<vmem>> -> memref<128x64xf32, #tpu.memory_space<vmem>>
    %dma_start3A_569 = arith.constant 0 : i32
    %dma_start3A_570 = tpu.memref_slice %arg6[%dma_start3A_563, %dma_start3A_569] : memref<32x128xi32, #tpu.memory_space<vmem>> -> memref<1x128xi32, #tpu.memory_space<vmem>>
    %dma_start3A_571 = tpu.memref_squeeze %dma_start3A_570 : memref<1x128xi32, #tpu.memory_space<vmem>> -> memref<128xi32, #tpu.memory_space<vmem>>
    %dma_start3A_572 = arith.constant 0 : i32
    %dma_start3A_573 = arith.constant 0 : i32
    %dma_start3A_574 = tpu.memref_slice %arg8[%dma_start3A_572, %dma_start3A_573] : memref<2048x64xf32, #tpu.memory_space<vmem_shared>> -> memref<2048x64xf32, #tpu.memory_space<vmem_shared>>
    tpu.enqueue_indirect_dma source(%dma_start3A_574 : memref<2048x64xf32, #tpu.memory_space<vmem_shared>>) target(%dma_start3A_568 : memref<128x64xf32, #tpu.memory_space<vmem>>) offsets(%dma_start3A_571 : memref<128xi32, #tpu.memory_space<vmem>>) semaphore(%arg14 : memref<!tpu.dma_semaphore, #tpu.memory_space<semaphore_mem>>)
    %dma_wait3A_575 = arith.constant 9 : i32
    %dma_wait3A_576 = arith.constant 1 : i32
    %dma_wait3A_577 = arith.constant 0 : i32
    %dma_wait3A_578 = arith.constant 0 : i32
    %dma_wait3A_579 = tpu.memref_slice %arg7[%dma_wait3A_576, %dma_wait3A_577, %dma_wait3A_578] : memref<8x128x64xf32, #tpu.memory_space<vmem>> -> memref<1x128x64xf32, #tpu.memory_space<vmem>>
    %dma_wait3A_580 = tpu.memref_squeeze %dma_wait3A_579 : memref<1x128x64xf32, #tpu.memory_space<vmem>> -> memref<128x64xf32, #tpu.memory_space<vmem>>
    %dma_wait3A_581 = arith.constant 0 : i32
    %dma_wait3A_582 = tpu.memref_slice %arg6[%dma_wait3A_575, %dma_wait3A_581] : memref<32x128xi32, #tpu.memory_space<vmem>> -> memref<1x128xi32, #tpu.memory_space<vmem>>
    %dma_wait3A_583 = tpu.memref_squeeze %dma_wait3A_582 : memref<1x128xi32, #tpu.memory_space<vmem>> -> memref<128xi32, #tpu.memory_space<vmem>>
    %dma_wait3A_584 = arith.constant 0 : i32
    %dma_wait3A_585 = arith.constant 0 : i32
    %dma_wait3A_586 = tpu.memref_slice %arg8[%dma_wait3A_584, %dma_wait3A_585] : memref<2048x64xf32, #tpu.memory_space<vmem_shared>> -> memref<2048x64xf32, #tpu.memory_space<vmem_shared>>
    tpu.wait_indirect_dma semaphore(%arg10 : memref<!tpu.dma_semaphore, #tpu.memory_space<semaphore_mem>>) src(%dma_wait3A_586 : memref<2048x64xf32, #tpu.memory_space<vmem_shared>>) dst(%dma_wait3A_580 : memref<128x64xf32, #tpu.memory_space<vmem>>)
    %add3A_587 = arith.constant 1152 : i32
    %add3A_588 = arith.addi %mul3A_4, %add3A_587 : i32
    %dma_start3A_589 = arith.constant 1 : i32
    %dma_start3A_590 = arith.constant 0 : i32
    %dma_start3A_591 = arith.constant 0 : i32
    %dma_start3A_592 = tpu.memref_slice %arg7[%dma_start3A_589, %dma_start3A_590, %dma_start3A_591] : memref<8x128x64xf32, #tpu.memory_space<vmem>> -> memref<1x128x64xf32, #tpu.memory_space<vmem>>
    %dma_start3A_593 = tpu.memref_squeeze %dma_start3A_592 : memref<1x128x64xf32, #tpu.memory_space<vmem>> -> memref<128x64xf32, #tpu.memory_space<vmem>>
    %dma_start3A_594 = arith.constant 0 : i32
    %dma_start3A_595 = tpu.memref_slice %arg4[%add3A_588, %dma_start3A_594] : memref<131072x64xf32, #tpu.memory_space<hbm>> -> memref<128x64xf32, #tpu.memory_space<hbm>>
    %dma_start3A_596 = arith.constant 0 : i32
    %dma_start3A_597 = tpu.memref_slice %arg4[%add3A_588, %dma_start3A_596] : memref<131072x64xf32, #tpu.memory_space<hbm>> -> memref<128x64xf32, #tpu.memory_space<hbm>>
    %dma_start3A_598 = arith.constant 0 : i32
    %dma_start3A_599 = arith.constant 0 : i32
    %dma_start3A_600 = tpu.memref_slice %arg7[%dma_start3A_589, %dma_start3A_598, %dma_start3A_599] : memref<8x128x64xf32, #tpu.memory_space<vmem>> -> memref<1x128x64xf32, #tpu.memory_space<vmem>>
    %dma_start3A_601 = tpu.memref_squeeze %dma_start3A_600 : memref<1x128x64xf32, #tpu.memory_space<vmem>> -> memref<128x64xf32, #tpu.memory_space<vmem>>
    tpu.enqueue_dma source(%dma_start3A_601 : memref<128x64xf32, #tpu.memory_space<vmem>>) target(%dma_start3A_597 : memref<128x64xf32, #tpu.memory_space<hbm>>) target_semaphore(%arg18 : memref<!tpu.dma_semaphore, #tpu.memory_space<semaphore_mem>>)
    %dma_wait3A_602 = arith.constant 6 : i32
    %dma_wait3A_603 = arith.constant 0 : i32
    %dma_wait3A_604 = arith.constant 0 : i32
    %dma_wait3A_605 = tpu.memref_slice %arg7[%dma_wait3A_602, %dma_wait3A_603, %dma_wait3A_604] : memref<8x128x64xf32, #tpu.memory_space<vmem>> -> memref<1x128x64xf32, #tpu.memory_space<vmem>>
    %dma_wait3A_606 = tpu.memref_squeeze %dma_wait3A_605 : memref<1x128x64xf32, #tpu.memory_space<vmem>> -> memref<128x64xf32, #tpu.memory_space<vmem>>
    %dma_wait3A_607 = arith.constant 0 : i32
    %dma_wait3A_608 = tpu.memref_slice %arg4[%add3A_432, %dma_wait3A_607] : memref<131072x64xf32, #tpu.memory_space<hbm>> -> memref<128x64xf32, #tpu.memory_space<hbm>>
    %dma_wait3A_609 = arith.constant 0 : i32
    %dma_wait3A_610 = tpu.memref_slice %arg4[%add3A_432, %dma_wait3A_609] : memref<131072x64xf32, #tpu.memory_space<hbm>> -> memref<128x64xf32, #tpu.memory_space<hbm>>
    %dma_wait3A_611 = arith.constant 0 : i32
    %dma_wait3A_612 = arith.constant 0 : i32
    %dma_wait3A_613 = tpu.memref_slice %arg7[%dma_wait3A_602, %dma_wait3A_611, %dma_wait3A_612] : memref<8x128x64xf32, #tpu.memory_space<vmem>> -> memref<1x128x64xf32, #tpu.memory_space<vmem>>
    %dma_wait3A_614 = tpu.memref_squeeze %dma_wait3A_613 : memref<1x128x64xf32, #tpu.memory_space<vmem>> -> memref<128x64xf32, #tpu.memory_space<vmem>>
    tpu.wait_dma2 semaphore(%arg23 : memref<!tpu.dma_semaphore, #tpu.memory_space<semaphore_mem>>) src(%dma_wait3A_614 : memref<128x64xf32, #tpu.memory_space<vmem>>) dst(%dma_wait3A_610 : memref<128x64xf32, #tpu.memory_space<hbm>>)
    %dma_start3A_615 = arith.constant 14 : i32
    %dma_start3A_616 = arith.constant 6 : i32
    %dma_start3A_617 = arith.constant 0 : i32
    %dma_start3A_618 = arith.constant 0 : i32
    %dma_start3A_619 = tpu.memref_slice %arg7[%dma_start3A_616, %dma_start3A_617, %dma_start3A_618] : memref<8x128x64xf32, #tpu.memory_space<vmem>> -> memref<1x128x64xf32, #tpu.memory_space<vmem>>
    %dma_start3A_620 = tpu.memref_squeeze %dma_start3A_619 : memref<1x128x64xf32, #tpu.memory_space<vmem>> -> memref<128x64xf32, #tpu.memory_space<vmem>>
    %dma_start3A_621 = arith.constant 0 : i32
    %dma_start3A_622 = tpu.memref_slice %arg6[%dma_start3A_615, %dma_start3A_621] : memref<32x128xi32, #tpu.memory_space<vmem>> -> memref<1x128xi32, #tpu.memory_space<vmem>>
    %dma_start3A_623 = tpu.memref_squeeze %dma_start3A_622 : memref<1x128xi32, #tpu.memory_space<vmem>> -> memref<128xi32, #tpu.memory_space<vmem>>
    %dma_start3A_624 = arith.constant 0 : i32
    %dma_start3A_625 = arith.constant 0 : i32
    %dma_start3A_626 = tpu.memref_slice %arg8[%dma_start3A_624, %dma_start3A_625] : memref<2048x64xf32, #tpu.memory_space<vmem_shared>> -> memref<2048x64xf32, #tpu.memory_space<vmem_shared>>
    tpu.enqueue_indirect_dma source(%dma_start3A_626 : memref<2048x64xf32, #tpu.memory_space<vmem_shared>>) target(%dma_start3A_620 : memref<128x64xf32, #tpu.memory_space<vmem>>) offsets(%dma_start3A_623 : memref<128xi32, #tpu.memory_space<vmem>>) semaphore(%arg15 : memref<!tpu.dma_semaphore, #tpu.memory_space<semaphore_mem>>)
    %dma_wait3A_627 = arith.constant 10 : i32
    %dma_wait3A_628 = arith.constant 2 : i32
    %dma_wait3A_629 = arith.constant 0 : i32
    %dma_wait3A_630 = arith.constant 0 : i32
    %dma_wait3A_631 = tpu.memref_slice %arg7[%dma_wait3A_628, %dma_wait3A_629, %dma_wait3A_630] : memref<8x128x64xf32, #tpu.memory_space<vmem>> -> memref<1x128x64xf32, #tpu.memory_space<vmem>>
    %dma_wait3A_632 = tpu.memref_squeeze %dma_wait3A_631 : memref<1x128x64xf32, #tpu.memory_space<vmem>> -> memref<128x64xf32, #tpu.memory_space<vmem>>
    %dma_wait3A_633 = arith.constant 0 : i32
    %dma_wait3A_634 = tpu.memref_slice %arg6[%dma_wait3A_627, %dma_wait3A_633] : memref<32x128xi32, #tpu.memory_space<vmem>> -> memref<1x128xi32, #tpu.memory_space<vmem>>
    %dma_wait3A_635 = tpu.memref_squeeze %dma_wait3A_634 : memref<1x128xi32, #tpu.memory_space<vmem>> -> memref<128xi32, #tpu.memory_space<vmem>>
    %dma_wait3A_636 = arith.constant 0 : i32
    %dma_wait3A_637 = arith.constant 0 : i32
    %dma_wait3A_638 = tpu.memref_slice %arg8[%dma_wait3A_636, %dma_wait3A_637] : memref<2048x64xf32, #tpu.memory_space<vmem_shared>> -> memref<2048x64xf32, #tpu.memory_space<vmem_shared>>
    tpu.wait_indirect_dma semaphore(%arg11 : memref<!tpu.dma_semaphore, #tpu.memory_space<semaphore_mem>>) src(%dma_wait3A_638 : memref<2048x64xf32, #tpu.memory_space<vmem_shared>>) dst(%dma_wait3A_632 : memref<128x64xf32, #tpu.memory_space<vmem>>)
    %add3A_639 = arith.constant 1280 : i32
    %add3A_640 = arith.addi %mul3A_4, %add3A_639 : i32
    %dma_start3A_641 = arith.constant 2 : i32
    %dma_start3A_642 = arith.constant 0 : i32
    %dma_start3A_643 = arith.constant 0 : i32
    %dma_start3A_644 = tpu.memref_slice %arg7[%dma_start3A_641, %dma_start3A_642, %dma_start3A_643] : memref<8x128x64xf32, #tpu.memory_space<vmem>> -> memref<1x128x64xf32, #tpu.memory_space<vmem>>
    %dma_start3A_645 = tpu.memref_squeeze %dma_start3A_644 : memref<1x128x64xf32, #tpu.memory_space<vmem>> -> memref<128x64xf32, #tpu.memory_space<vmem>>
    %dma_start3A_646 = arith.constant 0 : i32
    %dma_start3A_647 = tpu.memref_slice %arg4[%add3A_640, %dma_start3A_646] : memref<131072x64xf32, #tpu.memory_space<hbm>> -> memref<128x64xf32, #tpu.memory_space<hbm>>
    %dma_start3A_648 = arith.constant 0 : i32
    %dma_start3A_649 = tpu.memref_slice %arg4[%add3A_640, %dma_start3A_648] : memref<131072x64xf32, #tpu.memory_space<hbm>> -> memref<128x64xf32, #tpu.memory_space<hbm>>
    %dma_start3A_650 = arith.constant 0 : i32
    %dma_start3A_651 = arith.constant 0 : i32
    %dma_start3A_652 = tpu.memref_slice %arg7[%dma_start3A_641, %dma_start3A_650, %dma_start3A_651] : memref<8x128x64xf32, #tpu.memory_space<vmem>> -> memref<1x128x64xf32, #tpu.memory_space<vmem>>
    %dma_start3A_653 = tpu.memref_squeeze %dma_start3A_652 : memref<1x128x64xf32, #tpu.memory_space<vmem>> -> memref<128x64xf32, #tpu.memory_space<vmem>>
    tpu.enqueue_dma source(%dma_start3A_653 : memref<128x64xf32, #tpu.memory_space<vmem>>) target(%dma_start3A_649 : memref<128x64xf32, #tpu.memory_space<hbm>>) target_semaphore(%arg19 : memref<!tpu.dma_semaphore, #tpu.memory_space<semaphore_mem>>)
    %dma_wait3A_654 = arith.constant 7 : i32
    %dma_wait3A_655 = arith.constant 0 : i32
    %dma_wait3A_656 = arith.constant 0 : i32
    %dma_wait3A_657 = tpu.memref_slice %arg7[%dma_wait3A_654, %dma_wait3A_655, %dma_wait3A_656] : memref<8x128x64xf32, #tpu.memory_space<vmem>> -> memref<1x128x64xf32, #tpu.memory_space<vmem>>
    %dma_wait3A_658 = tpu.memref_squeeze %dma_wait3A_657 : memref<1x128x64xf32, #tpu.memory_space<vmem>> -> memref<128x64xf32, #tpu.memory_space<vmem>>
    %dma_wait3A_659 = arith.constant 0 : i32
    %dma_wait3A_660 = tpu.memref_slice %arg4[%add3A_484, %dma_wait3A_659] : memref<131072x64xf32, #tpu.memory_space<hbm>> -> memref<128x64xf32, #tpu.memory_space<hbm>>
    %dma_wait3A_661 = arith.constant 0 : i32
    %dma_wait3A_662 = tpu.memref_slice %arg4[%add3A_484, %dma_wait3A_661] : memref<131072x64xf32, #tpu.memory_space<hbm>> -> memref<128x64xf32, #tpu.memory_space<hbm>>
    %dma_wait3A_663 = arith.constant 0 : i32
    %dma_wait3A_664 = arith.constant 0 : i32
    %dma_wait3A_665 = tpu.memref_slice %arg7[%dma_wait3A_654, %dma_wait3A_663, %dma_wait3A_664] : memref<8x128x64xf32, #tpu.memory_space<vmem>> -> memref<1x128x64xf32, #tpu.memory_space<vmem>>
    %dma_wait3A_666 = tpu.memref_squeeze %dma_wait3A_665 : memref<1x128x64xf32, #tpu.memory_space<vmem>> -> memref<128x64xf32, #tpu.memory_space<vmem>>
    tpu.wait_dma2 semaphore(%arg24 : memref<!tpu.dma_semaphore, #tpu.memory_space<semaphore_mem>>) src(%dma_wait3A_666 : memref<128x64xf32, #tpu.memory_space<vmem>>) dst(%dma_wait3A_662 : memref<128x64xf32, #tpu.memory_space<hbm>>)
    %dma_start3A_667 = arith.constant 15 : i32
    %dma_start3A_668 = arith.constant 7 : i32
    %dma_start3A_669 = arith.constant 0 : i32
    %dma_start3A_670 = arith.constant 0 : i32
    %dma_start3A_671 = tpu.memref_slice %arg7[%dma_start3A_668, %dma_start3A_669, %dma_start3A_670] : memref<8x128x64xf32, #tpu.memory_space<vmem>> -> memref<1x128x64xf32, #tpu.memory_space<vmem>>
    %dma_start3A_672 = tpu.memref_squeeze %dma_start3A_671 : memref<1x128x64xf32, #tpu.memory_space<vmem>> -> memref<128x64xf32, #tpu.memory_space<vmem>>
    %dma_start3A_673 = arith.constant 0 : i32
    %dma_start3A_674 = tpu.memref_slice %arg6[%dma_start3A_667, %dma_start3A_673] : memref<32x128xi32, #tpu.memory_space<vmem>> -> memref<1x128xi32, #tpu.memory_space<vmem>>
    %dma_start3A_675 = tpu.memref_squeeze %dma_start3A_674 : memref<1x128xi32, #tpu.memory_space<vmem>> -> memref<128xi32, #tpu.memory_space<vmem>>
    %dma_start3A_676 = arith.constant 0 : i32
    %dma_start3A_677 = arith.constant 0 : i32
    %dma_start3A_678 = tpu.memref_slice %arg8[%dma_start3A_676, %dma_start3A_677] : memref<2048x64xf32, #tpu.memory_space<vmem_shared>> -> memref<2048x64xf32, #tpu.memory_space<vmem_shared>>
    tpu.enqueue_indirect_dma source(%dma_start3A_678 : memref<2048x64xf32, #tpu.memory_space<vmem_shared>>) target(%dma_start3A_672 : memref<128x64xf32, #tpu.memory_space<vmem>>) offsets(%dma_start3A_675 : memref<128xi32, #tpu.memory_space<vmem>>) semaphore(%arg16 : memref<!tpu.dma_semaphore, #tpu.memory_space<semaphore_mem>>)
    %dma_wait3A_679 = arith.constant 11 : i32
    %dma_wait3A_680 = arith.constant 3 : i32
    %dma_wait3A_681 = arith.constant 0 : i32
    %dma_wait3A_682 = arith.constant 0 : i32
    %dma_wait3A_683 = tpu.memref_slice %arg7[%dma_wait3A_680, %dma_wait3A_681, %dma_wait3A_682] : memref<8x128x64xf32, #tpu.memory_space<vmem>> -> memref<1x128x64xf32, #tpu.memory_space<vmem>>
    %dma_wait3A_684 = tpu.memref_squeeze %dma_wait3A_683 : memref<1x128x64xf32, #tpu.memory_space<vmem>> -> memref<128x64xf32, #tpu.memory_space<vmem>>
    %dma_wait3A_685 = arith.constant 0 : i32
    %dma_wait3A_686 = tpu.memref_slice %arg6[%dma_wait3A_679, %dma_wait3A_685] : memref<32x128xi32, #tpu.memory_space<vmem>> -> memref<1x128xi32, #tpu.memory_space<vmem>>
    %dma_wait3A_687 = tpu.memref_squeeze %dma_wait3A_686 : memref<1x128xi32, #tpu.memory_space<vmem>> -> memref<128xi32, #tpu.memory_space<vmem>>
    %dma_wait3A_688 = arith.constant 0 : i32
    %dma_wait3A_689 = arith.constant 0 : i32
    %dma_wait3A_690 = tpu.memref_slice %arg8[%dma_wait3A_688, %dma_wait3A_689] : memref<2048x64xf32, #tpu.memory_space<vmem_shared>> -> memref<2048x64xf32, #tpu.memory_space<vmem_shared>>
    tpu.wait_indirect_dma semaphore(%arg12 : memref<!tpu.dma_semaphore, #tpu.memory_space<semaphore_mem>>) src(%dma_wait3A_690 : memref<2048x64xf32, #tpu.memory_space<vmem_shared>>) dst(%dma_wait3A_684 : memref<128x64xf32, #tpu.memory_space<vmem>>)
    %add3A_691 = arith.constant 1408 : i32
    %add3A_692 = arith.addi %mul3A_4, %add3A_691 : i32
    %dma_start3A_693 = arith.constant 3 : i32
    %dma_start3A_694 = arith.constant 0 : i32
    %dma_start3A_695 = arith.constant 0 : i32
    %dma_start3A_696 = tpu.memref_slice %arg7[%dma_start3A_693, %dma_start3A_694, %dma_start3A_695] : memref<8x128x64xf32, #tpu.memory_space<vmem>> -> memref<1x128x64xf32, #tpu.memory_space<vmem>>
    %dma_start3A_697 = tpu.memref_squeeze %dma_start3A_696 : memref<1x128x64xf32, #tpu.memory_space<vmem>> -> memref<128x64xf32, #tpu.memory_space<vmem>>
    %dma_start3A_698 = arith.constant 0 : i32
    %dma_start3A_699 = tpu.memref_slice %arg4[%add3A_692, %dma_start3A_698] : memref<131072x64xf32, #tpu.memory_space<hbm>> -> memref<128x64xf32, #tpu.memory_space<hbm>>
    %dma_start3A_700 = arith.constant 0 : i32
    %dma_start3A_701 = tpu.memref_slice %arg4[%add3A_692, %dma_start3A_700] : memref<131072x64xf32, #tpu.memory_space<hbm>> -> memref<128x64xf32, #tpu.memory_space<hbm>>
    %dma_start3A_702 = arith.constant 0 : i32
    %dma_start3A_703 = arith.constant 0 : i32
    %dma_start3A_704 = tpu.memref_slice %arg7[%dma_start3A_693, %dma_start3A_702, %dma_start3A_703] : memref<8x128x64xf32, #tpu.memory_space<vmem>> -> memref<1x128x64xf32, #tpu.memory_space<vmem>>
    %dma_start3A_705 = tpu.memref_squeeze %dma_start3A_704 : memref<1x128x64xf32, #tpu.memory_space<vmem>> -> memref<128x64xf32, #tpu.memory_space<vmem>>
    tpu.enqueue_dma source(%dma_start3A_705 : memref<128x64xf32, #tpu.memory_space<vmem>>) target(%dma_start3A_701 : memref<128x64xf32, #tpu.memory_space<hbm>>) target_semaphore(%arg20 : memref<!tpu.dma_semaphore, #tpu.memory_space<semaphore_mem>>)
    %dma_wait3A_706 = arith.constant 0 : i32
    %dma_wait3A_707 = arith.constant 0 : i32
    %dma_wait3A_708 = arith.constant 0 : i32
    %dma_wait3A_709 = tpu.memref_slice %arg7[%dma_wait3A_706, %dma_wait3A_707, %dma_wait3A_708] : memref<8x128x64xf32, #tpu.memory_space<vmem>> -> memref<1x128x64xf32, #tpu.memory_space<vmem>>
    %dma_wait3A_710 = tpu.memref_squeeze %dma_wait3A_709 : memref<1x128x64xf32, #tpu.memory_space<vmem>> -> memref<128x64xf32, #tpu.memory_space<vmem>>
    %dma_wait3A_711 = arith.constant 0 : i32
    %dma_wait3A_712 = tpu.memref_slice %arg4[%add3A_536, %dma_wait3A_711] : memref<131072x64xf32, #tpu.memory_space<hbm>> -> memref<128x64xf32, #tpu.memory_space<hbm>>
    %dma_wait3A_713 = arith.constant 0 : i32
    %dma_wait3A_714 = tpu.memref_slice %arg4[%add3A_536, %dma_wait3A_713] : memref<131072x64xf32, #tpu.memory_space<hbm>> -> memref<128x64xf32, #tpu.memory_space<hbm>>
    %dma_wait3A_715 = arith.constant 0 : i32
    %dma_wait3A_716 = arith.constant 0 : i32
    %dma_wait3A_717 = tpu.memref_slice %arg7[%dma_wait3A_706, %dma_wait3A_715, %dma_wait3A_716] : memref<8x128x64xf32, #tpu.memory_space<vmem>> -> memref<1x128x64xf32, #tpu.memory_space<vmem>>
    %dma_wait3A_718 = tpu.memref_squeeze %dma_wait3A_717 : memref<1x128x64xf32, #tpu.memory_space<vmem>> -> memref<128x64xf32, #tpu.memory_space<vmem>>
    tpu.wait_dma2 semaphore(%arg17 : memref<!tpu.dma_semaphore, #tpu.memory_space<semaphore_mem>>) src(%dma_wait3A_718 : memref<128x64xf32, #tpu.memory_space<vmem>>) dst(%dma_wait3A_714 : memref<128x64xf32, #tpu.memory_space<hbm>>)
    %dma_start3A_719 = arith.constant 16 : i32
    %dma_start3A_720 = arith.constant 0 : i32
    %dma_start3A_721 = arith.constant 0 : i32
    %dma_start3A_722 = arith.constant 0 : i32
    %dma_start3A_723 = tpu.memref_slice %arg7[%dma_start3A_720, %dma_start3A_721, %dma_start3A_722] : memref<8x128x64xf32, #tpu.memory_space<vmem>> -> memref<1x128x64xf32, #tpu.memory_space<vmem>>
    %dma_start3A_724 = tpu.memref_squeeze %dma_start3A_723 : memref<1x128x64xf32, #tpu.memory_space<vmem>> -> memref<128x64xf32, #tpu.memory_space<vmem>>
    %dma_start3A_725 = arith.constant 0 : i32
    %dma_start3A_726 = tpu.memref_slice %arg6[%dma_start3A_719, %dma_start3A_725] : memref<32x128xi32, #tpu.memory_space<vmem>> -> memref<1x128xi32, #tpu.memory_space<vmem>>
    %dma_start3A_727 = tpu.memref_squeeze %dma_start3A_726 : memref<1x128xi32, #tpu.memory_space<vmem>> -> memref<128xi32, #tpu.memory_space<vmem>>
    %dma_start3A_728 = arith.constant 0 : i32
    %dma_start3A_729 = arith.constant 0 : i32
    %dma_start3A_730 = tpu.memref_slice %arg8[%dma_start3A_728, %dma_start3A_729] : memref<2048x64xf32, #tpu.memory_space<vmem_shared>> -> memref<2048x64xf32, #tpu.memory_space<vmem_shared>>
    tpu.enqueue_indirect_dma source(%dma_start3A_730 : memref<2048x64xf32, #tpu.memory_space<vmem_shared>>) target(%dma_start3A_724 : memref<128x64xf32, #tpu.memory_space<vmem>>) offsets(%dma_start3A_727 : memref<128xi32, #tpu.memory_space<vmem>>) semaphore(%arg9 : memref<!tpu.dma_semaphore, #tpu.memory_space<semaphore_mem>>)
    %dma_wait3A_731 = arith.constant 12 : i32
    %dma_wait3A_732 = arith.constant 4 : i32
    %dma_wait3A_733 = arith.constant 0 : i32
    %dma_wait3A_734 = arith.constant 0 : i32
    %dma_wait3A_735 = tpu.memref_slice %arg7[%dma_wait3A_732, %dma_wait3A_733, %dma_wait3A_734] : memref<8x128x64xf32, #tpu.memory_space<vmem>> -> memref<1x128x64xf32, #tpu.memory_space<vmem>>
    %dma_wait3A_736 = tpu.memref_squeeze %dma_wait3A_735 : memref<1x128x64xf32, #tpu.memory_space<vmem>> -> memref<128x64xf32, #tpu.memory_space<vmem>>
    %dma_wait3A_737 = arith.constant 0 : i32
    %dma_wait3A_738 = tpu.memref_slice %arg6[%dma_wait3A_731, %dma_wait3A_737] : memref<32x128xi32, #tpu.memory_space<vmem>> -> memref<1x128xi32, #tpu.memory_space<vmem>>
    %dma_wait3A_739 = tpu.memref_squeeze %dma_wait3A_738 : memref<1x128xi32, #tpu.memory_space<vmem>> -> memref<128xi32, #tpu.memory_space<vmem>>
    %dma_wait3A_740 = arith.constant 0 : i32
    %dma_wait3A_741 = arith.constant 0 : i32
    %dma_wait3A_742 = tpu.memref_slice %arg8[%dma_wait3A_740, %dma_wait3A_741] : memref<2048x64xf32, #tpu.memory_space<vmem_shared>> -> memref<2048x64xf32, #tpu.memory_space<vmem_shared>>
    tpu.wait_indirect_dma semaphore(%arg13 : memref<!tpu.dma_semaphore, #tpu.memory_space<semaphore_mem>>) src(%dma_wait3A_742 : memref<2048x64xf32, #tpu.memory_space<vmem_shared>>) dst(%dma_wait3A_736 : memref<128x64xf32, #tpu.memory_space<vmem>>)
    %add3A_743 = arith.constant 1536 : i32
    %add3A_744 = arith.addi %mul3A_4, %add3A_743 : i32
    %dma_start3A_745 = arith.constant 4 : i32
    %dma_start3A_746 = arith.constant 0 : i32
    %dma_start3A_747 = arith.constant 0 : i32
    %dma_start3A_748 = tpu.memref_slice %arg7[%dma_start3A_745, %dma_start3A_746, %dma_start3A_747] : memref<8x128x64xf32, #tpu.memory_space<vmem>> -> memref<1x128x64xf32, #tpu.memory_space<vmem>>
    %dma_start3A_749 = tpu.memref_squeeze %dma_start3A_748 : memref<1x128x64xf32, #tpu.memory_space<vmem>> -> memref<128x64xf32, #tpu.memory_space<vmem>>
    %dma_start3A_750 = arith.constant 0 : i32
    %dma_start3A_751 = tpu.memref_slice %arg4[%add3A_744, %dma_start3A_750] : memref<131072x64xf32, #tpu.memory_space<hbm>> -> memref<128x64xf32, #tpu.memory_space<hbm>>
    %dma_start3A_752 = arith.constant 0 : i32
    %dma_start3A_753 = tpu.memref_slice %arg4[%add3A_744, %dma_start3A_752] : memref<131072x64xf32, #tpu.memory_space<hbm>> -> memref<128x64xf32, #tpu.memory_space<hbm>>
    %dma_start3A_754 = arith.constant 0 : i32
    %dma_start3A_755 = arith.constant 0 : i32
    %dma_start3A_756 = tpu.memref_slice %arg7[%dma_start3A_745, %dma_start3A_754, %dma_start3A_755] : memref<8x128x64xf32, #tpu.memory_space<vmem>> -> memref<1x128x64xf32, #tpu.memory_space<vmem>>
    %dma_start3A_757 = tpu.memref_squeeze %dma_start3A_756 : memref<1x128x64xf32, #tpu.memory_space<vmem>> -> memref<128x64xf32, #tpu.memory_space<vmem>>
    tpu.enqueue_dma source(%dma_start3A_757 : memref<128x64xf32, #tpu.memory_space<vmem>>) target(%dma_start3A_753 : memref<128x64xf32, #tpu.memory_space<hbm>>) target_semaphore(%arg21 : memref<!tpu.dma_semaphore, #tpu.memory_space<semaphore_mem>>)
    %dma_wait3A_758 = arith.constant 1 : i32
    %dma_wait3A_759 = arith.constant 0 : i32
    %dma_wait3A_760 = arith.constant 0 : i32
    %dma_wait3A_761 = tpu.memref_slice %arg7[%dma_wait3A_758, %dma_wait3A_759, %dma_wait3A_760] : memref<8x128x64xf32, #tpu.memory_space<vmem>> -> memref<1x128x64xf32, #tpu.memory_space<vmem>>
    %dma_wait3A_762 = tpu.memref_squeeze %dma_wait3A_761 : memref<1x128x64xf32, #tpu.memory_space<vmem>> -> memref<128x64xf32, #tpu.memory_space<vmem>>
    %dma_wait3A_763 = arith.constant 0 : i32
    %dma_wait3A_764 = tpu.memref_slice %arg4[%add3A_588, %dma_wait3A_763] : memref<131072x64xf32, #tpu.memory_space<hbm>> -> memref<128x64xf32, #tpu.memory_space<hbm>>
    %dma_wait3A_765 = arith.constant 0 : i32
    %dma_wait3A_766 = tpu.memref_slice %arg4[%add3A_588, %dma_wait3A_765] : memref<131072x64xf32, #tpu.memory_space<hbm>> -> memref<128x64xf32, #tpu.memory_space<hbm>>
    %dma_wait3A_767 = arith.constant 0 : i32
    %dma_wait3A_768 = arith.constant 0 : i32
    %dma_wait3A_769 = tpu.memref_slice %arg7[%dma_wait3A_758, %dma_wait3A_767, %dma_wait3A_768] : memref<8x128x64xf32, #tpu.memory_space<vmem>> -> memref<1x128x64xf32, #tpu.memory_space<vmem>>
    %dma_wait3A_770 = tpu.memref_squeeze %dma_wait3A_769 : memref<1x128x64xf32, #tpu.memory_space<vmem>> -> memref<128x64xf32, #tpu.memory_space<vmem>>
    tpu.wait_dma2 semaphore(%arg18 : memref<!tpu.dma_semaphore, #tpu.memory_space<semaphore_mem>>) src(%dma_wait3A_770 : memref<128x64xf32, #tpu.memory_space<vmem>>) dst(%dma_wait3A_766 : memref<128x64xf32, #tpu.memory_space<hbm>>)
    %dma_start3A_771 = arith.constant 17 : i32
    %dma_start3A_772 = arith.constant 1 : i32
    %dma_start3A_773 = arith.constant 0 : i32
    %dma_start3A_774 = arith.constant 0 : i32
    %dma_start3A_775 = tpu.memref_slice %arg7[%dma_start3A_772, %dma_start3A_773, %dma_start3A_774] : memref<8x128x64xf32, #tpu.memory_space<vmem>> -> memref<1x128x64xf32, #tpu.memory_space<vmem>>
    %dma_start3A_776 = tpu.memref_squeeze %dma_start3A_775 : memref<1x128x64xf32, #tpu.memory_space<vmem>> -> memref<128x64xf32, #tpu.memory_space<vmem>>
    %dma_start3A_777 = arith.constant 0 : i32
    %dma_start3A_778 = tpu.memref_slice %arg6[%dma_start3A_771, %dma_start3A_777] : memref<32x128xi32, #tpu.memory_space<vmem>> -> memref<1x128xi32, #tpu.memory_space<vmem>>
    %dma_start3A_779 = tpu.memref_squeeze %dma_start3A_778 : memref<1x128xi32, #tpu.memory_space<vmem>> -> memref<128xi32, #tpu.memory_space<vmem>>
    %dma_start3A_780 = arith.constant 0 : i32
    %dma_start3A_781 = arith.constant 0 : i32
    %dma_start3A_782 = tpu.memref_slice %arg8[%dma_start3A_780, %dma_start3A_781] : memref<2048x64xf32, #tpu.memory_space<vmem_shared>> -> memref<2048x64xf32, #tpu.memory_space<vmem_shared>>
    tpu.enqueue_indirect_dma source(%dma_start3A_782 : memref<2048x64xf32, #tpu.memory_space<vmem_shared>>) target(%dma_start3A_776 : memref<128x64xf32, #tpu.memory_space<vmem>>) offsets(%dma_start3A_779 : memref<128xi32, #tpu.memory_space<vmem>>) semaphore(%arg10 : memref<!tpu.dma_semaphore, #tpu.memory_space<semaphore_mem>>)
    %dma_wait3A_783 = arith.constant 13 : i32
    %dma_wait3A_784 = arith.constant 5 : i32
    %dma_wait3A_785 = arith.constant 0 : i32
    %dma_wait3A_786 = arith.constant 0 : i32
    %dma_wait3A_787 = tpu.memref_slice %arg7[%dma_wait3A_784, %dma_wait3A_785, %dma_wait3A_786] : memref<8x128x64xf32, #tpu.memory_space<vmem>> -> memref<1x128x64xf32, #tpu.memory_space<vmem>>
    %dma_wait3A_788 = tpu.memref_squeeze %dma_wait3A_787 : memref<1x128x64xf32, #tpu.memory_space<vmem>> -> memref<128x64xf32, #tpu.memory_space<vmem>>
    %dma_wait3A_789 = arith.constant 0 : i32
    %dma_wait3A_790 = tpu.memref_slice %arg6[%dma_wait3A_783, %dma_wait3A_789] : memref<32x128xi32, #tpu.memory_space<vmem>> -> memref<1x128xi32, #tpu.memory_space<vmem>>
    %dma_wait3A_791 = tpu.memref_squeeze %dma_wait3A_790 : memref<1x128xi32, #tpu.memory_space<vmem>> -> memref<128xi32, #tpu.memory_space<vmem>>
    %dma_wait3A_792 = arith.constant 0 : i32
    %dma_wait3A_793 = arith.constant 0 : i32
    %dma_wait3A_794 = tpu.memref_slice %arg8[%dma_wait3A_792, %dma_wait3A_793] : memref<2048x64xf32, #tpu.memory_space<vmem_shared>> -> memref<2048x64xf32, #tpu.memory_space<vmem_shared>>
    tpu.wait_indirect_dma semaphore(%arg14 : memref<!tpu.dma_semaphore, #tpu.memory_space<semaphore_mem>>) src(%dma_wait3A_794 : memref<2048x64xf32, #tpu.memory_space<vmem_shared>>) dst(%dma_wait3A_788 : memref<128x64xf32, #tpu.memory_space<vmem>>)
    %add3A_795 = arith.constant 1664 : i32
    %add3A_796 = arith.addi %mul3A_4, %add3A_795 : i32
    %dma_start3A_797 = arith.constant 5 : i32
    %dma_start3A_798 = arith.constant 0 : i32
    %dma_start3A_799 = arith.constant 0 : i32
    %dma_start3A_800 = tpu.memref_slice %arg7[%dma_start3A_797, %dma_start3A_798, %dma_start3A_799] : memref<8x128x64xf32, #tpu.memory_space<vmem>> -> memref<1x128x64xf32, #tpu.memory_space<vmem>>
    %dma_start3A_801 = tpu.memref_squeeze %dma_start3A_800 : memref<1x128x64xf32, #tpu.memory_space<vmem>> -> memref<128x64xf32, #tpu.memory_space<vmem>>
    %dma_start3A_802 = arith.constant 0 : i32
    %dma_start3A_803 = tpu.memref_slice %arg4[%add3A_796, %dma_start3A_802] : memref<131072x64xf32, #tpu.memory_space<hbm>> -> memref<128x64xf32, #tpu.memory_space<hbm>>
    %dma_start3A_804 = arith.constant 0 : i32
    %dma_start3A_805 = tpu.memref_slice %arg4[%add3A_796, %dma_start3A_804] : memref<131072x64xf32, #tpu.memory_space<hbm>> -> memref<128x64xf32, #tpu.memory_space<hbm>>
    %dma_start3A_806 = arith.constant 0 : i32
    %dma_start3A_807 = arith.constant 0 : i32
    %dma_start3A_808 = tpu.memref_slice %arg7[%dma_start3A_797, %dma_start3A_806, %dma_start3A_807] : memref<8x128x64xf32, #tpu.memory_space<vmem>> -> memref<1x128x64xf32, #tpu.memory_space<vmem>>
    %dma_start3A_809 = tpu.memref_squeeze %dma_start3A_808 : memref<1x128x64xf32, #tpu.memory_space<vmem>> -> memref<128x64xf32, #tpu.memory_space<vmem>>
    tpu.enqueue_dma source(%dma_start3A_809 : memref<128x64xf32, #tpu.memory_space<vmem>>) target(%dma_start3A_805 : memref<128x64xf32, #tpu.memory_space<hbm>>) target_semaphore(%arg22 : memref<!tpu.dma_semaphore, #tpu.memory_space<semaphore_mem>>)
    %dma_wait3A_810 = arith.constant 2 : i32
    %dma_wait3A_811 = arith.constant 0 : i32
    %dma_wait3A_812 = arith.constant 0 : i32
    %dma_wait3A_813 = tpu.memref_slice %arg7[%dma_wait3A_810, %dma_wait3A_811, %dma_wait3A_812] : memref<8x128x64xf32, #tpu.memory_space<vmem>> -> memref<1x128x64xf32, #tpu.memory_space<vmem>>
    %dma_wait3A_814 = tpu.memref_squeeze %dma_wait3A_813 : memref<1x128x64xf32, #tpu.memory_space<vmem>> -> memref<128x64xf32, #tpu.memory_space<vmem>>
    %dma_wait3A_815 = arith.constant 0 : i32
    %dma_wait3A_816 = tpu.memref_slice %arg4[%add3A_640, %dma_wait3A_815] : memref<131072x64xf32, #tpu.memory_space<hbm>> -> memref<128x64xf32, #tpu.memory_space<hbm>>
    %dma_wait3A_817 = arith.constant 0 : i32
    %dma_wait3A_818 = tpu.memref_slice %arg4[%add3A_640, %dma_wait3A_817] : memref<131072x64xf32, #tpu.memory_space<hbm>> -> memref<128x64xf32, #tpu.memory_space<hbm>>
    %dma_wait3A_819 = arith.constant 0 : i32
    %dma_wait3A_820 = arith.constant 0 : i32
    %dma_wait3A_821 = tpu.memref_slice %arg7[%dma_wait3A_810, %dma_wait3A_819, %dma_wait3A_820] : memref<8x128x64xf32, #tpu.memory_space<vmem>> -> memref<1x128x64xf32, #tpu.memory_space<vmem>>
    %dma_wait3A_822 = tpu.memref_squeeze %dma_wait3A_821 : memref<1x128x64xf32, #tpu.memory_space<vmem>> -> memref<128x64xf32, #tpu.memory_space<vmem>>
    tpu.wait_dma2 semaphore(%arg19 : memref<!tpu.dma_semaphore, #tpu.memory_space<semaphore_mem>>) src(%dma_wait3A_822 : memref<128x64xf32, #tpu.memory_space<vmem>>) dst(%dma_wait3A_818 : memref<128x64xf32, #tpu.memory_space<hbm>>)
    %dma_start3A_823 = arith.constant 18 : i32
    %dma_start3A_824 = arith.constant 2 : i32
    %dma_start3A_825 = arith.constant 0 : i32
    %dma_start3A_826 = arith.constant 0 : i32
    %dma_start3A_827 = tpu.memref_slice %arg7[%dma_start3A_824, %dma_start3A_825, %dma_start3A_826] : memref<8x128x64xf32, #tpu.memory_space<vmem>> -> memref<1x128x64xf32, #tpu.memory_space<vmem>>
    %dma_start3A_828 = tpu.memref_squeeze %dma_start3A_827 : memref<1x128x64xf32, #tpu.memory_space<vmem>> -> memref<128x64xf32, #tpu.memory_space<vmem>>
    %dma_start3A_829 = arith.constant 0 : i32
    %dma_start3A_830 = tpu.memref_slice %arg6[%dma_start3A_823, %dma_start3A_829] : memref<32x128xi32, #tpu.memory_space<vmem>> -> memref<1x128xi32, #tpu.memory_space<vmem>>
    %dma_start3A_831 = tpu.memref_squeeze %dma_start3A_830 : memref<1x128xi32, #tpu.memory_space<vmem>> -> memref<128xi32, #tpu.memory_space<vmem>>
    %dma_start3A_832 = arith.constant 0 : i32
    %dma_start3A_833 = arith.constant 0 : i32
    %dma_start3A_834 = tpu.memref_slice %arg8[%dma_start3A_832, %dma_start3A_833] : memref<2048x64xf32, #tpu.memory_space<vmem_shared>> -> memref<2048x64xf32, #tpu.memory_space<vmem_shared>>
    tpu.enqueue_indirect_dma source(%dma_start3A_834 : memref<2048x64xf32, #tpu.memory_space<vmem_shared>>) target(%dma_start3A_828 : memref<128x64xf32, #tpu.memory_space<vmem>>) offsets(%dma_start3A_831 : memref<128xi32, #tpu.memory_space<vmem>>) semaphore(%arg11 : memref<!tpu.dma_semaphore, #tpu.memory_space<semaphore_mem>>)
    %dma_wait3A_835 = arith.constant 14 : i32
    %dma_wait3A_836 = arith.constant 6 : i32
    %dma_wait3A_837 = arith.constant 0 : i32
    %dma_wait3A_838 = arith.constant 0 : i32
    %dma_wait3A_839 = tpu.memref_slice %arg7[%dma_wait3A_836, %dma_wait3A_837, %dma_wait3A_838] : memref<8x128x64xf32, #tpu.memory_space<vmem>> -> memref<1x128x64xf32, #tpu.memory_space<vmem>>
    %dma_wait3A_840 = tpu.memref_squeeze %dma_wait3A_839 : memref<1x128x64xf32, #tpu.memory_space<vmem>> -> memref<128x64xf32, #tpu.memory_space<vmem>>
    %dma_wait3A_841 = arith.constant 0 : i32
    %dma_wait3A_842 = tpu.memref_slice %arg6[%dma_wait3A_835, %dma_wait3A_841] : memref<32x128xi32, #tpu.memory_space<vmem>> -> memref<1x128xi32, #tpu.memory_space<vmem>>
    %dma_wait3A_843 = tpu.memref_squeeze %dma_wait3A_842 : memref<1x128xi32, #tpu.memory_space<vmem>> -> memref<128xi32, #tpu.memory_space<vmem>>
    %dma_wait3A_844 = arith.constant 0 : i32
    %dma_wait3A_845 = arith.constant 0 : i32
    %dma_wait3A_846 = tpu.memref_slice %arg8[%dma_wait3A_844, %dma_wait3A_845] : memref<2048x64xf32, #tpu.memory_space<vmem_shared>> -> memref<2048x64xf32, #tpu.memory_space<vmem_shared>>
    tpu.wait_indirect_dma semaphore(%arg15 : memref<!tpu.dma_semaphore, #tpu.memory_space<semaphore_mem>>) src(%dma_wait3A_846 : memref<2048x64xf32, #tpu.memory_space<vmem_shared>>) dst(%dma_wait3A_840 : memref<128x64xf32, #tpu.memory_space<vmem>>)
    %add3A_847 = arith.constant 1792 : i32
    %add3A_848 = arith.addi %mul3A_4, %add3A_847 : i32
    %dma_start3A_849 = arith.constant 6 : i32
    %dma_start3A_850 = arith.constant 0 : i32
    %dma_start3A_851 = arith.constant 0 : i32
    %dma_start3A_852 = tpu.memref_slice %arg7[%dma_start3A_849, %dma_start3A_850, %dma_start3A_851] : memref<8x128x64xf32, #tpu.memory_space<vmem>> -> memref<1x128x64xf32, #tpu.memory_space<vmem>>
    %dma_start3A_853 = tpu.memref_squeeze %dma_start3A_852 : memref<1x128x64xf32, #tpu.memory_space<vmem>> -> memref<128x64xf32, #tpu.memory_space<vmem>>
    %dma_start3A_854 = arith.constant 0 : i32
    %dma_start3A_855 = tpu.memref_slice %arg4[%add3A_848, %dma_start3A_854] : memref<131072x64xf32, #tpu.memory_space<hbm>> -> memref<128x64xf32, #tpu.memory_space<hbm>>
    %dma_start3A_856 = arith.constant 0 : i32
    %dma_start3A_857 = tpu.memref_slice %arg4[%add3A_848, %dma_start3A_856] : memref<131072x64xf32, #tpu.memory_space<hbm>> -> memref<128x64xf32, #tpu.memory_space<hbm>>
    %dma_start3A_858 = arith.constant 0 : i32
    %dma_start3A_859 = arith.constant 0 : i32
    %dma_start3A_860 = tpu.memref_slice %arg7[%dma_start3A_849, %dma_start3A_858, %dma_start3A_859] : memref<8x128x64xf32, #tpu.memory_space<vmem>> -> memref<1x128x64xf32, #tpu.memory_space<vmem>>
    %dma_start3A_861 = tpu.memref_squeeze %dma_start3A_860 : memref<1x128x64xf32, #tpu.memory_space<vmem>> -> memref<128x64xf32, #tpu.memory_space<vmem>>
    tpu.enqueue_dma source(%dma_start3A_861 : memref<128x64xf32, #tpu.memory_space<vmem>>) target(%dma_start3A_857 : memref<128x64xf32, #tpu.memory_space<hbm>>) target_semaphore(%arg23 : memref<!tpu.dma_semaphore, #tpu.memory_space<semaphore_mem>>)
    %dma_wait3A_862 = arith.constant 3 : i32
    %dma_wait3A_863 = arith.constant 0 : i32
    %dma_wait3A_864 = arith.constant 0 : i32
    %dma_wait3A_865 = tpu.memref_slice %arg7[%dma_wait3A_862, %dma_wait3A_863, %dma_wait3A_864] : memref<8x128x64xf32, #tpu.memory_space<vmem>> -> memref<1x128x64xf32, #tpu.memory_space<vmem>>
    %dma_wait3A_866 = tpu.memref_squeeze %dma_wait3A_865 : memref<1x128x64xf32, #tpu.memory_space<vmem>> -> memref<128x64xf32, #tpu.memory_space<vmem>>
    %dma_wait3A_867 = arith.constant 0 : i32
    %dma_wait3A_868 = tpu.memref_slice %arg4[%add3A_692, %dma_wait3A_867] : memref<131072x64xf32, #tpu.memory_space<hbm>> -> memref<128x64xf32, #tpu.memory_space<hbm>>
    %dma_wait3A_869 = arith.constant 0 : i32
    %dma_wait3A_870 = tpu.memref_slice %arg4[%add3A_692, %dma_wait3A_869] : memref<131072x64xf32, #tpu.memory_space<hbm>> -> memref<128x64xf32, #tpu.memory_space<hbm>>
    %dma_wait3A_871 = arith.constant 0 : i32
    %dma_wait3A_872 = arith.constant 0 : i32
    %dma_wait3A_873 = tpu.memref_slice %arg7[%dma_wait3A_862, %dma_wait3A_871, %dma_wait3A_872] : memref<8x128x64xf32, #tpu.memory_space<vmem>> -> memref<1x128x64xf32, #tpu.memory_space<vmem>>
    %dma_wait3A_874 = tpu.memref_squeeze %dma_wait3A_873 : memref<1x128x64xf32, #tpu.memory_space<vmem>> -> memref<128x64xf32, #tpu.memory_space<vmem>>
    tpu.wait_dma2 semaphore(%arg20 : memref<!tpu.dma_semaphore, #tpu.memory_space<semaphore_mem>>) src(%dma_wait3A_874 : memref<128x64xf32, #tpu.memory_space<vmem>>) dst(%dma_wait3A_870 : memref<128x64xf32, #tpu.memory_space<hbm>>)
    %dma_start3A_875 = arith.constant 19 : i32
    %dma_start3A_876 = arith.constant 3 : i32
    %dma_start3A_877 = arith.constant 0 : i32
    %dma_start3A_878 = arith.constant 0 : i32
    %dma_start3A_879 = tpu.memref_slice %arg7[%dma_start3A_876, %dma_start3A_877, %dma_start3A_878] : memref<8x128x64xf32, #tpu.memory_space<vmem>> -> memref<1x128x64xf32, #tpu.memory_space<vmem>>
    %dma_start3A_880 = tpu.memref_squeeze %dma_start3A_879 : memref<1x128x64xf32, #tpu.memory_space<vmem>> -> memref<128x64xf32, #tpu.memory_space<vmem>>
    %dma_start3A_881 = arith.constant 0 : i32
    %dma_start3A_882 = tpu.memref_slice %arg6[%dma_start3A_875, %dma_start3A_881] : memref<32x128xi32, #tpu.memory_space<vmem>> -> memref<1x128xi32, #tpu.memory_space<vmem>>
    %dma_start3A_883 = tpu.memref_squeeze %dma_start3A_882 : memref<1x128xi32, #tpu.memory_space<vmem>> -> memref<128xi32, #tpu.memory_space<vmem>>
    %dma_start3A_884 = arith.constant 0 : i32
    %dma_start3A_885 = arith.constant 0 : i32
    %dma_start3A_886 = tpu.memref_slice %arg8[%dma_start3A_884, %dma_start3A_885] : memref<2048x64xf32, #tpu.memory_space<vmem_shared>> -> memref<2048x64xf32, #tpu.memory_space<vmem_shared>>
    tpu.enqueue_indirect_dma source(%dma_start3A_886 : memref<2048x64xf32, #tpu.memory_space<vmem_shared>>) target(%dma_start3A_880 : memref<128x64xf32, #tpu.memory_space<vmem>>) offsets(%dma_start3A_883 : memref<128xi32, #tpu.memory_space<vmem>>) semaphore(%arg12 : memref<!tpu.dma_semaphore, #tpu.memory_space<semaphore_mem>>)
    %dma_wait3A_887 = arith.constant 15 : i32
    %dma_wait3A_888 = arith.constant 7 : i32
    %dma_wait3A_889 = arith.constant 0 : i32
    %dma_wait3A_890 = arith.constant 0 : i32
    %dma_wait3A_891 = tpu.memref_slice %arg7[%dma_wait3A_888, %dma_wait3A_889, %dma_wait3A_890] : memref<8x128x64xf32, #tpu.memory_space<vmem>> -> memref<1x128x64xf32, #tpu.memory_space<vmem>>
    %dma_wait3A_892 = tpu.memref_squeeze %dma_wait3A_891 : memref<1x128x64xf32, #tpu.memory_space<vmem>> -> memref<128x64xf32, #tpu.memory_space<vmem>>
    %dma_wait3A_893 = arith.constant 0 : i32
    %dma_wait3A_894 = tpu.memref_slice %arg6[%dma_wait3A_887, %dma_wait3A_893] : memref<32x128xi32, #tpu.memory_space<vmem>> -> memref<1x128xi32, #tpu.memory_space<vmem>>
    %dma_wait3A_895 = tpu.memref_squeeze %dma_wait3A_894 : memref<1x128xi32, #tpu.memory_space<vmem>> -> memref<128xi32, #tpu.memory_space<vmem>>
    %dma_wait3A_896 = arith.constant 0 : i32
    %dma_wait3A_897 = arith.constant 0 : i32
    %dma_wait3A_898 = tpu.memref_slice %arg8[%dma_wait3A_896, %dma_wait3A_897] : memref<2048x64xf32, #tpu.memory_space<vmem_shared>> -> memref<2048x64xf32, #tpu.memory_space<vmem_shared>>
    tpu.wait_indirect_dma semaphore(%arg16 : memref<!tpu.dma_semaphore, #tpu.memory_space<semaphore_mem>>) src(%dma_wait3A_898 : memref<2048x64xf32, #tpu.memory_space<vmem_shared>>) dst(%dma_wait3A_892 : memref<128x64xf32, #tpu.memory_space<vmem>>)
    %add3A_899 = arith.constant 1920 : i32
    %add3A_900 = arith.addi %mul3A_4, %add3A_899 : i32
    %dma_start3A_901 = arith.constant 7 : i32
    %dma_start3A_902 = arith.constant 0 : i32
    %dma_start3A_903 = arith.constant 0 : i32
    %dma_start3A_904 = tpu.memref_slice %arg7[%dma_start3A_901, %dma_start3A_902, %dma_start3A_903] : memref<8x128x64xf32, #tpu.memory_space<vmem>> -> memref<1x128x64xf32, #tpu.memory_space<vmem>>
    %dma_start3A_905 = tpu.memref_squeeze %dma_start3A_904 : memref<1x128x64xf32, #tpu.memory_space<vmem>> -> memref<128x64xf32, #tpu.memory_space<vmem>>
    %dma_start3A_906 = arith.constant 0 : i32
    %dma_start3A_907 = tpu.memref_slice %arg4[%add3A_900, %dma_start3A_906] : memref<131072x64xf32, #tpu.memory_space<hbm>> -> memref<128x64xf32, #tpu.memory_space<hbm>>
    %dma_start3A_908 = arith.constant 0 : i32
    %dma_start3A_909 = tpu.memref_slice %arg4[%add3A_900, %dma_start3A_908] : memref<131072x64xf32, #tpu.memory_space<hbm>> -> memref<128x64xf32, #tpu.memory_space<hbm>>
    %dma_start3A_910 = arith.constant 0 : i32
    %dma_start3A_911 = arith.constant 0 : i32
    %dma_start3A_912 = tpu.memref_slice %arg7[%dma_start3A_901, %dma_start3A_910, %dma_start3A_911] : memref<8x128x64xf32, #tpu.memory_space<vmem>> -> memref<1x128x64xf32, #tpu.memory_space<vmem>>
    %dma_start3A_913 = tpu.memref_squeeze %dma_start3A_912 : memref<1x128x64xf32, #tpu.memory_space<vmem>> -> memref<128x64xf32, #tpu.memory_space<vmem>>
    tpu.enqueue_dma source(%dma_start3A_913 : memref<128x64xf32, #tpu.memory_space<vmem>>) target(%dma_start3A_909 : memref<128x64xf32, #tpu.memory_space<hbm>>) target_semaphore(%arg24 : memref<!tpu.dma_semaphore, #tpu.memory_space<semaphore_mem>>)
    %dma_wait3A_914 = arith.constant 4 : i32
    %dma_wait3A_915 = arith.constant 0 : i32
    %dma_wait3A_916 = arith.constant 0 : i32
    %dma_wait3A_917 = tpu.memref_slice %arg7[%dma_wait3A_914, %dma_wait3A_915, %dma_wait3A_916] : memref<8x128x64xf32, #tpu.memory_space<vmem>> -> memref<1x128x64xf32, #tpu.memory_space<vmem>>
    %dma_wait3A_918 = tpu.memref_squeeze %dma_wait3A_917 : memref<1x128x64xf32, #tpu.memory_space<vmem>> -> memref<128x64xf32, #tpu.memory_space<vmem>>
    %dma_wait3A_919 = arith.constant 0 : i32
    %dma_wait3A_920 = tpu.memref_slice %arg4[%add3A_744, %dma_wait3A_919] : memref<131072x64xf32, #tpu.memory_space<hbm>> -> memref<128x64xf32, #tpu.memory_space<hbm>>
    %dma_wait3A_921 = arith.constant 0 : i32
    %dma_wait3A_922 = tpu.memref_slice %arg4[%add3A_744, %dma_wait3A_921] : memref<131072x64xf32, #tpu.memory_space<hbm>> -> memref<128x64xf32, #tpu.memory_space<hbm>>
    %dma_wait3A_923 = arith.constant 0 : i32
    %dma_wait3A_924 = arith.constant 0 : i32
    %dma_wait3A_925 = tpu.memref_slice %arg7[%dma_wait3A_914, %dma_wait3A_923, %dma_wait3A_924] : memref<8x128x64xf32, #tpu.memory_space<vmem>> -> memref<1x128x64xf32, #tpu.memory_space<vmem>>
    %dma_wait3A_926 = tpu.memref_squeeze %dma_wait3A_925 : memref<1x128x64xf32, #tpu.memory_space<vmem>> -> memref<128x64xf32, #tpu.memory_space<vmem>>
    tpu.wait_dma2 semaphore(%arg21 : memref<!tpu.dma_semaphore, #tpu.memory_space<semaphore_mem>>) src(%dma_wait3A_926 : memref<128x64xf32, #tpu.memory_space<vmem>>) dst(%dma_wait3A_922 : memref<128x64xf32, #tpu.memory_space<hbm>>)
    %dma_start3A_927 = arith.constant 20 : i32
    %dma_start3A_928 = arith.constant 4 : i32
    %dma_start3A_929 = arith.constant 0 : i32
    %dma_start3A_930 = arith.constant 0 : i32
    %dma_start3A_931 = tpu.memref_slice %arg7[%dma_start3A_928, %dma_start3A_929, %dma_start3A_930] : memref<8x128x64xf32, #tpu.memory_space<vmem>> -> memref<1x128x64xf32, #tpu.memory_space<vmem>>
    %dma_start3A_932 = tpu.memref_squeeze %dma_start3A_931 : memref<1x128x64xf32, #tpu.memory_space<vmem>> -> memref<128x64xf32, #tpu.memory_space<vmem>>
    %dma_start3A_933 = arith.constant 0 : i32
    %dma_start3A_934 = tpu.memref_slice %arg6[%dma_start3A_927, %dma_start3A_933] : memref<32x128xi32, #tpu.memory_space<vmem>> -> memref<1x128xi32, #tpu.memory_space<vmem>>
    %dma_start3A_935 = tpu.memref_squeeze %dma_start3A_934 : memref<1x128xi32, #tpu.memory_space<vmem>> -> memref<128xi32, #tpu.memory_space<vmem>>
    %dma_start3A_936 = arith.constant 0 : i32
    %dma_start3A_937 = arith.constant 0 : i32
    %dma_start3A_938 = tpu.memref_slice %arg8[%dma_start3A_936, %dma_start3A_937] : memref<2048x64xf32, #tpu.memory_space<vmem_shared>> -> memref<2048x64xf32, #tpu.memory_space<vmem_shared>>
    tpu.enqueue_indirect_dma source(%dma_start3A_938 : memref<2048x64xf32, #tpu.memory_space<vmem_shared>>) target(%dma_start3A_932 : memref<128x64xf32, #tpu.memory_space<vmem>>) offsets(%dma_start3A_935 : memref<128xi32, #tpu.memory_space<vmem>>) semaphore(%arg13 : memref<!tpu.dma_semaphore, #tpu.memory_space<semaphore_mem>>)
    %dma_wait3A_939 = arith.constant 16 : i32
    %dma_wait3A_940 = arith.constant 0 : i32
    %dma_wait3A_941 = arith.constant 0 : i32
    %dma_wait3A_942 = arith.constant 0 : i32
    %dma_wait3A_943 = tpu.memref_slice %arg7[%dma_wait3A_940, %dma_wait3A_941, %dma_wait3A_942] : memref<8x128x64xf32, #tpu.memory_space<vmem>> -> memref<1x128x64xf32, #tpu.memory_space<vmem>>
    %dma_wait3A_944 = tpu.memref_squeeze %dma_wait3A_943 : memref<1x128x64xf32, #tpu.memory_space<vmem>> -> memref<128x64xf32, #tpu.memory_space<vmem>>
    %dma_wait3A_945 = arith.constant 0 : i32
    %dma_wait3A_946 = tpu.memref_slice %arg6[%dma_wait3A_939, %dma_wait3A_945] : memref<32x128xi32, #tpu.memory_space<vmem>> -> memref<1x128xi32, #tpu.memory_space<vmem>>
    %dma_wait3A_947 = tpu.memref_squeeze %dma_wait3A_946 : memref<1x128xi32, #tpu.memory_space<vmem>> -> memref<128xi32, #tpu.memory_space<vmem>>
    %dma_wait3A_948 = arith.constant 0 : i32
    %dma_wait3A_949 = arith.constant 0 : i32
    %dma_wait3A_950 = tpu.memref_slice %arg8[%dma_wait3A_948, %dma_wait3A_949] : memref<2048x64xf32, #tpu.memory_space<vmem_shared>> -> memref<2048x64xf32, #tpu.memory_space<vmem_shared>>
    tpu.wait_indirect_dma semaphore(%arg9 : memref<!tpu.dma_semaphore, #tpu.memory_space<semaphore_mem>>) src(%dma_wait3A_950 : memref<2048x64xf32, #tpu.memory_space<vmem_shared>>) dst(%dma_wait3A_944 : memref<128x64xf32, #tpu.memory_space<vmem>>)
    %add3A_951 = arith.constant 2048 : i32
    %add3A_952 = arith.addi %mul3A_4, %add3A_951 : i32
    %dma_start3A_953 = arith.constant 0 : i32
    %dma_start3A_954 = arith.constant 0 : i32
    %dma_start3A_955 = arith.constant 0 : i32
    %dma_start3A_956 = tpu.memref_slice %arg7[%dma_start3A_953, %dma_start3A_954, %dma_start3A_955] : memref<8x128x64xf32, #tpu.memory_space<vmem>> -> memref<1x128x64xf32, #tpu.memory_space<vmem>>
    %dma_start3A_957 = tpu.memref_squeeze %dma_start3A_956 : memref<1x128x64xf32, #tpu.memory_space<vmem>> -> memref<128x64xf32, #tpu.memory_space<vmem>>
    %dma_start3A_958 = arith.constant 0 : i32
    %dma_start3A_959 = tpu.memref_slice %arg4[%add3A_952, %dma_start3A_958] : memref<131072x64xf32, #tpu.memory_space<hbm>> -> memref<128x64xf32, #tpu.memory_space<hbm>>
    %dma_start3A_960 = arith.constant 0 : i32
    %dma_start3A_961 = tpu.memref_slice %arg4[%add3A_952, %dma_start3A_960] : memref<131072x64xf32, #tpu.memory_space<hbm>> -> memref<128x64xf32, #tpu.memory_space<hbm>>
    %dma_start3A_962 = arith.constant 0 : i32
    %dma_start3A_963 = arith.constant 0 : i32
    %dma_start3A_964 = tpu.memref_slice %arg7[%dma_start3A_953, %dma_start3A_962, %dma_start3A_963] : memref<8x128x64xf32, #tpu.memory_space<vmem>> -> memref<1x128x64xf32, #tpu.memory_space<vmem>>
    %dma_start3A_965 = tpu.memref_squeeze %dma_start3A_964 : memref<1x128x64xf32, #tpu.memory_space<vmem>> -> memref<128x64xf32, #tpu.memory_space<vmem>>
    tpu.enqueue_dma source(%dma_start3A_965 : memref<128x64xf32, #tpu.memory_space<vmem>>) target(%dma_start3A_961 : memref<128x64xf32, #tpu.memory_space<hbm>>) target_semaphore(%arg17 : memref<!tpu.dma_semaphore, #tpu.memory_space<semaphore_mem>>)
    %dma_wait3A_966 = arith.constant 5 : i32
    %dma_wait3A_967 = arith.constant 0 : i32
    %dma_wait3A_968 = arith.constant 0 : i32
    %dma_wait3A_969 = tpu.memref_slice %arg7[%dma_wait3A_966, %dma_wait3A_967, %dma_wait3A_968] : memref<8x128x64xf32, #tpu.memory_space<vmem>> -> memref<1x128x64xf32, #tpu.memory_space<vmem>>
    %dma_wait3A_970 = tpu.memref_squeeze %dma_wait3A_969 : memref<1x128x64xf32, #tpu.memory_space<vmem>> -> memref<128x64xf32, #tpu.memory_space<vmem>>
    %dma_wait3A_971 = arith.constant 0 : i32
    %dma_wait3A_972 = tpu.memref_slice %arg4[%add3A_796, %dma_wait3A_971] : memref<131072x64xf32, #tpu.memory_space<hbm>> -> memref<128x64xf32, #tpu.memory_space<hbm>>
    %dma_wait3A_973 = arith.constant 0 : i32
    %dma_wait3A_974 = tpu.memref_slice %arg4[%add3A_796, %dma_wait3A_973] : memref<131072x64xf32, #tpu.memory_space<hbm>> -> memref<128x64xf32, #tpu.memory_space<hbm>>
    %dma_wait3A_975 = arith.constant 0 : i32
    %dma_wait3A_976 = arith.constant 0 : i32
    %dma_wait3A_977 = tpu.memref_slice %arg7[%dma_wait3A_966, %dma_wait3A_975, %dma_wait3A_976] : memref<8x128x64xf32, #tpu.memory_space<vmem>> -> memref<1x128x64xf32, #tpu.memory_space<vmem>>
    %dma_wait3A_978 = tpu.memref_squeeze %dma_wait3A_977 : memref<1x128x64xf32, #tpu.memory_space<vmem>> -> memref<128x64xf32, #tpu.memory_space<vmem>>
    tpu.wait_dma2 semaphore(%arg22 : memref<!tpu.dma_semaphore, #tpu.memory_space<semaphore_mem>>) src(%dma_wait3A_978 : memref<128x64xf32, #tpu.memory_space<vmem>>) dst(%dma_wait3A_974 : memref<128x64xf32, #tpu.memory_space<hbm>>)
    %dma_start3A_979 = arith.constant 21 : i32
    %dma_start3A_980 = arith.constant 5 : i32
    %dma_start3A_981 = arith.constant 0 : i32
    %dma_start3A_982 = arith.constant 0 : i32
    %dma_start3A_983 = tpu.memref_slice %arg7[%dma_start3A_980, %dma_start3A_981, %dma_start3A_982] : memref<8x128x64xf32, #tpu.memory_space<vmem>> -> memref<1x128x64xf32, #tpu.memory_space<vmem>>
    %dma_start3A_984 = tpu.memref_squeeze %dma_start3A_983 : memref<1x128x64xf32, #tpu.memory_space<vmem>> -> memref<128x64xf32, #tpu.memory_space<vmem>>
    %dma_start3A_985 = arith.constant 0 : i32
    %dma_start3A_986 = tpu.memref_slice %arg6[%dma_start3A_979, %dma_start3A_985] : memref<32x128xi32, #tpu.memory_space<vmem>> -> memref<1x128xi32, #tpu.memory_space<vmem>>
    %dma_start3A_987 = tpu.memref_squeeze %dma_start3A_986 : memref<1x128xi32, #tpu.memory_space<vmem>> -> memref<128xi32, #tpu.memory_space<vmem>>
    %dma_start3A_988 = arith.constant 0 : i32
    %dma_start3A_989 = arith.constant 0 : i32
    %dma_start3A_990 = tpu.memref_slice %arg8[%dma_start3A_988, %dma_start3A_989] : memref<2048x64xf32, #tpu.memory_space<vmem_shared>> -> memref<2048x64xf32, #tpu.memory_space<vmem_shared>>
    tpu.enqueue_indirect_dma source(%dma_start3A_990 : memref<2048x64xf32, #tpu.memory_space<vmem_shared>>) target(%dma_start3A_984 : memref<128x64xf32, #tpu.memory_space<vmem>>) offsets(%dma_start3A_987 : memref<128xi32, #tpu.memory_space<vmem>>) semaphore(%arg14 : memref<!tpu.dma_semaphore, #tpu.memory_space<semaphore_mem>>)
    %dma_wait3A_991 = arith.constant 17 : i32
    %dma_wait3A_992 = arith.constant 1 : i32
    %dma_wait3A_993 = arith.constant 0 : i32
    %dma_wait3A_994 = arith.constant 0 : i32
    %dma_wait3A_995 = tpu.memref_slice %arg7[%dma_wait3A_992, %dma_wait3A_993, %dma_wait3A_994] : memref<8x128x64xf32, #tpu.memory_space<vmem>> -> memref<1x128x64xf32, #tpu.memory_space<vmem>>
    %dma_wait3A_996 = tpu.memref_squeeze %dma_wait3A_995 : memref<1x128x64xf32, #tpu.memory_space<vmem>> -> memref<128x64xf32, #tpu.memory_space<vmem>>
    %dma_wait3A_997 = arith.constant 0 : i32
    %dma_wait3A_998 = tpu.memref_slice %arg6[%dma_wait3A_991, %dma_wait3A_997] : memref<32x128xi32, #tpu.memory_space<vmem>> -> memref<1x128xi32, #tpu.memory_space<vmem>>
    %dma_wait3A_999 = tpu.memref_squeeze %dma_wait3A_998 : memref<1x128xi32, #tpu.memory_space<vmem>> -> memref<128xi32, #tpu.memory_space<vmem>>
    %dma_wait3A_1000 = arith.constant 0 : i32
    %dma_wait3A_1001 = arith.constant 0 : i32
    %dma_wait3A_1002 = tpu.memref_slice %arg8[%dma_wait3A_1000, %dma_wait3A_1001] : memref<2048x64xf32, #tpu.memory_space<vmem_shared>> -> memref<2048x64xf32, #tpu.memory_space<vmem_shared>>
    tpu.wait_indirect_dma semaphore(%arg10 : memref<!tpu.dma_semaphore, #tpu.memory_space<semaphore_mem>>) src(%dma_wait3A_1002 : memref<2048x64xf32, #tpu.memory_space<vmem_shared>>) dst(%dma_wait3A_996 : memref<128x64xf32, #tpu.memory_space<vmem>>)
    %add3A_1003 = arith.constant 2176 : i32
    %add3A_1004 = arith.addi %mul3A_4, %add3A_1003 : i32
    %dma_start3A_1005 = arith.constant 1 : i32
    %dma_start3A_1006 = arith.constant 0 : i32
    %dma_start3A_1007 = arith.constant 0 : i32
    %dma_start3A_1008 = tpu.memref_slice %arg7[%dma_start3A_1005, %dma_start3A_1006, %dma_start3A_1007] : memref<8x128x64xf32, #tpu.memory_space<vmem>> -> memref<1x128x64xf32, #tpu.memory_space<vmem>>
    %dma_start3A_1009 = tpu.memref_squeeze %dma_start3A_1008 : memref<1x128x64xf32, #tpu.memory_space<vmem>> -> memref<128x64xf32, #tpu.memory_space<vmem>>
    %dma_start3A_1010 = arith.constant 0 : i32
    %dma_start3A_1011 = tpu.memref_slice %arg4[%add3A_1004, %dma_start3A_1010] : memref<131072x64xf32, #tpu.memory_space<hbm>> -> memref<128x64xf32, #tpu.memory_space<hbm>>
    %dma_start3A_1012 = arith.constant 0 : i32
    %dma_start3A_1013 = tpu.memref_slice %arg4[%add3A_1004, %dma_start3A_1012] : memref<131072x64xf32, #tpu.memory_space<hbm>> -> memref<128x64xf32, #tpu.memory_space<hbm>>
    %dma_start3A_1014 = arith.constant 0 : i32
    %dma_start3A_1015 = arith.constant 0 : i32
    %dma_start3A_1016 = tpu.memref_slice %arg7[%dma_start3A_1005, %dma_start3A_1014, %dma_start3A_1015] : memref<8x128x64xf32, #tpu.memory_space<vmem>> -> memref<1x128x64xf32, #tpu.memory_space<vmem>>
    %dma_start3A_1017 = tpu.memref_squeeze %dma_start3A_1016 : memref<1x128x64xf32, #tpu.memory_space<vmem>> -> memref<128x64xf32, #tpu.memory_space<vmem>>
    tpu.enqueue_dma source(%dma_start3A_1017 : memref<128x64xf32, #tpu.memory_space<vmem>>) target(%dma_start3A_1013 : memref<128x64xf32, #tpu.memory_space<hbm>>) target_semaphore(%arg18 : memref<!tpu.dma_semaphore, #tpu.memory_space<semaphore_mem>>)
    %dma_wait3A_1018 = arith.constant 6 : i32
    %dma_wait3A_1019 = arith.constant 0 : i32
    %dma_wait3A_1020 = arith.constant 0 : i32
    %dma_wait3A_1021 = tpu.memref_slice %arg7[%dma_wait3A_1018, %dma_wait3A_1019, %dma_wait3A_1020] : memref<8x128x64xf32, #tpu.memory_space<vmem>> -> memref<1x128x64xf32, #tpu.memory_space<vmem>>
    %dma_wait3A_1022 = tpu.memref_squeeze %dma_wait3A_1021 : memref<1x128x64xf32, #tpu.memory_space<vmem>> -> memref<128x64xf32, #tpu.memory_space<vmem>>
    %dma_wait3A_1023 = arith.constant 0 : i32
    %dma_wait3A_1024 = tpu.memref_slice %arg4[%add3A_848, %dma_wait3A_1023] : memref<131072x64xf32, #tpu.memory_space<hbm>> -> memref<128x64xf32, #tpu.memory_space<hbm>>
    %dma_wait3A_1025 = arith.constant 0 : i32
    %dma_wait3A_1026 = tpu.memref_slice %arg4[%add3A_848, %dma_wait3A_1025] : memref<131072x64xf32, #tpu.memory_space<hbm>> -> memref<128x64xf32, #tpu.memory_space<hbm>>
    %dma_wait3A_1027 = arith.constant 0 : i32
    %dma_wait3A_1028 = arith.constant 0 : i32
    %dma_wait3A_1029 = tpu.memref_slice %arg7[%dma_wait3A_1018, %dma_wait3A_1027, %dma_wait3A_1028] : memref<8x128x64xf32, #tpu.memory_space<vmem>> -> memref<1x128x64xf32, #tpu.memory_space<vmem>>
    %dma_wait3A_1030 = tpu.memref_squeeze %dma_wait3A_1029 : memref<1x128x64xf32, #tpu.memory_space<vmem>> -> memref<128x64xf32, #tpu.memory_space<vmem>>
    tpu.wait_dma2 semaphore(%arg23 : memref<!tpu.dma_semaphore, #tpu.memory_space<semaphore_mem>>) src(%dma_wait3A_1030 : memref<128x64xf32, #tpu.memory_space<vmem>>) dst(%dma_wait3A_1026 : memref<128x64xf32, #tpu.memory_space<hbm>>)
    %dma_start3A_1031 = arith.constant 22 : i32
    %dma_start3A_1032 = arith.constant 6 : i32
    %dma_start3A_1033 = arith.constant 0 : i32
    %dma_start3A_1034 = arith.constant 0 : i32
    %dma_start3A_1035 = tpu.memref_slice %arg7[%dma_start3A_1032, %dma_start3A_1033, %dma_start3A_1034] : memref<8x128x64xf32, #tpu.memory_space<vmem>> -> memref<1x128x64xf32, #tpu.memory_space<vmem>>
    %dma_start3A_1036 = tpu.memref_squeeze %dma_start3A_1035 : memref<1x128x64xf32, #tpu.memory_space<vmem>> -> memref<128x64xf32, #tpu.memory_space<vmem>>
    %dma_start3A_1037 = arith.constant 0 : i32
    %dma_start3A_1038 = tpu.memref_slice %arg6[%dma_start3A_1031, %dma_start3A_1037] : memref<32x128xi32, #tpu.memory_space<vmem>> -> memref<1x128xi32, #tpu.memory_space<vmem>>
    %dma_start3A_1039 = tpu.memref_squeeze %dma_start3A_1038 : memref<1x128xi32, #tpu.memory_space<vmem>> -> memref<128xi32, #tpu.memory_space<vmem>>
    %dma_start3A_1040 = arith.constant 0 : i32
    %dma_start3A_1041 = arith.constant 0 : i32
    %dma_start3A_1042 = tpu.memref_slice %arg8[%dma_start3A_1040, %dma_start3A_1041] : memref<2048x64xf32, #tpu.memory_space<vmem_shared>> -> memref<2048x64xf32, #tpu.memory_space<vmem_shared>>
    tpu.enqueue_indirect_dma source(%dma_start3A_1042 : memref<2048x64xf32, #tpu.memory_space<vmem_shared>>) target(%dma_start3A_1036 : memref<128x64xf32, #tpu.memory_space<vmem>>) offsets(%dma_start3A_1039 : memref<128xi32, #tpu.memory_space<vmem>>) semaphore(%arg15 : memref<!tpu.dma_semaphore, #tpu.memory_space<semaphore_mem>>)
    %dma_wait3A_1043 = arith.constant 18 : i32
    %dma_wait3A_1044 = arith.constant 2 : i32
    %dma_wait3A_1045 = arith.constant 0 : i32
    %dma_wait3A_1046 = arith.constant 0 : i32
    %dma_wait3A_1047 = tpu.memref_slice %arg7[%dma_wait3A_1044, %dma_wait3A_1045, %dma_wait3A_1046] : memref<8x128x64xf32, #tpu.memory_space<vmem>> -> memref<1x128x64xf32, #tpu.memory_space<vmem>>
    %dma_wait3A_1048 = tpu.memref_squeeze %dma_wait3A_1047 : memref<1x128x64xf32, #tpu.memory_space<vmem>> -> memref<128x64xf32, #tpu.memory_space<vmem>>
    %dma_wait3A_1049 = arith.constant 0 : i32
    %dma_wait3A_1050 = tpu.memref_slice %arg6[%dma_wait3A_1043, %dma_wait3A_1049] : memref<32x128xi32, #tpu.memory_space<vmem>> -> memref<1x128xi32, #tpu.memory_space<vmem>>
    %dma_wait3A_1051 = tpu.memref_squeeze %dma_wait3A_1050 : memref<1x128xi32, #tpu.memory_space<vmem>> -> memref<128xi32, #tpu.memory_space<vmem>>
    %dma_wait3A_1052 = arith.constant 0 : i32
    %dma_wait3A_1053 = arith.constant 0 : i32
    %dma_wait3A_1054 = tpu.memref_slice %arg8[%dma_wait3A_1052, %dma_wait3A_1053] : memref<2048x64xf32, #tpu.memory_space<vmem_shared>> -> memref<2048x64xf32, #tpu.memory_space<vmem_shared>>
    tpu.wait_indirect_dma semaphore(%arg11 : memref<!tpu.dma_semaphore, #tpu.memory_space<semaphore_mem>>) src(%dma_wait3A_1054 : memref<2048x64xf32, #tpu.memory_space<vmem_shared>>) dst(%dma_wait3A_1048 : memref<128x64xf32, #tpu.memory_space<vmem>>)
    %add3A_1055 = arith.constant 2304 : i32
    %add3A_1056 = arith.addi %mul3A_4, %add3A_1055 : i32
    %dma_start3A_1057 = arith.constant 2 : i32
    %dma_start3A_1058 = arith.constant 0 : i32
    %dma_start3A_1059 = arith.constant 0 : i32
    %dma_start3A_1060 = tpu.memref_slice %arg7[%dma_start3A_1057, %dma_start3A_1058, %dma_start3A_1059] : memref<8x128x64xf32, #tpu.memory_space<vmem>> -> memref<1x128x64xf32, #tpu.memory_space<vmem>>
    %dma_start3A_1061 = tpu.memref_squeeze %dma_start3A_1060 : memref<1x128x64xf32, #tpu.memory_space<vmem>> -> memref<128x64xf32, #tpu.memory_space<vmem>>
    %dma_start3A_1062 = arith.constant 0 : i32
    %dma_start3A_1063 = tpu.memref_slice %arg4[%add3A_1056, %dma_start3A_1062] : memref<131072x64xf32, #tpu.memory_space<hbm>> -> memref<128x64xf32, #tpu.memory_space<hbm>>
    %dma_start3A_1064 = arith.constant 0 : i32
    %dma_start3A_1065 = tpu.memref_slice %arg4[%add3A_1056, %dma_start3A_1064] : memref<131072x64xf32, #tpu.memory_space<hbm>> -> memref<128x64xf32, #tpu.memory_space<hbm>>
    %dma_start3A_1066 = arith.constant 0 : i32
    %dma_start3A_1067 = arith.constant 0 : i32
    %dma_start3A_1068 = tpu.memref_slice %arg7[%dma_start3A_1057, %dma_start3A_1066, %dma_start3A_1067] : memref<8x128x64xf32, #tpu.memory_space<vmem>> -> memref<1x128x64xf32, #tpu.memory_space<vmem>>
    %dma_start3A_1069 = tpu.memref_squeeze %dma_start3A_1068 : memref<1x128x64xf32, #tpu.memory_space<vmem>> -> memref<128x64xf32, #tpu.memory_space<vmem>>
    tpu.enqueue_dma source(%dma_start3A_1069 : memref<128x64xf32, #tpu.memory_space<vmem>>) target(%dma_start3A_1065 : memref<128x64xf32, #tpu.memory_space<hbm>>) target_semaphore(%arg19 : memref<!tpu.dma_semaphore, #tpu.memory_space<semaphore_mem>>)
    %dma_wait3A_1070 = arith.constant 7 : i32
    %dma_wait3A_1071 = arith.constant 0 : i32
    %dma_wait3A_1072 = arith.constant 0 : i32
    %dma_wait3A_1073 = tpu.memref_slice %arg7[%dma_wait3A_1070, %dma_wait3A_1071, %dma_wait3A_1072] : memref<8x128x64xf32, #tpu.memory_space<vmem>> -> memref<1x128x64xf32, #tpu.memory_space<vmem>>
    %dma_wait3A_1074 = tpu.memref_squeeze %dma_wait3A_1073 : memref<1x128x64xf32, #tpu.memory_space<vmem>> -> memref<128x64xf32, #tpu.memory_space<vmem>>
    %dma_wait3A_1075 = arith.constant 0 : i32
    %dma_wait3A_1076 = tpu.memref_slice %arg4[%add3A_900, %dma_wait3A_1075] : memref<131072x64xf32, #tpu.memory_space<hbm>> -> memref<128x64xf32, #tpu.memory_space<hbm>>
    %dma_wait3A_1077 = arith.constant 0 : i32
    %dma_wait3A_1078 = tpu.memref_slice %arg4[%add3A_900, %dma_wait3A_1077] : memref<131072x64xf32, #tpu.memory_space<hbm>> -> memref<128x64xf32, #tpu.memory_space<hbm>>
    %dma_wait3A_1079 = arith.constant 0 : i32
    %dma_wait3A_1080 = arith.constant 0 : i32
    %dma_wait3A_1081 = tpu.memref_slice %arg7[%dma_wait3A_1070, %dma_wait3A_1079, %dma_wait3A_1080] : memref<8x128x64xf32, #tpu.memory_space<vmem>> -> memref<1x128x64xf32, #tpu.memory_space<vmem>>
    %dma_wait3A_1082 = tpu.memref_squeeze %dma_wait3A_1081 : memref<1x128x64xf32, #tpu.memory_space<vmem>> -> memref<128x64xf32, #tpu.memory_space<vmem>>
    tpu.wait_dma2 semaphore(%arg24 : memref<!tpu.dma_semaphore, #tpu.memory_space<semaphore_mem>>) src(%dma_wait3A_1082 : memref<128x64xf32, #tpu.memory_space<vmem>>) dst(%dma_wait3A_1078 : memref<128x64xf32, #tpu.memory_space<hbm>>)
    %dma_start3A_1083 = arith.constant 23 : i32
    %dma_start3A_1084 = arith.constant 7 : i32
    %dma_start3A_1085 = arith.constant 0 : i32
    %dma_start3A_1086 = arith.constant 0 : i32
    %dma_start3A_1087 = tpu.memref_slice %arg7[%dma_start3A_1084, %dma_start3A_1085, %dma_start3A_1086] : memref<8x128x64xf32, #tpu.memory_space<vmem>> -> memref<1x128x64xf32, #tpu.memory_space<vmem>>
    %dma_start3A_1088 = tpu.memref_squeeze %dma_start3A_1087 : memref<1x128x64xf32, #tpu.memory_space<vmem>> -> memref<128x64xf32, #tpu.memory_space<vmem>>
    %dma_start3A_1089 = arith.constant 0 : i32
    %dma_start3A_1090 = tpu.memref_slice %arg6[%dma_start3A_1083, %dma_start3A_1089] : memref<32x128xi32, #tpu.memory_space<vmem>> -> memref<1x128xi32, #tpu.memory_space<vmem>>
    %dma_start3A_1091 = tpu.memref_squeeze %dma_start3A_1090 : memref<1x128xi32, #tpu.memory_space<vmem>> -> memref<128xi32, #tpu.memory_space<vmem>>
    %dma_start3A_1092 = arith.constant 0 : i32
    %dma_start3A_1093 = arith.constant 0 : i32
    %dma_start3A_1094 = tpu.memref_slice %arg8[%dma_start3A_1092, %dma_start3A_1093] : memref<2048x64xf32, #tpu.memory_space<vmem_shared>> -> memref<2048x64xf32, #tpu.memory_space<vmem_shared>>
    tpu.enqueue_indirect_dma source(%dma_start3A_1094 : memref<2048x64xf32, #tpu.memory_space<vmem_shared>>) target(%dma_start3A_1088 : memref<128x64xf32, #tpu.memory_space<vmem>>) offsets(%dma_start3A_1091 : memref<128xi32, #tpu.memory_space<vmem>>) semaphore(%arg16 : memref<!tpu.dma_semaphore, #tpu.memory_space<semaphore_mem>>)
    %dma_wait3A_1095 = arith.constant 19 : i32
    %dma_wait3A_1096 = arith.constant 3 : i32
    %dma_wait3A_1097 = arith.constant 0 : i32
    %dma_wait3A_1098 = arith.constant 0 : i32
    %dma_wait3A_1099 = tpu.memref_slice %arg7[%dma_wait3A_1096, %dma_wait3A_1097, %dma_wait3A_1098] : memref<8x128x64xf32, #tpu.memory_space<vmem>> -> memref<1x128x64xf32, #tpu.memory_space<vmem>>
    %dma_wait3A_1100 = tpu.memref_squeeze %dma_wait3A_1099 : memref<1x128x64xf32, #tpu.memory_space<vmem>> -> memref<128x64xf32, #tpu.memory_space<vmem>>
    %dma_wait3A_1101 = arith.constant 0 : i32
    %dma_wait3A_1102 = tpu.memref_slice %arg6[%dma_wait3A_1095, %dma_wait3A_1101] : memref<32x128xi32, #tpu.memory_space<vmem>> -> memref<1x128xi32, #tpu.memory_space<vmem>>
    %dma_wait3A_1103 = tpu.memref_squeeze %dma_wait3A_1102 : memref<1x128xi32, #tpu.memory_space<vmem>> -> memref<128xi32, #tpu.memory_space<vmem>>
    %dma_wait3A_1104 = arith.constant 0 : i32
    %dma_wait3A_1105 = arith.constant 0 : i32
    %dma_wait3A_1106 = tpu.memref_slice %arg8[%dma_wait3A_1104, %dma_wait3A_1105] : memref<2048x64xf32, #tpu.memory_space<vmem_shared>> -> memref<2048x64xf32, #tpu.memory_space<vmem_shared>>
    tpu.wait_indirect_dma semaphore(%arg12 : memref<!tpu.dma_semaphore, #tpu.memory_space<semaphore_mem>>) src(%dma_wait3A_1106 : memref<2048x64xf32, #tpu.memory_space<vmem_shared>>) dst(%dma_wait3A_1100 : memref<128x64xf32, #tpu.memory_space<vmem>>)
    %add3A_1107 = arith.constant 2432 : i32
    %add3A_1108 = arith.addi %mul3A_4, %add3A_1107 : i32
    %dma_start3A_1109 = arith.constant 3 : i32
    %dma_start3A_1110 = arith.constant 0 : i32
    %dma_start3A_1111 = arith.constant 0 : i32
    %dma_start3A_1112 = tpu.memref_slice %arg7[%dma_start3A_1109, %dma_start3A_1110, %dma_start3A_1111] : memref<8x128x64xf32, #tpu.memory_space<vmem>> -> memref<1x128x64xf32, #tpu.memory_space<vmem>>
    %dma_start3A_1113 = tpu.memref_squeeze %dma_start3A_1112 : memref<1x128x64xf32, #tpu.memory_space<vmem>> -> memref<128x64xf32, #tpu.memory_space<vmem>>
    %dma_start3A_1114 = arith.constant 0 : i32
    %dma_start3A_1115 = tpu.memref_slice %arg4[%add3A_1108, %dma_start3A_1114] : memref<131072x64xf32, #tpu.memory_space<hbm>> -> memref<128x64xf32, #tpu.memory_space<hbm>>
    %dma_start3A_1116 = arith.constant 0 : i32
    %dma_start3A_1117 = tpu.memref_slice %arg4[%add3A_1108, %dma_start3A_1116] : memref<131072x64xf32, #tpu.memory_space<hbm>> -> memref<128x64xf32, #tpu.memory_space<hbm>>
    %dma_start3A_1118 = arith.constant 0 : i32
    %dma_start3A_1119 = arith.constant 0 : i32
    %dma_start3A_1120 = tpu.memref_slice %arg7[%dma_start3A_1109, %dma_start3A_1118, %dma_start3A_1119] : memref<8x128x64xf32, #tpu.memory_space<vmem>> -> memref<1x128x64xf32, #tpu.memory_space<vmem>>
    %dma_start3A_1121 = tpu.memref_squeeze %dma_start3A_1120 : memref<1x128x64xf32, #tpu.memory_space<vmem>> -> memref<128x64xf32, #tpu.memory_space<vmem>>
    tpu.enqueue_dma source(%dma_start3A_1121 : memref<128x64xf32, #tpu.memory_space<vmem>>) target(%dma_start3A_1117 : memref<128x64xf32, #tpu.memory_space<hbm>>) target_semaphore(%arg20 : memref<!tpu.dma_semaphore, #tpu.memory_space<semaphore_mem>>)
    %dma_wait3A_1122 = arith.constant 0 : i32
    %dma_wait3A_1123 = arith.constant 0 : i32
    %dma_wait3A_1124 = arith.constant 0 : i32
    %dma_wait3A_1125 = tpu.memref_slice %arg7[%dma_wait3A_1122, %dma_wait3A_1123, %dma_wait3A_1124] : memref<8x128x64xf32, #tpu.memory_space<vmem>> -> memref<1x128x64xf32, #tpu.memory_space<vmem>>
    %dma_wait3A_1126 = tpu.memref_squeeze %dma_wait3A_1125 : memref<1x128x64xf32, #tpu.memory_space<vmem>> -> memref<128x64xf32, #tpu.memory_space<vmem>>
    %dma_wait3A_1127 = arith.constant 0 : i32
    %dma_wait3A_1128 = tpu.memref_slice %arg4[%add3A_952, %dma_wait3A_1127] : memref<131072x64xf32, #tpu.memory_space<hbm>> -> memref<128x64xf32, #tpu.memory_space<hbm>>
    %dma_wait3A_1129 = arith.constant 0 : i32
    %dma_wait3A_1130 = tpu.memref_slice %arg4[%add3A_952, %dma_wait3A_1129] : memref<131072x64xf32, #tpu.memory_space<hbm>> -> memref<128x64xf32, #tpu.memory_space<hbm>>
    %dma_wait3A_1131 = arith.constant 0 : i32
    %dma_wait3A_1132 = arith.constant 0 : i32
    %dma_wait3A_1133 = tpu.memref_slice %arg7[%dma_wait3A_1122, %dma_wait3A_1131, %dma_wait3A_1132] : memref<8x128x64xf32, #tpu.memory_space<vmem>> -> memref<1x128x64xf32, #tpu.memory_space<vmem>>
    %dma_wait3A_1134 = tpu.memref_squeeze %dma_wait3A_1133 : memref<1x128x64xf32, #tpu.memory_space<vmem>> -> memref<128x64xf32, #tpu.memory_space<vmem>>
    tpu.wait_dma2 semaphore(%arg17 : memref<!tpu.dma_semaphore, #tpu.memory_space<semaphore_mem>>) src(%dma_wait3A_1134 : memref<128x64xf32, #tpu.memory_space<vmem>>) dst(%dma_wait3A_1130 : memref<128x64xf32, #tpu.memory_space<hbm>>)
    %dma_start3A_1135 = arith.constant 24 : i32
    %dma_start3A_1136 = arith.constant 0 : i32
    %dma_start3A_1137 = arith.constant 0 : i32
    %dma_start3A_1138 = arith.constant 0 : i32
    %dma_start3A_1139 = tpu.memref_slice %arg7[%dma_start3A_1136, %dma_start3A_1137, %dma_start3A_1138] : memref<8x128x64xf32, #tpu.memory_space<vmem>> -> memref<1x128x64xf32, #tpu.memory_space<vmem>>
    %dma_start3A_1140 = tpu.memref_squeeze %dma_start3A_1139 : memref<1x128x64xf32, #tpu.memory_space<vmem>> -> memref<128x64xf32, #tpu.memory_space<vmem>>
    %dma_start3A_1141 = arith.constant 0 : i32
    %dma_start3A_1142 = tpu.memref_slice %arg6[%dma_start3A_1135, %dma_start3A_1141] : memref<32x128xi32, #tpu.memory_space<vmem>> -> memref<1x128xi32, #tpu.memory_space<vmem>>
    %dma_start3A_1143 = tpu.memref_squeeze %dma_start3A_1142 : memref<1x128xi32, #tpu.memory_space<vmem>> -> memref<128xi32, #tpu.memory_space<vmem>>
    %dma_start3A_1144 = arith.constant 0 : i32
    %dma_start3A_1145 = arith.constant 0 : i32
    %dma_start3A_1146 = tpu.memref_slice %arg8[%dma_start3A_1144, %dma_start3A_1145] : memref<2048x64xf32, #tpu.memory_space<vmem_shared>> -> memref<2048x64xf32, #tpu.memory_space<vmem_shared>>
    tpu.enqueue_indirect_dma source(%dma_start3A_1146 : memref<2048x64xf32, #tpu.memory_space<vmem_shared>>) target(%dma_start3A_1140 : memref<128x64xf32, #tpu.memory_space<vmem>>) offsets(%dma_start3A_1143 : memref<128xi32, #tpu.memory_space<vmem>>) semaphore(%arg9 : memref<!tpu.dma_semaphore, #tpu.memory_space<semaphore_mem>>)
    %dma_wait3A_1147 = arith.constant 20 : i32
    %dma_wait3A_1148 = arith.constant 4 : i32
    %dma_wait3A_1149 = arith.constant 0 : i32
    %dma_wait3A_1150 = arith.constant 0 : i32
    %dma_wait3A_1151 = tpu.memref_slice %arg7[%dma_wait3A_1148, %dma_wait3A_1149, %dma_wait3A_1150] : memref<8x128x64xf32, #tpu.memory_space<vmem>> -> memref<1x128x64xf32, #tpu.memory_space<vmem>>
    %dma_wait3A_1152 = tpu.memref_squeeze %dma_wait3A_1151 : memref<1x128x64xf32, #tpu.memory_space<vmem>> -> memref<128x64xf32, #tpu.memory_space<vmem>>
    %dma_wait3A_1153 = arith.constant 0 : i32
    %dma_wait3A_1154 = tpu.memref_slice %arg6[%dma_wait3A_1147, %dma_wait3A_1153] : memref<32x128xi32, #tpu.memory_space<vmem>> -> memref<1x128xi32, #tpu.memory_space<vmem>>
    %dma_wait3A_1155 = tpu.memref_squeeze %dma_wait3A_1154 : memref<1x128xi32, #tpu.memory_space<vmem>> -> memref<128xi32, #tpu.memory_space<vmem>>
    %dma_wait3A_1156 = arith.constant 0 : i32
    %dma_wait3A_1157 = arith.constant 0 : i32
    %dma_wait3A_1158 = tpu.memref_slice %arg8[%dma_wait3A_1156, %dma_wait3A_1157] : memref<2048x64xf32, #tpu.memory_space<vmem_shared>> -> memref<2048x64xf32, #tpu.memory_space<vmem_shared>>
    tpu.wait_indirect_dma semaphore(%arg13 : memref<!tpu.dma_semaphore, #tpu.memory_space<semaphore_mem>>) src(%dma_wait3A_1158 : memref<2048x64xf32, #tpu.memory_space<vmem_shared>>) dst(%dma_wait3A_1152 : memref<128x64xf32, #tpu.memory_space<vmem>>)
    %add3A_1159 = arith.constant 2560 : i32
    %add3A_1160 = arith.addi %mul3A_4, %add3A_1159 : i32
    %dma_start3A_1161 = arith.constant 4 : i32
    %dma_start3A_1162 = arith.constant 0 : i32
    %dma_start3A_1163 = arith.constant 0 : i32
    %dma_start3A_1164 = tpu.memref_slice %arg7[%dma_start3A_1161, %dma_start3A_1162, %dma_start3A_1163] : memref<8x128x64xf32, #tpu.memory_space<vmem>> -> memref<1x128x64xf32, #tpu.memory_space<vmem>>
    %dma_start3A_1165 = tpu.memref_squeeze %dma_start3A_1164 : memref<1x128x64xf32, #tpu.memory_space<vmem>> -> memref<128x64xf32, #tpu.memory_space<vmem>>
    %dma_start3A_1166 = arith.constant 0 : i32
    %dma_start3A_1167 = tpu.memref_slice %arg4[%add3A_1160, %dma_start3A_1166] : memref<131072x64xf32, #tpu.memory_space<hbm>> -> memref<128x64xf32, #tpu.memory_space<hbm>>
    %dma_start3A_1168 = arith.constant 0 : i32
    %dma_start3A_1169 = tpu.memref_slice %arg4[%add3A_1160, %dma_start3A_1168] : memref<131072x64xf32, #tpu.memory_space<hbm>> -> memref<128x64xf32, #tpu.memory_space<hbm>>
    %dma_start3A_1170 = arith.constant 0 : i32
    %dma_start3A_1171 = arith.constant 0 : i32
    %dma_start3A_1172 = tpu.memref_slice %arg7[%dma_start3A_1161, %dma_start3A_1170, %dma_start3A_1171] : memref<8x128x64xf32, #tpu.memory_space<vmem>> -> memref<1x128x64xf32, #tpu.memory_space<vmem>>
    %dma_start3A_1173 = tpu.memref_squeeze %dma_start3A_1172 : memref<1x128x64xf32, #tpu.memory_space<vmem>> -> memref<128x64xf32, #tpu.memory_space<vmem>>
    tpu.enqueue_dma source(%dma_start3A_1173 : memref<128x64xf32, #tpu.memory_space<vmem>>) target(%dma_start3A_1169 : memref<128x64xf32, #tpu.memory_space<hbm>>) target_semaphore(%arg21 : memref<!tpu.dma_semaphore, #tpu.memory_space<semaphore_mem>>)
    %dma_wait3A_1174 = arith.constant 1 : i32
    %dma_wait3A_1175 = arith.constant 0 : i32
    %dma_wait3A_1176 = arith.constant 0 : i32
    %dma_wait3A_1177 = tpu.memref_slice %arg7[%dma_wait3A_1174, %dma_wait3A_1175, %dma_wait3A_1176] : memref<8x128x64xf32, #tpu.memory_space<vmem>> -> memref<1x128x64xf32, #tpu.memory_space<vmem>>
    %dma_wait3A_1178 = tpu.memref_squeeze %dma_wait3A_1177 : memref<1x128x64xf32, #tpu.memory_space<vmem>> -> memref<128x64xf32, #tpu.memory_space<vmem>>
    %dma_wait3A_1179 = arith.constant 0 : i32
    %dma_wait3A_1180 = tpu.memref_slice %arg4[%add3A_1004, %dma_wait3A_1179] : memref<131072x64xf32, #tpu.memory_space<hbm>> -> memref<128x64xf32, #tpu.memory_space<hbm>>
    %dma_wait3A_1181 = arith.constant 0 : i32
    %dma_wait3A_1182 = tpu.memref_slice %arg4[%add3A_1004, %dma_wait3A_1181] : memref<131072x64xf32, #tpu.memory_space<hbm>> -> memref<128x64xf32, #tpu.memory_space<hbm>>
    %dma_wait3A_1183 = arith.constant 0 : i32
    %dma_wait3A_1184 = arith.constant 0 : i32
    %dma_wait3A_1185 = tpu.memref_slice %arg7[%dma_wait3A_1174, %dma_wait3A_1183, %dma_wait3A_1184] : memref<8x128x64xf32, #tpu.memory_space<vmem>> -> memref<1x128x64xf32, #tpu.memory_space<vmem>>
    %dma_wait3A_1186 = tpu.memref_squeeze %dma_wait3A_1185 : memref<1x128x64xf32, #tpu.memory_space<vmem>> -> memref<128x64xf32, #tpu.memory_space<vmem>>
    tpu.wait_dma2 semaphore(%arg18 : memref<!tpu.dma_semaphore, #tpu.memory_space<semaphore_mem>>) src(%dma_wait3A_1186 : memref<128x64xf32, #tpu.memory_space<vmem>>) dst(%dma_wait3A_1182 : memref<128x64xf32, #tpu.memory_space<hbm>>)
    %dma_start3A_1187 = arith.constant 25 : i32
    %dma_start3A_1188 = arith.constant 1 : i32
    %dma_start3A_1189 = arith.constant 0 : i32
    %dma_start3A_1190 = arith.constant 0 : i32
    %dma_start3A_1191 = tpu.memref_slice %arg7[%dma_start3A_1188, %dma_start3A_1189, %dma_start3A_1190] : memref<8x128x64xf32, #tpu.memory_space<vmem>> -> memref<1x128x64xf32, #tpu.memory_space<vmem>>
    %dma_start3A_1192 = tpu.memref_squeeze %dma_start3A_1191 : memref<1x128x64xf32, #tpu.memory_space<vmem>> -> memref<128x64xf32, #tpu.memory_space<vmem>>
    %dma_start3A_1193 = arith.constant 0 : i32
    %dma_start3A_1194 = tpu.memref_slice %arg6[%dma_start3A_1187, %dma_start3A_1193] : memref<32x128xi32, #tpu.memory_space<vmem>> -> memref<1x128xi32, #tpu.memory_space<vmem>>
    %dma_start3A_1195 = tpu.memref_squeeze %dma_start3A_1194 : memref<1x128xi32, #tpu.memory_space<vmem>> -> memref<128xi32, #tpu.memory_space<vmem>>
    %dma_start3A_1196 = arith.constant 0 : i32
    %dma_start3A_1197 = arith.constant 0 : i32
    %dma_start3A_1198 = tpu.memref_slice %arg8[%dma_start3A_1196, %dma_start3A_1197] : memref<2048x64xf32, #tpu.memory_space<vmem_shared>> -> memref<2048x64xf32, #tpu.memory_space<vmem_shared>>
    tpu.enqueue_indirect_dma source(%dma_start3A_1198 : memref<2048x64xf32, #tpu.memory_space<vmem_shared>>) target(%dma_start3A_1192 : memref<128x64xf32, #tpu.memory_space<vmem>>) offsets(%dma_start3A_1195 : memref<128xi32, #tpu.memory_space<vmem>>) semaphore(%arg10 : memref<!tpu.dma_semaphore, #tpu.memory_space<semaphore_mem>>)
    %dma_wait3A_1199 = arith.constant 21 : i32
    %dma_wait3A_1200 = arith.constant 5 : i32
    %dma_wait3A_1201 = arith.constant 0 : i32
    %dma_wait3A_1202 = arith.constant 0 : i32
    %dma_wait3A_1203 = tpu.memref_slice %arg7[%dma_wait3A_1200, %dma_wait3A_1201, %dma_wait3A_1202] : memref<8x128x64xf32, #tpu.memory_space<vmem>> -> memref<1x128x64xf32, #tpu.memory_space<vmem>>
    %dma_wait3A_1204 = tpu.memref_squeeze %dma_wait3A_1203 : memref<1x128x64xf32, #tpu.memory_space<vmem>> -> memref<128x64xf32, #tpu.memory_space<vmem>>
    %dma_wait3A_1205 = arith.constant 0 : i32
    %dma_wait3A_1206 = tpu.memref_slice %arg6[%dma_wait3A_1199, %dma_wait3A_1205] : memref<32x128xi32, #tpu.memory_space<vmem>> -> memref<1x128xi32, #tpu.memory_space<vmem>>
    %dma_wait3A_1207 = tpu.memref_squeeze %dma_wait3A_1206 : memref<1x128xi32, #tpu.memory_space<vmem>> -> memref<128xi32, #tpu.memory_space<vmem>>
    %dma_wait3A_1208 = arith.constant 0 : i32
    %dma_wait3A_1209 = arith.constant 0 : i32
    %dma_wait3A_1210 = tpu.memref_slice %arg8[%dma_wait3A_1208, %dma_wait3A_1209] : memref<2048x64xf32, #tpu.memory_space<vmem_shared>> -> memref<2048x64xf32, #tpu.memory_space<vmem_shared>>
    tpu.wait_indirect_dma semaphore(%arg14 : memref<!tpu.dma_semaphore, #tpu.memory_space<semaphore_mem>>) src(%dma_wait3A_1210 : memref<2048x64xf32, #tpu.memory_space<vmem_shared>>) dst(%dma_wait3A_1204 : memref<128x64xf32, #tpu.memory_space<vmem>>)
    %add3A_1211 = arith.constant 2688 : i32
    %add3A_1212 = arith.addi %mul3A_4, %add3A_1211 : i32
    %dma_start3A_1213 = arith.constant 5 : i32
    %dma_start3A_1214 = arith.constant 0 : i32
    %dma_start3A_1215 = arith.constant 0 : i32
    %dma_start3A_1216 = tpu.memref_slice %arg7[%dma_start3A_1213, %dma_start3A_1214, %dma_start3A_1215] : memref<8x128x64xf32, #tpu.memory_space<vmem>> -> memref<1x128x64xf32, #tpu.memory_space<vmem>>
    %dma_start3A_1217 = tpu.memref_squeeze %dma_start3A_1216 : memref<1x128x64xf32, #tpu.memory_space<vmem>> -> memref<128x64xf32, #tpu.memory_space<vmem>>
    %dma_start3A_1218 = arith.constant 0 : i32
    %dma_start3A_1219 = tpu.memref_slice %arg4[%add3A_1212, %dma_start3A_1218] : memref<131072x64xf32, #tpu.memory_space<hbm>> -> memref<128x64xf32, #tpu.memory_space<hbm>>
    %dma_start3A_1220 = arith.constant 0 : i32
    %dma_start3A_1221 = tpu.memref_slice %arg4[%add3A_1212, %dma_start3A_1220] : memref<131072x64xf32, #tpu.memory_space<hbm>> -> memref<128x64xf32, #tpu.memory_space<hbm>>
    %dma_start3A_1222 = arith.constant 0 : i32
    %dma_start3A_1223 = arith.constant 0 : i32
    %dma_start3A_1224 = tpu.memref_slice %arg7[%dma_start3A_1213, %dma_start3A_1222, %dma_start3A_1223] : memref<8x128x64xf32, #tpu.memory_space<vmem>> -> memref<1x128x64xf32, #tpu.memory_space<vmem>>
    %dma_start3A_1225 = tpu.memref_squeeze %dma_start3A_1224 : memref<1x128x64xf32, #tpu.memory_space<vmem>> -> memref<128x64xf32, #tpu.memory_space<vmem>>
    tpu.enqueue_dma source(%dma_start3A_1225 : memref<128x64xf32, #tpu.memory_space<vmem>>) target(%dma_start3A_1221 : memref<128x64xf32, #tpu.memory_space<hbm>>) target_semaphore(%arg22 : memref<!tpu.dma_semaphore, #tpu.memory_space<semaphore_mem>>)
    %dma_wait3A_1226 = arith.constant 2 : i32
    %dma_wait3A_1227 = arith.constant 0 : i32
    %dma_wait3A_1228 = arith.constant 0 : i32
    %dma_wait3A_1229 = tpu.memref_slice %arg7[%dma_wait3A_1226, %dma_wait3A_1227, %dma_wait3A_1228] : memref<8x128x64xf32, #tpu.memory_space<vmem>> -> memref<1x128x64xf32, #tpu.memory_space<vmem>>
    %dma_wait3A_1230 = tpu.memref_squeeze %dma_wait3A_1229 : memref<1x128x64xf32, #tpu.memory_space<vmem>> -> memref<128x64xf32, #tpu.memory_space<vmem>>
    %dma_wait3A_1231 = arith.constant 0 : i32
    %dma_wait3A_1232 = tpu.memref_slice %arg4[%add3A_1056, %dma_wait3A_1231] : memref<131072x64xf32, #tpu.memory_space<hbm>> -> memref<128x64xf32, #tpu.memory_space<hbm>>
    %dma_wait3A_1233 = arith.constant 0 : i32
    %dma_wait3A_1234 = tpu.memref_slice %arg4[%add3A_1056, %dma_wait3A_1233] : memref<131072x64xf32, #tpu.memory_space<hbm>> -> memref<128x64xf32, #tpu.memory_space<hbm>>
    %dma_wait3A_1235 = arith.constant 0 : i32
    %dma_wait3A_1236 = arith.constant 0 : i32
    %dma_wait3A_1237 = tpu.memref_slice %arg7[%dma_wait3A_1226, %dma_wait3A_1235, %dma_wait3A_1236] : memref<8x128x64xf32, #tpu.memory_space<vmem>> -> memref<1x128x64xf32, #tpu.memory_space<vmem>>
    %dma_wait3A_1238 = tpu.memref_squeeze %dma_wait3A_1237 : memref<1x128x64xf32, #tpu.memory_space<vmem>> -> memref<128x64xf32, #tpu.memory_space<vmem>>
    tpu.wait_dma2 semaphore(%arg19 : memref<!tpu.dma_semaphore, #tpu.memory_space<semaphore_mem>>) src(%dma_wait3A_1238 : memref<128x64xf32, #tpu.memory_space<vmem>>) dst(%dma_wait3A_1234 : memref<128x64xf32, #tpu.memory_space<hbm>>)
    %dma_start3A_1239 = arith.constant 26 : i32
    %dma_start3A_1240 = arith.constant 2 : i32
    %dma_start3A_1241 = arith.constant 0 : i32
    %dma_start3A_1242 = arith.constant 0 : i32
    %dma_start3A_1243 = tpu.memref_slice %arg7[%dma_start3A_1240, %dma_start3A_1241, %dma_start3A_1242] : memref<8x128x64xf32, #tpu.memory_space<vmem>> -> memref<1x128x64xf32, #tpu.memory_space<vmem>>
    %dma_start3A_1244 = tpu.memref_squeeze %dma_start3A_1243 : memref<1x128x64xf32, #tpu.memory_space<vmem>> -> memref<128x64xf32, #tpu.memory_space<vmem>>
    %dma_start3A_1245 = arith.constant 0 : i32
    %dma_start3A_1246 = tpu.memref_slice %arg6[%dma_start3A_1239, %dma_start3A_1245] : memref<32x128xi32, #tpu.memory_space<vmem>> -> memref<1x128xi32, #tpu.memory_space<vmem>>
    %dma_start3A_1247 = tpu.memref_squeeze %dma_start3A_1246 : memref<1x128xi32, #tpu.memory_space<vmem>> -> memref<128xi32, #tpu.memory_space<vmem>>
    %dma_start3A_1248 = arith.constant 0 : i32
    %dma_start3A_1249 = arith.constant 0 : i32
    %dma_start3A_1250 = tpu.memref_slice %arg8[%dma_start3A_1248, %dma_start3A_1249] : memref<2048x64xf32, #tpu.memory_space<vmem_shared>> -> memref<2048x64xf32, #tpu.memory_space<vmem_shared>>
    tpu.enqueue_indirect_dma source(%dma_start3A_1250 : memref<2048x64xf32, #tpu.memory_space<vmem_shared>>) target(%dma_start3A_1244 : memref<128x64xf32, #tpu.memory_space<vmem>>) offsets(%dma_start3A_1247 : memref<128xi32, #tpu.memory_space<vmem>>) semaphore(%arg11 : memref<!tpu.dma_semaphore, #tpu.memory_space<semaphore_mem>>)
    %dma_wait3A_1251 = arith.constant 22 : i32
    %dma_wait3A_1252 = arith.constant 6 : i32
    %dma_wait3A_1253 = arith.constant 0 : i32
    %dma_wait3A_1254 = arith.constant 0 : i32
    %dma_wait3A_1255 = tpu.memref_slice %arg7[%dma_wait3A_1252, %dma_wait3A_1253, %dma_wait3A_1254] : memref<8x128x64xf32, #tpu.memory_space<vmem>> -> memref<1x128x64xf32, #tpu.memory_space<vmem>>
    %dma_wait3A_1256 = tpu.memref_squeeze %dma_wait3A_1255 : memref<1x128x64xf32, #tpu.memory_space<vmem>> -> memref<128x64xf32, #tpu.memory_space<vmem>>
    %dma_wait3A_1257 = arith.constant 0 : i32
    %dma_wait3A_1258 = tpu.memref_slice %arg6[%dma_wait3A_1251, %dma_wait3A_1257] : memref<32x128xi32, #tpu.memory_space<vmem>> -> memref<1x128xi32, #tpu.memory_space<vmem>>
    %dma_wait3A_1259 = tpu.memref_squeeze %dma_wait3A_1258 : memref<1x128xi32, #tpu.memory_space<vmem>> -> memref<128xi32, #tpu.memory_space<vmem>>
    %dma_wait3A_1260 = arith.constant 0 : i32
    %dma_wait3A_1261 = arith.constant 0 : i32
    %dma_wait3A_1262 = tpu.memref_slice %arg8[%dma_wait3A_1260, %dma_wait3A_1261] : memref<2048x64xf32, #tpu.memory_space<vmem_shared>> -> memref<2048x64xf32, #tpu.memory_space<vmem_shared>>
    tpu.wait_indirect_dma semaphore(%arg15 : memref<!tpu.dma_semaphore, #tpu.memory_space<semaphore_mem>>) src(%dma_wait3A_1262 : memref<2048x64xf32, #tpu.memory_space<vmem_shared>>) dst(%dma_wait3A_1256 : memref<128x64xf32, #tpu.memory_space<vmem>>)
    %add3A_1263 = arith.constant 2816 : i32
    %add3A_1264 = arith.addi %mul3A_4, %add3A_1263 : i32
    %dma_start3A_1265 = arith.constant 6 : i32
    %dma_start3A_1266 = arith.constant 0 : i32
    %dma_start3A_1267 = arith.constant 0 : i32
    %dma_start3A_1268 = tpu.memref_slice %arg7[%dma_start3A_1265, %dma_start3A_1266, %dma_start3A_1267] : memref<8x128x64xf32, #tpu.memory_space<vmem>> -> memref<1x128x64xf32, #tpu.memory_space<vmem>>
    %dma_start3A_1269 = tpu.memref_squeeze %dma_start3A_1268 : memref<1x128x64xf32, #tpu.memory_space<vmem>> -> memref<128x64xf32, #tpu.memory_space<vmem>>
    %dma_start3A_1270 = arith.constant 0 : i32
    %dma_start3A_1271 = tpu.memref_slice %arg4[%add3A_1264, %dma_start3A_1270] : memref<131072x64xf32, #tpu.memory_space<hbm>> -> memref<128x64xf32, #tpu.memory_space<hbm>>
    %dma_start3A_1272 = arith.constant 0 : i32
    %dma_start3A_1273 = tpu.memref_slice %arg4[%add3A_1264, %dma_start3A_1272] : memref<131072x64xf32, #tpu.memory_space<hbm>> -> memref<128x64xf32, #tpu.memory_space<hbm>>
    %dma_start3A_1274 = arith.constant 0 : i32
    %dma_start3A_1275 = arith.constant 0 : i32
    %dma_start3A_1276 = tpu.memref_slice %arg7[%dma_start3A_1265, %dma_start3A_1274, %dma_start3A_1275] : memref<8x128x64xf32, #tpu.memory_space<vmem>> -> memref<1x128x64xf32, #tpu.memory_space<vmem>>
    %dma_start3A_1277 = tpu.memref_squeeze %dma_start3A_1276 : memref<1x128x64xf32, #tpu.memory_space<vmem>> -> memref<128x64xf32, #tpu.memory_space<vmem>>
    tpu.enqueue_dma source(%dma_start3A_1277 : memref<128x64xf32, #tpu.memory_space<vmem>>) target(%dma_start3A_1273 : memref<128x64xf32, #tpu.memory_space<hbm>>) target_semaphore(%arg23 : memref<!tpu.dma_semaphore, #tpu.memory_space<semaphore_mem>>)
    %dma_wait3A_1278 = arith.constant 3 : i32
    %dma_wait3A_1279 = arith.constant 0 : i32
    %dma_wait3A_1280 = arith.constant 0 : i32
    %dma_wait3A_1281 = tpu.memref_slice %arg7[%dma_wait3A_1278, %dma_wait3A_1279, %dma_wait3A_1280] : memref<8x128x64xf32, #tpu.memory_space<vmem>> -> memref<1x128x64xf32, #tpu.memory_space<vmem>>
    %dma_wait3A_1282 = tpu.memref_squeeze %dma_wait3A_1281 : memref<1x128x64xf32, #tpu.memory_space<vmem>> -> memref<128x64xf32, #tpu.memory_space<vmem>>
    %dma_wait3A_1283 = arith.constant 0 : i32
    %dma_wait3A_1284 = tpu.memref_slice %arg4[%add3A_1108, %dma_wait3A_1283] : memref<131072x64xf32, #tpu.memory_space<hbm>> -> memref<128x64xf32, #tpu.memory_space<hbm>>
    %dma_wait3A_1285 = arith.constant 0 : i32
    %dma_wait3A_1286 = tpu.memref_slice %arg4[%add3A_1108, %dma_wait3A_1285] : memref<131072x64xf32, #tpu.memory_space<hbm>> -> memref<128x64xf32, #tpu.memory_space<hbm>>
    %dma_wait3A_1287 = arith.constant 0 : i32
    %dma_wait3A_1288 = arith.constant 0 : i32
    %dma_wait3A_1289 = tpu.memref_slice %arg7[%dma_wait3A_1278, %dma_wait3A_1287, %dma_wait3A_1288] : memref<8x128x64xf32, #tpu.memory_space<vmem>> -> memref<1x128x64xf32, #tpu.memory_space<vmem>>
    %dma_wait3A_1290 = tpu.memref_squeeze %dma_wait3A_1289 : memref<1x128x64xf32, #tpu.memory_space<vmem>> -> memref<128x64xf32, #tpu.memory_space<vmem>>
    tpu.wait_dma2 semaphore(%arg20 : memref<!tpu.dma_semaphore, #tpu.memory_space<semaphore_mem>>) src(%dma_wait3A_1290 : memref<128x64xf32, #tpu.memory_space<vmem>>) dst(%dma_wait3A_1286 : memref<128x64xf32, #tpu.memory_space<hbm>>)
    %dma_start3A_1291 = arith.constant 27 : i32
    %dma_start3A_1292 = arith.constant 3 : i32
    %dma_start3A_1293 = arith.constant 0 : i32
    %dma_start3A_1294 = arith.constant 0 : i32
    %dma_start3A_1295 = tpu.memref_slice %arg7[%dma_start3A_1292, %dma_start3A_1293, %dma_start3A_1294] : memref<8x128x64xf32, #tpu.memory_space<vmem>> -> memref<1x128x64xf32, #tpu.memory_space<vmem>>
    %dma_start3A_1296 = tpu.memref_squeeze %dma_start3A_1295 : memref<1x128x64xf32, #tpu.memory_space<vmem>> -> memref<128x64xf32, #tpu.memory_space<vmem>>
    %dma_start3A_1297 = arith.constant 0 : i32
    %dma_start3A_1298 = tpu.memref_slice %arg6[%dma_start3A_1291, %dma_start3A_1297] : memref<32x128xi32, #tpu.memory_space<vmem>> -> memref<1x128xi32, #tpu.memory_space<vmem>>
    %dma_start3A_1299 = tpu.memref_squeeze %dma_start3A_1298 : memref<1x128xi32, #tpu.memory_space<vmem>> -> memref<128xi32, #tpu.memory_space<vmem>>
    %dma_start3A_1300 = arith.constant 0 : i32
    %dma_start3A_1301 = arith.constant 0 : i32
    %dma_start3A_1302 = tpu.memref_slice %arg8[%dma_start3A_1300, %dma_start3A_1301] : memref<2048x64xf32, #tpu.memory_space<vmem_shared>> -> memref<2048x64xf32, #tpu.memory_space<vmem_shared>>
    tpu.enqueue_indirect_dma source(%dma_start3A_1302 : memref<2048x64xf32, #tpu.memory_space<vmem_shared>>) target(%dma_start3A_1296 : memref<128x64xf32, #tpu.memory_space<vmem>>) offsets(%dma_start3A_1299 : memref<128xi32, #tpu.memory_space<vmem>>) semaphore(%arg12 : memref<!tpu.dma_semaphore, #tpu.memory_space<semaphore_mem>>)
    %dma_wait3A_1303 = arith.constant 23 : i32
    %dma_wait3A_1304 = arith.constant 7 : i32
    %dma_wait3A_1305 = arith.constant 0 : i32
    %dma_wait3A_1306 = arith.constant 0 : i32
    %dma_wait3A_1307 = tpu.memref_slice %arg7[%dma_wait3A_1304, %dma_wait3A_1305, %dma_wait3A_1306] : memref<8x128x64xf32, #tpu.memory_space<vmem>> -> memref<1x128x64xf32, #tpu.memory_space<vmem>>
    %dma_wait3A_1308 = tpu.memref_squeeze %dma_wait3A_1307 : memref<1x128x64xf32, #tpu.memory_space<vmem>> -> memref<128x64xf32, #tpu.memory_space<vmem>>
    %dma_wait3A_1309 = arith.constant 0 : i32
    %dma_wait3A_1310 = tpu.memref_slice %arg6[%dma_wait3A_1303, %dma_wait3A_1309] : memref<32x128xi32, #tpu.memory_space<vmem>> -> memref<1x128xi32, #tpu.memory_space<vmem>>
    %dma_wait3A_1311 = tpu.memref_squeeze %dma_wait3A_1310 : memref<1x128xi32, #tpu.memory_space<vmem>> -> memref<128xi32, #tpu.memory_space<vmem>>
    %dma_wait3A_1312 = arith.constant 0 : i32
    %dma_wait3A_1313 = arith.constant 0 : i32
    %dma_wait3A_1314 = tpu.memref_slice %arg8[%dma_wait3A_1312, %dma_wait3A_1313] : memref<2048x64xf32, #tpu.memory_space<vmem_shared>> -> memref<2048x64xf32, #tpu.memory_space<vmem_shared>>
    tpu.wait_indirect_dma semaphore(%arg16 : memref<!tpu.dma_semaphore, #tpu.memory_space<semaphore_mem>>) src(%dma_wait3A_1314 : memref<2048x64xf32, #tpu.memory_space<vmem_shared>>) dst(%dma_wait3A_1308 : memref<128x64xf32, #tpu.memory_space<vmem>>)
    %add3A_1315 = arith.constant 2944 : i32
    %add3A_1316 = arith.addi %mul3A_4, %add3A_1315 : i32
    %dma_start3A_1317 = arith.constant 7 : i32
    %dma_start3A_1318 = arith.constant 0 : i32
    %dma_start3A_1319 = arith.constant 0 : i32
    %dma_start3A_1320 = tpu.memref_slice %arg7[%dma_start3A_1317, %dma_start3A_1318, %dma_start3A_1319] : memref<8x128x64xf32, #tpu.memory_space<vmem>> -> memref<1x128x64xf32, #tpu.memory_space<vmem>>
    %dma_start3A_1321 = tpu.memref_squeeze %dma_start3A_1320 : memref<1x128x64xf32, #tpu.memory_space<vmem>> -> memref<128x64xf32, #tpu.memory_space<vmem>>
    %dma_start3A_1322 = arith.constant 0 : i32
    %dma_start3A_1323 = tpu.memref_slice %arg4[%add3A_1316, %dma_start3A_1322] : memref<131072x64xf32, #tpu.memory_space<hbm>> -> memref<128x64xf32, #tpu.memory_space<hbm>>
    %dma_start3A_1324 = arith.constant 0 : i32
    %dma_start3A_1325 = tpu.memref_slice %arg4[%add3A_1316, %dma_start3A_1324] : memref<131072x64xf32, #tpu.memory_space<hbm>> -> memref<128x64xf32, #tpu.memory_space<hbm>>
    %dma_start3A_1326 = arith.constant 0 : i32
    %dma_start3A_1327 = arith.constant 0 : i32
    %dma_start3A_1328 = tpu.memref_slice %arg7[%dma_start3A_1317, %dma_start3A_1326, %dma_start3A_1327] : memref<8x128x64xf32, #tpu.memory_space<vmem>> -> memref<1x128x64xf32, #tpu.memory_space<vmem>>
    %dma_start3A_1329 = tpu.memref_squeeze %dma_start3A_1328 : memref<1x128x64xf32, #tpu.memory_space<vmem>> -> memref<128x64xf32, #tpu.memory_space<vmem>>
    tpu.enqueue_dma source(%dma_start3A_1329 : memref<128x64xf32, #tpu.memory_space<vmem>>) target(%dma_start3A_1325 : memref<128x64xf32, #tpu.memory_space<hbm>>) target_semaphore(%arg24 : memref<!tpu.dma_semaphore, #tpu.memory_space<semaphore_mem>>)
    %dma_wait3A_1330 = arith.constant 4 : i32
    %dma_wait3A_1331 = arith.constant 0 : i32
    %dma_wait3A_1332 = arith.constant 0 : i32
    %dma_wait3A_1333 = tpu.memref_slice %arg7[%dma_wait3A_1330, %dma_wait3A_1331, %dma_wait3A_1332] : memref<8x128x64xf32, #tpu.memory_space<vmem>> -> memref<1x128x64xf32, #tpu.memory_space<vmem>>
    %dma_wait3A_1334 = tpu.memref_squeeze %dma_wait3A_1333 : memref<1x128x64xf32, #tpu.memory_space<vmem>> -> memref<128x64xf32, #tpu.memory_space<vmem>>
    %dma_wait3A_1335 = arith.constant 0 : i32
    %dma_wait3A_1336 = tpu.memref_slice %arg4[%add3A_1160, %dma_wait3A_1335] : memref<131072x64xf32, #tpu.memory_space<hbm>> -> memref<128x64xf32, #tpu.memory_space<hbm>>
    %dma_wait3A_1337 = arith.constant 0 : i32
    %dma_wait3A_1338 = tpu.memref_slice %arg4[%add3A_1160, %dma_wait3A_1337] : memref<131072x64xf32, #tpu.memory_space<hbm>> -> memref<128x64xf32, #tpu.memory_space<hbm>>
    %dma_wait3A_1339 = arith.constant 0 : i32
    %dma_wait3A_1340 = arith.constant 0 : i32
    %dma_wait3A_1341 = tpu.memref_slice %arg7[%dma_wait3A_1330, %dma_wait3A_1339, %dma_wait3A_1340] : memref<8x128x64xf32, #tpu.memory_space<vmem>> -> memref<1x128x64xf32, #tpu.memory_space<vmem>>
    %dma_wait3A_1342 = tpu.memref_squeeze %dma_wait3A_1341 : memref<1x128x64xf32, #tpu.memory_space<vmem>> -> memref<128x64xf32, #tpu.memory_space<vmem>>
    tpu.wait_dma2 semaphore(%arg21 : memref<!tpu.dma_semaphore, #tpu.memory_space<semaphore_mem>>) src(%dma_wait3A_1342 : memref<128x64xf32, #tpu.memory_space<vmem>>) dst(%dma_wait3A_1338 : memref<128x64xf32, #tpu.memory_space<hbm>>)
    %dma_start3A_1343 = arith.constant 28 : i32
    %dma_start3A_1344 = arith.constant 4 : i32
    %dma_start3A_1345 = arith.constant 0 : i32
    %dma_start3A_1346 = arith.constant 0 : i32
    %dma_start3A_1347 = tpu.memref_slice %arg7[%dma_start3A_1344, %dma_start3A_1345, %dma_start3A_1346] : memref<8x128x64xf32, #tpu.memory_space<vmem>> -> memref<1x128x64xf32, #tpu.memory_space<vmem>>
    %dma_start3A_1348 = tpu.memref_squeeze %dma_start3A_1347 : memref<1x128x64xf32, #tpu.memory_space<vmem>> -> memref<128x64xf32, #tpu.memory_space<vmem>>
    %dma_start3A_1349 = arith.constant 0 : i32
    %dma_start3A_1350 = tpu.memref_slice %arg6[%dma_start3A_1343, %dma_start3A_1349] : memref<32x128xi32, #tpu.memory_space<vmem>> -> memref<1x128xi32, #tpu.memory_space<vmem>>
    %dma_start3A_1351 = tpu.memref_squeeze %dma_start3A_1350 : memref<1x128xi32, #tpu.memory_space<vmem>> -> memref<128xi32, #tpu.memory_space<vmem>>
    %dma_start3A_1352 = arith.constant 0 : i32
    %dma_start3A_1353 = arith.constant 0 : i32
    %dma_start3A_1354 = tpu.memref_slice %arg8[%dma_start3A_1352, %dma_start3A_1353] : memref<2048x64xf32, #tpu.memory_space<vmem_shared>> -> memref<2048x64xf32, #tpu.memory_space<vmem_shared>>
    tpu.enqueue_indirect_dma source(%dma_start3A_1354 : memref<2048x64xf32, #tpu.memory_space<vmem_shared>>) target(%dma_start3A_1348 : memref<128x64xf32, #tpu.memory_space<vmem>>) offsets(%dma_start3A_1351 : memref<128xi32, #tpu.memory_space<vmem>>) semaphore(%arg13 : memref<!tpu.dma_semaphore, #tpu.memory_space<semaphore_mem>>)
    %dma_wait3A_1355 = arith.constant 24 : i32
    %dma_wait3A_1356 = arith.constant 0 : i32
    %dma_wait3A_1357 = arith.constant 0 : i32
    %dma_wait3A_1358 = arith.constant 0 : i32
    %dma_wait3A_1359 = tpu.memref_slice %arg7[%dma_wait3A_1356, %dma_wait3A_1357, %dma_wait3A_1358] : memref<8x128x64xf32, #tpu.memory_space<vmem>> -> memref<1x128x64xf32, #tpu.memory_space<vmem>>
    %dma_wait3A_1360 = tpu.memref_squeeze %dma_wait3A_1359 : memref<1x128x64xf32, #tpu.memory_space<vmem>> -> memref<128x64xf32, #tpu.memory_space<vmem>>
    %dma_wait3A_1361 = arith.constant 0 : i32
    %dma_wait3A_1362 = tpu.memref_slice %arg6[%dma_wait3A_1355, %dma_wait3A_1361] : memref<32x128xi32, #tpu.memory_space<vmem>> -> memref<1x128xi32, #tpu.memory_space<vmem>>
    %dma_wait3A_1363 = tpu.memref_squeeze %dma_wait3A_1362 : memref<1x128xi32, #tpu.memory_space<vmem>> -> memref<128xi32, #tpu.memory_space<vmem>>
    %dma_wait3A_1364 = arith.constant 0 : i32
    %dma_wait3A_1365 = arith.constant 0 : i32
    %dma_wait3A_1366 = tpu.memref_slice %arg8[%dma_wait3A_1364, %dma_wait3A_1365] : memref<2048x64xf32, #tpu.memory_space<vmem_shared>> -> memref<2048x64xf32, #tpu.memory_space<vmem_shared>>
    tpu.wait_indirect_dma semaphore(%arg9 : memref<!tpu.dma_semaphore, #tpu.memory_space<semaphore_mem>>) src(%dma_wait3A_1366 : memref<2048x64xf32, #tpu.memory_space<vmem_shared>>) dst(%dma_wait3A_1360 : memref<128x64xf32, #tpu.memory_space<vmem>>)
    %add3A_1367 = arith.constant 3072 : i32
    %add3A_1368 = arith.addi %mul3A_4, %add3A_1367 : i32
    %dma_start3A_1369 = arith.constant 0 : i32
    %dma_start3A_1370 = arith.constant 0 : i32
    %dma_start3A_1371 = arith.constant 0 : i32
    %dma_start3A_1372 = tpu.memref_slice %arg7[%dma_start3A_1369, %dma_start3A_1370, %dma_start3A_1371] : memref<8x128x64xf32, #tpu.memory_space<vmem>> -> memref<1x128x64xf32, #tpu.memory_space<vmem>>
    %dma_start3A_1373 = tpu.memref_squeeze %dma_start3A_1372 : memref<1x128x64xf32, #tpu.memory_space<vmem>> -> memref<128x64xf32, #tpu.memory_space<vmem>>
    %dma_start3A_1374 = arith.constant 0 : i32
    %dma_start3A_1375 = tpu.memref_slice %arg4[%add3A_1368, %dma_start3A_1374] : memref<131072x64xf32, #tpu.memory_space<hbm>> -> memref<128x64xf32, #tpu.memory_space<hbm>>
    %dma_start3A_1376 = arith.constant 0 : i32
    %dma_start3A_1377 = tpu.memref_slice %arg4[%add3A_1368, %dma_start3A_1376] : memref<131072x64xf32, #tpu.memory_space<hbm>> -> memref<128x64xf32, #tpu.memory_space<hbm>>
    %dma_start3A_1378 = arith.constant 0 : i32
    %dma_start3A_1379 = arith.constant 0 : i32
    %dma_start3A_1380 = tpu.memref_slice %arg7[%dma_start3A_1369, %dma_start3A_1378, %dma_start3A_1379] : memref<8x128x64xf32, #tpu.memory_space<vmem>> -> memref<1x128x64xf32, #tpu.memory_space<vmem>>
    %dma_start3A_1381 = tpu.memref_squeeze %dma_start3A_1380 : memref<1x128x64xf32, #tpu.memory_space<vmem>> -> memref<128x64xf32, #tpu.memory_space<vmem>>
    tpu.enqueue_dma source(%dma_start3A_1381 : memref<128x64xf32, #tpu.memory_space<vmem>>) target(%dma_start3A_1377 : memref<128x64xf32, #tpu.memory_space<hbm>>) target_semaphore(%arg17 : memref<!tpu.dma_semaphore, #tpu.memory_space<semaphore_mem>>)
    %dma_wait3A_1382 = arith.constant 5 : i32
    %dma_wait3A_1383 = arith.constant 0 : i32
    %dma_wait3A_1384 = arith.constant 0 : i32
    %dma_wait3A_1385 = tpu.memref_slice %arg7[%dma_wait3A_1382, %dma_wait3A_1383, %dma_wait3A_1384] : memref<8x128x64xf32, #tpu.memory_space<vmem>> -> memref<1x128x64xf32, #tpu.memory_space<vmem>>
    %dma_wait3A_1386 = tpu.memref_squeeze %dma_wait3A_1385 : memref<1x128x64xf32, #tpu.memory_space<vmem>> -> memref<128x64xf32, #tpu.memory_space<vmem>>
    %dma_wait3A_1387 = arith.constant 0 : i32
    %dma_wait3A_1388 = tpu.memref_slice %arg4[%add3A_1212, %dma_wait3A_1387] : memref<131072x64xf32, #tpu.memory_space<hbm>> -> memref<128x64xf32, #tpu.memory_space<hbm>>
    %dma_wait3A_1389 = arith.constant 0 : i32
    %dma_wait3A_1390 = tpu.memref_slice %arg4[%add3A_1212, %dma_wait3A_1389] : memref<131072x64xf32, #tpu.memory_space<hbm>> -> memref<128x64xf32, #tpu.memory_space<hbm>>
    %dma_wait3A_1391 = arith.constant 0 : i32
    %dma_wait3A_1392 = arith.constant 0 : i32
    %dma_wait3A_1393 = tpu.memref_slice %arg7[%dma_wait3A_1382, %dma_wait3A_1391, %dma_wait3A_1392] : memref<8x128x64xf32, #tpu.memory_space<vmem>> -> memref<1x128x64xf32, #tpu.memory_space<vmem>>
    %dma_wait3A_1394 = tpu.memref_squeeze %dma_wait3A_1393 : memref<1x128x64xf32, #tpu.memory_space<vmem>> -> memref<128x64xf32, #tpu.memory_space<vmem>>
    tpu.wait_dma2 semaphore(%arg22 : memref<!tpu.dma_semaphore, #tpu.memory_space<semaphore_mem>>) src(%dma_wait3A_1394 : memref<128x64xf32, #tpu.memory_space<vmem>>) dst(%dma_wait3A_1390 : memref<128x64xf32, #tpu.memory_space<hbm>>)
    %dma_start3A_1395 = arith.constant 29 : i32
    %dma_start3A_1396 = arith.constant 5 : i32
    %dma_start3A_1397 = arith.constant 0 : i32
    %dma_start3A_1398 = arith.constant 0 : i32
    %dma_start3A_1399 = tpu.memref_slice %arg7[%dma_start3A_1396, %dma_start3A_1397, %dma_start3A_1398] : memref<8x128x64xf32, #tpu.memory_space<vmem>> -> memref<1x128x64xf32, #tpu.memory_space<vmem>>
    %dma_start3A_1400 = tpu.memref_squeeze %dma_start3A_1399 : memref<1x128x64xf32, #tpu.memory_space<vmem>> -> memref<128x64xf32, #tpu.memory_space<vmem>>
    %dma_start3A_1401 = arith.constant 0 : i32
    %dma_start3A_1402 = tpu.memref_slice %arg6[%dma_start3A_1395, %dma_start3A_1401] : memref<32x128xi32, #tpu.memory_space<vmem>> -> memref<1x128xi32, #tpu.memory_space<vmem>>
    %dma_start3A_1403 = tpu.memref_squeeze %dma_start3A_1402 : memref<1x128xi32, #tpu.memory_space<vmem>> -> memref<128xi32, #tpu.memory_space<vmem>>
    %dma_start3A_1404 = arith.constant 0 : i32
    %dma_start3A_1405 = arith.constant 0 : i32
    %dma_start3A_1406 = tpu.memref_slice %arg8[%dma_start3A_1404, %dma_start3A_1405] : memref<2048x64xf32, #tpu.memory_space<vmem_shared>> -> memref<2048x64xf32, #tpu.memory_space<vmem_shared>>
    tpu.enqueue_indirect_dma source(%dma_start3A_1406 : memref<2048x64xf32, #tpu.memory_space<vmem_shared>>) target(%dma_start3A_1400 : memref<128x64xf32, #tpu.memory_space<vmem>>) offsets(%dma_start3A_1403 : memref<128xi32, #tpu.memory_space<vmem>>) semaphore(%arg14 : memref<!tpu.dma_semaphore, #tpu.memory_space<semaphore_mem>>)
    %dma_wait3A_1407 = arith.constant 25 : i32
    %dma_wait3A_1408 = arith.constant 1 : i32
    %dma_wait3A_1409 = arith.constant 0 : i32
    %dma_wait3A_1410 = arith.constant 0 : i32
    %dma_wait3A_1411 = tpu.memref_slice %arg7[%dma_wait3A_1408, %dma_wait3A_1409, %dma_wait3A_1410] : memref<8x128x64xf32, #tpu.memory_space<vmem>> -> memref<1x128x64xf32, #tpu.memory_space<vmem>>
    %dma_wait3A_1412 = tpu.memref_squeeze %dma_wait3A_1411 : memref<1x128x64xf32, #tpu.memory_space<vmem>> -> memref<128x64xf32, #tpu.memory_space<vmem>>
    %dma_wait3A_1413 = arith.constant 0 : i32
    %dma_wait3A_1414 = tpu.memref_slice %arg6[%dma_wait3A_1407, %dma_wait3A_1413] : memref<32x128xi32, #tpu.memory_space<vmem>> -> memref<1x128xi32, #tpu.memory_space<vmem>>
    %dma_wait3A_1415 = tpu.memref_squeeze %dma_wait3A_1414 : memref<1x128xi32, #tpu.memory_space<vmem>> -> memref<128xi32, #tpu.memory_space<vmem>>
    %dma_wait3A_1416 = arith.constant 0 : i32
    %dma_wait3A_1417 = arith.constant 0 : i32
    %dma_wait3A_1418 = tpu.memref_slice %arg8[%dma_wait3A_1416, %dma_wait3A_1417] : memref<2048x64xf32, #tpu.memory_space<vmem_shared>> -> memref<2048x64xf32, #tpu.memory_space<vmem_shared>>
    tpu.wait_indirect_dma semaphore(%arg10 : memref<!tpu.dma_semaphore, #tpu.memory_space<semaphore_mem>>) src(%dma_wait3A_1418 : memref<2048x64xf32, #tpu.memory_space<vmem_shared>>) dst(%dma_wait3A_1412 : memref<128x64xf32, #tpu.memory_space<vmem>>)
    %add3A_1419 = arith.constant 3200 : i32
    %add3A_1420 = arith.addi %mul3A_4, %add3A_1419 : i32
    %dma_start3A_1421 = arith.constant 1 : i32
    %dma_start3A_1422 = arith.constant 0 : i32
    %dma_start3A_1423 = arith.constant 0 : i32
    %dma_start3A_1424 = tpu.memref_slice %arg7[%dma_start3A_1421, %dma_start3A_1422, %dma_start3A_1423] : memref<8x128x64xf32, #tpu.memory_space<vmem>> -> memref<1x128x64xf32, #tpu.memory_space<vmem>>
    %dma_start3A_1425 = tpu.memref_squeeze %dma_start3A_1424 : memref<1x128x64xf32, #tpu.memory_space<vmem>> -> memref<128x64xf32, #tpu.memory_space<vmem>>
    %dma_start3A_1426 = arith.constant 0 : i32
    %dma_start3A_1427 = tpu.memref_slice %arg4[%add3A_1420, %dma_start3A_1426] : memref<131072x64xf32, #tpu.memory_space<hbm>> -> memref<128x64xf32, #tpu.memory_space<hbm>>
    %dma_start3A_1428 = arith.constant 0 : i32
    %dma_start3A_1429 = tpu.memref_slice %arg4[%add3A_1420, %dma_start3A_1428] : memref<131072x64xf32, #tpu.memory_space<hbm>> -> memref<128x64xf32, #tpu.memory_space<hbm>>
    %dma_start3A_1430 = arith.constant 0 : i32
    %dma_start3A_1431 = arith.constant 0 : i32
    %dma_start3A_1432 = tpu.memref_slice %arg7[%dma_start3A_1421, %dma_start3A_1430, %dma_start3A_1431] : memref<8x128x64xf32, #tpu.memory_space<vmem>> -> memref<1x128x64xf32, #tpu.memory_space<vmem>>
    %dma_start3A_1433 = tpu.memref_squeeze %dma_start3A_1432 : memref<1x128x64xf32, #tpu.memory_space<vmem>> -> memref<128x64xf32, #tpu.memory_space<vmem>>
    tpu.enqueue_dma source(%dma_start3A_1433 : memref<128x64xf32, #tpu.memory_space<vmem>>) target(%dma_start3A_1429 : memref<128x64xf32, #tpu.memory_space<hbm>>) target_semaphore(%arg18 : memref<!tpu.dma_semaphore, #tpu.memory_space<semaphore_mem>>)
    %dma_wait3A_1434 = arith.constant 6 : i32
    %dma_wait3A_1435 = arith.constant 0 : i32
    %dma_wait3A_1436 = arith.constant 0 : i32
    %dma_wait3A_1437 = tpu.memref_slice %arg7[%dma_wait3A_1434, %dma_wait3A_1435, %dma_wait3A_1436] : memref<8x128x64xf32, #tpu.memory_space<vmem>> -> memref<1x128x64xf32, #tpu.memory_space<vmem>>
    %dma_wait3A_1438 = tpu.memref_squeeze %dma_wait3A_1437 : memref<1x128x64xf32, #tpu.memory_space<vmem>> -> memref<128x64xf32, #tpu.memory_space<vmem>>
    %dma_wait3A_1439 = arith.constant 0 : i32
    %dma_wait3A_1440 = tpu.memref_slice %arg4[%add3A_1264, %dma_wait3A_1439] : memref<131072x64xf32, #tpu.memory_space<hbm>> -> memref<128x64xf32, #tpu.memory_space<hbm>>
    %dma_wait3A_1441 = arith.constant 0 : i32
    %dma_wait3A_1442 = tpu.memref_slice %arg4[%add3A_1264, %dma_wait3A_1441] : memref<131072x64xf32, #tpu.memory_space<hbm>> -> memref<128x64xf32, #tpu.memory_space<hbm>>
    %dma_wait3A_1443 = arith.constant 0 : i32
    %dma_wait3A_1444 = arith.constant 0 : i32
    %dma_wait3A_1445 = tpu.memref_slice %arg7[%dma_wait3A_1434, %dma_wait3A_1443, %dma_wait3A_1444] : memref<8x128x64xf32, #tpu.memory_space<vmem>> -> memref<1x128x64xf32, #tpu.memory_space<vmem>>
    %dma_wait3A_1446 = tpu.memref_squeeze %dma_wait3A_1445 : memref<1x128x64xf32, #tpu.memory_space<vmem>> -> memref<128x64xf32, #tpu.memory_space<vmem>>
    tpu.wait_dma2 semaphore(%arg23 : memref<!tpu.dma_semaphore, #tpu.memory_space<semaphore_mem>>) src(%dma_wait3A_1446 : memref<128x64xf32, #tpu.memory_space<vmem>>) dst(%dma_wait3A_1442 : memref<128x64xf32, #tpu.memory_space<hbm>>)
    %dma_start3A_1447 = arith.constant 30 : i32
    %dma_start3A_1448 = arith.constant 6 : i32
    %dma_start3A_1449 = arith.constant 0 : i32
    %dma_start3A_1450 = arith.constant 0 : i32
    %dma_start3A_1451 = tpu.memref_slice %arg7[%dma_start3A_1448, %dma_start3A_1449, %dma_start3A_1450] : memref<8x128x64xf32, #tpu.memory_space<vmem>> -> memref<1x128x64xf32, #tpu.memory_space<vmem>>
    %dma_start3A_1452 = tpu.memref_squeeze %dma_start3A_1451 : memref<1x128x64xf32, #tpu.memory_space<vmem>> -> memref<128x64xf32, #tpu.memory_space<vmem>>
    %dma_start3A_1453 = arith.constant 0 : i32
    %dma_start3A_1454 = tpu.memref_slice %arg6[%dma_start3A_1447, %dma_start3A_1453] : memref<32x128xi32, #tpu.memory_space<vmem>> -> memref<1x128xi32, #tpu.memory_space<vmem>>
    %dma_start3A_1455 = tpu.memref_squeeze %dma_start3A_1454 : memref<1x128xi32, #tpu.memory_space<vmem>> -> memref<128xi32, #tpu.memory_space<vmem>>
    %dma_start3A_1456 = arith.constant 0 : i32
    %dma_start3A_1457 = arith.constant 0 : i32
    %dma_start3A_1458 = tpu.memref_slice %arg8[%dma_start3A_1456, %dma_start3A_1457] : memref<2048x64xf32, #tpu.memory_space<vmem_shared>> -> memref<2048x64xf32, #tpu.memory_space<vmem_shared>>
    tpu.enqueue_indirect_dma source(%dma_start3A_1458 : memref<2048x64xf32, #tpu.memory_space<vmem_shared>>) target(%dma_start3A_1452 : memref<128x64xf32, #tpu.memory_space<vmem>>) offsets(%dma_start3A_1455 : memref<128xi32, #tpu.memory_space<vmem>>) semaphore(%arg15 : memref<!tpu.dma_semaphore, #tpu.memory_space<semaphore_mem>>)
    %dma_wait3A_1459 = arith.constant 26 : i32
    %dma_wait3A_1460 = arith.constant 2 : i32
    %dma_wait3A_1461 = arith.constant 0 : i32
    %dma_wait3A_1462 = arith.constant 0 : i32
    %dma_wait3A_1463 = tpu.memref_slice %arg7[%dma_wait3A_1460, %dma_wait3A_1461, %dma_wait3A_1462] : memref<8x128x64xf32, #tpu.memory_space<vmem>> -> memref<1x128x64xf32, #tpu.memory_space<vmem>>
    %dma_wait3A_1464 = tpu.memref_squeeze %dma_wait3A_1463 : memref<1x128x64xf32, #tpu.memory_space<vmem>> -> memref<128x64xf32, #tpu.memory_space<vmem>>
    %dma_wait3A_1465 = arith.constant 0 : i32
    %dma_wait3A_1466 = tpu.memref_slice %arg6[%dma_wait3A_1459, %dma_wait3A_1465] : memref<32x128xi32, #tpu.memory_space<vmem>> -> memref<1x128xi32, #tpu.memory_space<vmem>>
    %dma_wait3A_1467 = tpu.memref_squeeze %dma_wait3A_1466 : memref<1x128xi32, #tpu.memory_space<vmem>> -> memref<128xi32, #tpu.memory_space<vmem>>
    %dma_wait3A_1468 = arith.constant 0 : i32
    %dma_wait3A_1469 = arith.constant 0 : i32
    %dma_wait3A_1470 = tpu.memref_slice %arg8[%dma_wait3A_1468, %dma_wait3A_1469] : memref<2048x64xf32, #tpu.memory_space<vmem_shared>> -> memref<2048x64xf32, #tpu.memory_space<vmem_shared>>
    tpu.wait_indirect_dma semaphore(%arg11 : memref<!tpu.dma_semaphore, #tpu.memory_space<semaphore_mem>>) src(%dma_wait3A_1470 : memref<2048x64xf32, #tpu.memory_space<vmem_shared>>) dst(%dma_wait3A_1464 : memref<128x64xf32, #tpu.memory_space<vmem>>)
    %add3A_1471 = arith.constant 3328 : i32
    %add3A_1472 = arith.addi %mul3A_4, %add3A_1471 : i32
    %dma_start3A_1473 = arith.constant 2 : i32
    %dma_start3A_1474 = arith.constant 0 : i32
    %dma_start3A_1475 = arith.constant 0 : i32
    %dma_start3A_1476 = tpu.memref_slice %arg7[%dma_start3A_1473, %dma_start3A_1474, %dma_start3A_1475] : memref<8x128x64xf32, #tpu.memory_space<vmem>> -> memref<1x128x64xf32, #tpu.memory_space<vmem>>
    %dma_start3A_1477 = tpu.memref_squeeze %dma_start3A_1476 : memref<1x128x64xf32, #tpu.memory_space<vmem>> -> memref<128x64xf32, #tpu.memory_space<vmem>>
    %dma_start3A_1478 = arith.constant 0 : i32
    %dma_start3A_1479 = tpu.memref_slice %arg4[%add3A_1472, %dma_start3A_1478] : memref<131072x64xf32, #tpu.memory_space<hbm>> -> memref<128x64xf32, #tpu.memory_space<hbm>>
    %dma_start3A_1480 = arith.constant 0 : i32
    %dma_start3A_1481 = tpu.memref_slice %arg4[%add3A_1472, %dma_start3A_1480] : memref<131072x64xf32, #tpu.memory_space<hbm>> -> memref<128x64xf32, #tpu.memory_space<hbm>>
    %dma_start3A_1482 = arith.constant 0 : i32
    %dma_start3A_1483 = arith.constant 0 : i32
    %dma_start3A_1484 = tpu.memref_slice %arg7[%dma_start3A_1473, %dma_start3A_1482, %dma_start3A_1483] : memref<8x128x64xf32, #tpu.memory_space<vmem>> -> memref<1x128x64xf32, #tpu.memory_space<vmem>>
    %dma_start3A_1485 = tpu.memref_squeeze %dma_start3A_1484 : memref<1x128x64xf32, #tpu.memory_space<vmem>> -> memref<128x64xf32, #tpu.memory_space<vmem>>
    tpu.enqueue_dma source(%dma_start3A_1485 : memref<128x64xf32, #tpu.memory_space<vmem>>) target(%dma_start3A_1481 : memref<128x64xf32, #tpu.memory_space<hbm>>) target_semaphore(%arg19 : memref<!tpu.dma_semaphore, #tpu.memory_space<semaphore_mem>>)
    %dma_wait3A_1486 = arith.constant 7 : i32
    %dma_wait3A_1487 = arith.constant 0 : i32
    %dma_wait3A_1488 = arith.constant 0 : i32
    %dma_wait3A_1489 = tpu.memref_slice %arg7[%dma_wait3A_1486, %dma_wait3A_1487, %dma_wait3A_1488] : memref<8x128x64xf32, #tpu.memory_space<vmem>> -> memref<1x128x64xf32, #tpu.memory_space<vmem>>
    %dma_wait3A_1490 = tpu.memref_squeeze %dma_wait3A_1489 : memref<1x128x64xf32, #tpu.memory_space<vmem>> -> memref<128x64xf32, #tpu.memory_space<vmem>>
    %dma_wait3A_1491 = arith.constant 0 : i32
    %dma_wait3A_1492 = tpu.memref_slice %arg4[%add3A_1316, %dma_wait3A_1491] : memref<131072x64xf32, #tpu.memory_space<hbm>> -> memref<128x64xf32, #tpu.memory_space<hbm>>
    %dma_wait3A_1493 = arith.constant 0 : i32
    %dma_wait3A_1494 = tpu.memref_slice %arg4[%add3A_1316, %dma_wait3A_1493] : memref<131072x64xf32, #tpu.memory_space<hbm>> -> memref<128x64xf32, #tpu.memory_space<hbm>>
    %dma_wait3A_1495 = arith.constant 0 : i32
    %dma_wait3A_1496 = arith.constant 0 : i32
    %dma_wait3A_1497 = tpu.memref_slice %arg7[%dma_wait3A_1486, %dma_wait3A_1495, %dma_wait3A_1496] : memref<8x128x64xf32, #tpu.memory_space<vmem>> -> memref<1x128x64xf32, #tpu.memory_space<vmem>>
    %dma_wait3A_1498 = tpu.memref_squeeze %dma_wait3A_1497 : memref<1x128x64xf32, #tpu.memory_space<vmem>> -> memref<128x64xf32, #tpu.memory_space<vmem>>
    tpu.wait_dma2 semaphore(%arg24 : memref<!tpu.dma_semaphore, #tpu.memory_space<semaphore_mem>>) src(%dma_wait3A_1498 : memref<128x64xf32, #tpu.memory_space<vmem>>) dst(%dma_wait3A_1494 : memref<128x64xf32, #tpu.memory_space<hbm>>)
    %dma_start3A_1499 = arith.constant 31 : i32
    %dma_start3A_1500 = arith.constant 7 : i32
    %dma_start3A_1501 = arith.constant 0 : i32
    %dma_start3A_1502 = arith.constant 0 : i32
    %dma_start3A_1503 = tpu.memref_slice %arg7[%dma_start3A_1500, %dma_start3A_1501, %dma_start3A_1502] : memref<8x128x64xf32, #tpu.memory_space<vmem>> -> memref<1x128x64xf32, #tpu.memory_space<vmem>>
    %dma_start3A_1504 = tpu.memref_squeeze %dma_start3A_1503 : memref<1x128x64xf32, #tpu.memory_space<vmem>> -> memref<128x64xf32, #tpu.memory_space<vmem>>
    %dma_start3A_1505 = arith.constant 0 : i32
    %dma_start3A_1506 = tpu.memref_slice %arg6[%dma_start3A_1499, %dma_start3A_1505] : memref<32x128xi32, #tpu.memory_space<vmem>> -> memref<1x128xi32, #tpu.memory_space<vmem>>
    %dma_start3A_1507 = tpu.memref_squeeze %dma_start3A_1506 : memref<1x128xi32, #tpu.memory_space<vmem>> -> memref<128xi32, #tpu.memory_space<vmem>>
    %dma_start3A_1508 = arith.constant 0 : i32
    %dma_start3A_1509 = arith.constant 0 : i32
    %dma_start3A_1510 = tpu.memref_slice %arg8[%dma_start3A_1508, %dma_start3A_1509] : memref<2048x64xf32, #tpu.memory_space<vmem_shared>> -> memref<2048x64xf32, #tpu.memory_space<vmem_shared>>
    tpu.enqueue_indirect_dma source(%dma_start3A_1510 : memref<2048x64xf32, #tpu.memory_space<vmem_shared>>) target(%dma_start3A_1504 : memref<128x64xf32, #tpu.memory_space<vmem>>) offsets(%dma_start3A_1507 : memref<128xi32, #tpu.memory_space<vmem>>) semaphore(%arg16 : memref<!tpu.dma_semaphore, #tpu.memory_space<semaphore_mem>>)
    %dma_wait3A_1511 = arith.constant 27 : i32
    %dma_wait3A_1512 = arith.constant 3 : i32
    %dma_wait3A_1513 = arith.constant 0 : i32
    %dma_wait3A_1514 = arith.constant 0 : i32
    %dma_wait3A_1515 = tpu.memref_slice %arg7[%dma_wait3A_1512, %dma_wait3A_1513, %dma_wait3A_1514] : memref<8x128x64xf32, #tpu.memory_space<vmem>> -> memref<1x128x64xf32, #tpu.memory_space<vmem>>
    %dma_wait3A_1516 = tpu.memref_squeeze %dma_wait3A_1515 : memref<1x128x64xf32, #tpu.memory_space<vmem>> -> memref<128x64xf32, #tpu.memory_space<vmem>>
    %dma_wait3A_1517 = arith.constant 0 : i32
    %dma_wait3A_1518 = tpu.memref_slice %arg6[%dma_wait3A_1511, %dma_wait3A_1517] : memref<32x128xi32, #tpu.memory_space<vmem>> -> memref<1x128xi32, #tpu.memory_space<vmem>>
    %dma_wait3A_1519 = tpu.memref_squeeze %dma_wait3A_1518 : memref<1x128xi32, #tpu.memory_space<vmem>> -> memref<128xi32, #tpu.memory_space<vmem>>
    %dma_wait3A_1520 = arith.constant 0 : i32
    %dma_wait3A_1521 = arith.constant 0 : i32
    %dma_wait3A_1522 = tpu.memref_slice %arg8[%dma_wait3A_1520, %dma_wait3A_1521] : memref<2048x64xf32, #tpu.memory_space<vmem_shared>> -> memref<2048x64xf32, #tpu.memory_space<vmem_shared>>
    tpu.wait_indirect_dma semaphore(%arg12 : memref<!tpu.dma_semaphore, #tpu.memory_space<semaphore_mem>>) src(%dma_wait3A_1522 : memref<2048x64xf32, #tpu.memory_space<vmem_shared>>) dst(%dma_wait3A_1516 : memref<128x64xf32, #tpu.memory_space<vmem>>)
    %add3A_1523 = arith.constant 3456 : i32
    %add3A_1524 = arith.addi %mul3A_4, %add3A_1523 : i32
    %dma_start3A_1525 = arith.constant 3 : i32
    %dma_start3A_1526 = arith.constant 0 : i32
    %dma_start3A_1527 = arith.constant 0 : i32
    %dma_start3A_1528 = tpu.memref_slice %arg7[%dma_start3A_1525, %dma_start3A_1526, %dma_start3A_1527] : memref<8x128x64xf32, #tpu.memory_space<vmem>> -> memref<1x128x64xf32, #tpu.memory_space<vmem>>
    %dma_start3A_1529 = tpu.memref_squeeze %dma_start3A_1528 : memref<1x128x64xf32, #tpu.memory_space<vmem>> -> memref<128x64xf32, #tpu.memory_space<vmem>>
    %dma_start3A_1530 = arith.constant 0 : i32
    %dma_start3A_1531 = tpu.memref_slice %arg4[%add3A_1524, %dma_start3A_1530] : memref<131072x64xf32, #tpu.memory_space<hbm>> -> memref<128x64xf32, #tpu.memory_space<hbm>>
    %dma_start3A_1532 = arith.constant 0 : i32
    %dma_start3A_1533 = tpu.memref_slice %arg4[%add3A_1524, %dma_start3A_1532] : memref<131072x64xf32, #tpu.memory_space<hbm>> -> memref<128x64xf32, #tpu.memory_space<hbm>>
    %dma_start3A_1534 = arith.constant 0 : i32
    %dma_start3A_1535 = arith.constant 0 : i32
    %dma_start3A_1536 = tpu.memref_slice %arg7[%dma_start3A_1525, %dma_start3A_1534, %dma_start3A_1535] : memref<8x128x64xf32, #tpu.memory_space<vmem>> -> memref<1x128x64xf32, #tpu.memory_space<vmem>>
    %dma_start3A_1537 = tpu.memref_squeeze %dma_start3A_1536 : memref<1x128x64xf32, #tpu.memory_space<vmem>> -> memref<128x64xf32, #tpu.memory_space<vmem>>
    tpu.enqueue_dma source(%dma_start3A_1537 : memref<128x64xf32, #tpu.memory_space<vmem>>) target(%dma_start3A_1533 : memref<128x64xf32, #tpu.memory_space<hbm>>) target_semaphore(%arg20 : memref<!tpu.dma_semaphore, #tpu.memory_space<semaphore_mem>>)
    %dma_wait3A_1538 = arith.constant 0 : i32
    %dma_wait3A_1539 = arith.constant 0 : i32
    %dma_wait3A_1540 = arith.constant 0 : i32
    %dma_wait3A_1541 = tpu.memref_slice %arg7[%dma_wait3A_1538, %dma_wait3A_1539, %dma_wait3A_1540] : memref<8x128x64xf32, #tpu.memory_space<vmem>> -> memref<1x128x64xf32, #tpu.memory_space<vmem>>
    %dma_wait3A_1542 = tpu.memref_squeeze %dma_wait3A_1541 : memref<1x128x64xf32, #tpu.memory_space<vmem>> -> memref<128x64xf32, #tpu.memory_space<vmem>>
    %dma_wait3A_1543 = arith.constant 0 : i32
    %dma_wait3A_1544 = tpu.memref_slice %arg4[%add3A_1368, %dma_wait3A_1543] : memref<131072x64xf32, #tpu.memory_space<hbm>> -> memref<128x64xf32, #tpu.memory_space<hbm>>
    %dma_wait3A_1545 = arith.constant 0 : i32
    %dma_wait3A_1546 = tpu.memref_slice %arg4[%add3A_1368, %dma_wait3A_1545] : memref<131072x64xf32, #tpu.memory_space<hbm>> -> memref<128x64xf32, #tpu.memory_space<hbm>>
    %dma_wait3A_1547 = arith.constant 0 : i32
    %dma_wait3A_1548 = arith.constant 0 : i32
    %dma_wait3A_1549 = tpu.memref_slice %arg7[%dma_wait3A_1538, %dma_wait3A_1547, %dma_wait3A_1548] : memref<8x128x64xf32, #tpu.memory_space<vmem>> -> memref<1x128x64xf32, #tpu.memory_space<vmem>>
    %dma_wait3A_1550 = tpu.memref_squeeze %dma_wait3A_1549 : memref<1x128x64xf32, #tpu.memory_space<vmem>> -> memref<128x64xf32, #tpu.memory_space<vmem>>
    tpu.wait_dma2 semaphore(%arg17 : memref<!tpu.dma_semaphore, #tpu.memory_space<semaphore_mem>>) src(%dma_wait3A_1550 : memref<128x64xf32, #tpu.memory_space<vmem>>) dst(%dma_wait3A_1546 : memref<128x64xf32, #tpu.memory_space<hbm>>)
    %dma_wait3A_1551 = arith.constant 28 : i32
    %dma_wait3A_1552 = arith.constant 4 : i32
    %dma_wait3A_1553 = arith.constant 0 : i32
    %dma_wait3A_1554 = arith.constant 0 : i32
    %dma_wait3A_1555 = tpu.memref_slice %arg7[%dma_wait3A_1552, %dma_wait3A_1553, %dma_wait3A_1554] : memref<8x128x64xf32, #tpu.memory_space<vmem>> -> memref<1x128x64xf32, #tpu.memory_space<vmem>>
    %dma_wait3A_1556 = tpu.memref_squeeze %dma_wait3A_1555 : memref<1x128x64xf32, #tpu.memory_space<vmem>> -> memref<128x64xf32, #tpu.memory_space<vmem>>
    %dma_wait3A_1557 = arith.constant 0 : i32
    %dma_wait3A_1558 = tpu.memref_slice %arg6[%dma_wait3A_1551, %dma_wait3A_1557] : memref<32x128xi32, #tpu.memory_space<vmem>> -> memref<1x128xi32, #tpu.memory_space<vmem>>
    %dma_wait3A_1559 = tpu.memref_squeeze %dma_wait3A_1558 : memref<1x128xi32, #tpu.memory_space<vmem>> -> memref<128xi32, #tpu.memory_space<vmem>>
    %dma_wait3A_1560 = arith.constant 0 : i32
    %dma_wait3A_1561 = arith.constant 0 : i32
    %dma_wait3A_1562 = tpu.memref_slice %arg8[%dma_wait3A_1560, %dma_wait3A_1561] : memref<2048x64xf32, #tpu.memory_space<vmem_shared>> -> memref<2048x64xf32, #tpu.memory_space<vmem_shared>>
    tpu.wait_indirect_dma semaphore(%arg13 : memref<!tpu.dma_semaphore, #tpu.memory_space<semaphore_mem>>) src(%dma_wait3A_1562 : memref<2048x64xf32, #tpu.memory_space<vmem_shared>>) dst(%dma_wait3A_1556 : memref<128x64xf32, #tpu.memory_space<vmem>>)
    %add3A_1563 = arith.constant 3584 : i32
    %add3A_1564 = arith.addi %mul3A_4, %add3A_1563 : i32
    %dma_start3A_1565 = arith.constant 4 : i32
    %dma_start3A_1566 = arith.constant 0 : i32
    %dma_start3A_1567 = arith.constant 0 : i32
    %dma_start3A_1568 = tpu.memref_slice %arg7[%dma_start3A_1565, %dma_start3A_1566, %dma_start3A_1567] : memref<8x128x64xf32, #tpu.memory_space<vmem>> -> memref<1x128x64xf32, #tpu.memory_space<vmem>>
    %dma_start3A_1569 = tpu.memref_squeeze %dma_start3A_1568 : memref<1x128x64xf32, #tpu.memory_space<vmem>> -> memref<128x64xf32, #tpu.memory_space<vmem>>
    %dma_start3A_1570 = arith.constant 0 : i32
    %dma_start3A_1571 = tpu.memref_slice %arg4[%add3A_1564, %dma_start3A_1570] : memref<131072x64xf32, #tpu.memory_space<hbm>> -> memref<128x64xf32, #tpu.memory_space<hbm>>
    %dma_start3A_1572 = arith.constant 0 : i32
    %dma_start3A_1573 = tpu.memref_slice %arg4[%add3A_1564, %dma_start3A_1572] : memref<131072x64xf32, #tpu.memory_space<hbm>> -> memref<128x64xf32, #tpu.memory_space<hbm>>
    %dma_start3A_1574 = arith.constant 0 : i32
    %dma_start3A_1575 = arith.constant 0 : i32
    %dma_start3A_1576 = tpu.memref_slice %arg7[%dma_start3A_1565, %dma_start3A_1574, %dma_start3A_1575] : memref<8x128x64xf32, #tpu.memory_space<vmem>> -> memref<1x128x64xf32, #tpu.memory_space<vmem>>
    %dma_start3A_1577 = tpu.memref_squeeze %dma_start3A_1576 : memref<1x128x64xf32, #tpu.memory_space<vmem>> -> memref<128x64xf32, #tpu.memory_space<vmem>>
    tpu.enqueue_dma source(%dma_start3A_1577 : memref<128x64xf32, #tpu.memory_space<vmem>>) target(%dma_start3A_1573 : memref<128x64xf32, #tpu.memory_space<hbm>>) target_semaphore(%arg21 : memref<!tpu.dma_semaphore, #tpu.memory_space<semaphore_mem>>)
    %dma_wait3A_1578 = arith.constant 1 : i32
    %dma_wait3A_1579 = arith.constant 0 : i32
    %dma_wait3A_1580 = arith.constant 0 : i32
    %dma_wait3A_1581 = tpu.memref_slice %arg7[%dma_wait3A_1578, %dma_wait3A_1579, %dma_wait3A_1580] : memref<8x128x64xf32, #tpu.memory_space<vmem>> -> memref<1x128x64xf32, #tpu.memory_space<vmem>>
    %dma_wait3A_1582 = tpu.memref_squeeze %dma_wait3A_1581 : memref<1x128x64xf32, #tpu.memory_space<vmem>> -> memref<128x64xf32, #tpu.memory_space<vmem>>
    %dma_wait3A_1583 = arith.constant 0 : i32
    %dma_wait3A_1584 = tpu.memref_slice %arg4[%add3A_1420, %dma_wait3A_1583] : memref<131072x64xf32, #tpu.memory_space<hbm>> -> memref<128x64xf32, #tpu.memory_space<hbm>>
    %dma_wait3A_1585 = arith.constant 0 : i32
    %dma_wait3A_1586 = tpu.memref_slice %arg4[%add3A_1420, %dma_wait3A_1585] : memref<131072x64xf32, #tpu.memory_space<hbm>> -> memref<128x64xf32, #tpu.memory_space<hbm>>
    %dma_wait3A_1587 = arith.constant 0 : i32
    %dma_wait3A_1588 = arith.constant 0 : i32
    %dma_wait3A_1589 = tpu.memref_slice %arg7[%dma_wait3A_1578, %dma_wait3A_1587, %dma_wait3A_1588] : memref<8x128x64xf32, #tpu.memory_space<vmem>> -> memref<1x128x64xf32, #tpu.memory_space<vmem>>
    %dma_wait3A_1590 = tpu.memref_squeeze %dma_wait3A_1589 : memref<1x128x64xf32, #tpu.memory_space<vmem>> -> memref<128x64xf32, #tpu.memory_space<vmem>>
    tpu.wait_dma2 semaphore(%arg18 : memref<!tpu.dma_semaphore, #tpu.memory_space<semaphore_mem>>) src(%dma_wait3A_1590 : memref<128x64xf32, #tpu.memory_space<vmem>>) dst(%dma_wait3A_1586 : memref<128x64xf32, #tpu.memory_space<hbm>>)
    %dma_wait3A_1591 = arith.constant 29 : i32
    %dma_wait3A_1592 = arith.constant 5 : i32
    %dma_wait3A_1593 = arith.constant 0 : i32
    %dma_wait3A_1594 = arith.constant 0 : i32
    %dma_wait3A_1595 = tpu.memref_slice %arg7[%dma_wait3A_1592, %dma_wait3A_1593, %dma_wait3A_1594] : memref<8x128x64xf32, #tpu.memory_space<vmem>> -> memref<1x128x64xf32, #tpu.memory_space<vmem>>
    %dma_wait3A_1596 = tpu.memref_squeeze %dma_wait3A_1595 : memref<1x128x64xf32, #tpu.memory_space<vmem>> -> memref<128x64xf32, #tpu.memory_space<vmem>>
    %dma_wait3A_1597 = arith.constant 0 : i32
    %dma_wait3A_1598 = tpu.memref_slice %arg6[%dma_wait3A_1591, %dma_wait3A_1597] : memref<32x128xi32, #tpu.memory_space<vmem>> -> memref<1x128xi32, #tpu.memory_space<vmem>>
    %dma_wait3A_1599 = tpu.memref_squeeze %dma_wait3A_1598 : memref<1x128xi32, #tpu.memory_space<vmem>> -> memref<128xi32, #tpu.memory_space<vmem>>
    %dma_wait3A_1600 = arith.constant 0 : i32
    %dma_wait3A_1601 = arith.constant 0 : i32
    %dma_wait3A_1602 = tpu.memref_slice %arg8[%dma_wait3A_1600, %dma_wait3A_1601] : memref<2048x64xf32, #tpu.memory_space<vmem_shared>> -> memref<2048x64xf32, #tpu.memory_space<vmem_shared>>
    tpu.wait_indirect_dma semaphore(%arg14 : memref<!tpu.dma_semaphore, #tpu.memory_space<semaphore_mem>>) src(%dma_wait3A_1602 : memref<2048x64xf32, #tpu.memory_space<vmem_shared>>) dst(%dma_wait3A_1596 : memref<128x64xf32, #tpu.memory_space<vmem>>)
    %add3A_1603 = arith.constant 3712 : i32
    %add3A_1604 = arith.addi %mul3A_4, %add3A_1603 : i32
    %dma_start3A_1605 = arith.constant 5 : i32
    %dma_start3A_1606 = arith.constant 0 : i32
    %dma_start3A_1607 = arith.constant 0 : i32
    %dma_start3A_1608 = tpu.memref_slice %arg7[%dma_start3A_1605, %dma_start3A_1606, %dma_start3A_1607] : memref<8x128x64xf32, #tpu.memory_space<vmem>> -> memref<1x128x64xf32, #tpu.memory_space<vmem>>
    %dma_start3A_1609 = tpu.memref_squeeze %dma_start3A_1608 : memref<1x128x64xf32, #tpu.memory_space<vmem>> -> memref<128x64xf32, #tpu.memory_space<vmem>>
    %dma_start3A_1610 = arith.constant 0 : i32
    %dma_start3A_1611 = tpu.memref_slice %arg4[%add3A_1604, %dma_start3A_1610] : memref<131072x64xf32, #tpu.memory_space<hbm>> -> memref<128x64xf32, #tpu.memory_space<hbm>>
    %dma_start3A_1612 = arith.constant 0 : i32
    %dma_start3A_1613 = tpu.memref_slice %arg4[%add3A_1604, %dma_start3A_1612] : memref<131072x64xf32, #tpu.memory_space<hbm>> -> memref<128x64xf32, #tpu.memory_space<hbm>>
    %dma_start3A_1614 = arith.constant 0 : i32
    %dma_start3A_1615 = arith.constant 0 : i32
    %dma_start3A_1616 = tpu.memref_slice %arg7[%dma_start3A_1605, %dma_start3A_1614, %dma_start3A_1615] : memref<8x128x64xf32, #tpu.memory_space<vmem>> -> memref<1x128x64xf32, #tpu.memory_space<vmem>>
    %dma_start3A_1617 = tpu.memref_squeeze %dma_start3A_1616 : memref<1x128x64xf32, #tpu.memory_space<vmem>> -> memref<128x64xf32, #tpu.memory_space<vmem>>
    tpu.enqueue_dma source(%dma_start3A_1617 : memref<128x64xf32, #tpu.memory_space<vmem>>) target(%dma_start3A_1613 : memref<128x64xf32, #tpu.memory_space<hbm>>) target_semaphore(%arg22 : memref<!tpu.dma_semaphore, #tpu.memory_space<semaphore_mem>>)
    %dma_wait3A_1618 = arith.constant 2 : i32
    %dma_wait3A_1619 = arith.constant 0 : i32
    %dma_wait3A_1620 = arith.constant 0 : i32
    %dma_wait3A_1621 = tpu.memref_slice %arg7[%dma_wait3A_1618, %dma_wait3A_1619, %dma_wait3A_1620] : memref<8x128x64xf32, #tpu.memory_space<vmem>> -> memref<1x128x64xf32, #tpu.memory_space<vmem>>
    %dma_wait3A_1622 = tpu.memref_squeeze %dma_wait3A_1621 : memref<1x128x64xf32, #tpu.memory_space<vmem>> -> memref<128x64xf32, #tpu.memory_space<vmem>>
    %dma_wait3A_1623 = arith.constant 0 : i32
    %dma_wait3A_1624 = tpu.memref_slice %arg4[%add3A_1472, %dma_wait3A_1623] : memref<131072x64xf32, #tpu.memory_space<hbm>> -> memref<128x64xf32, #tpu.memory_space<hbm>>
    %dma_wait3A_1625 = arith.constant 0 : i32
    %dma_wait3A_1626 = tpu.memref_slice %arg4[%add3A_1472, %dma_wait3A_1625] : memref<131072x64xf32, #tpu.memory_space<hbm>> -> memref<128x64xf32, #tpu.memory_space<hbm>>
    %dma_wait3A_1627 = arith.constant 0 : i32
    %dma_wait3A_1628 = arith.constant 0 : i32
    %dma_wait3A_1629 = tpu.memref_slice %arg7[%dma_wait3A_1618, %dma_wait3A_1627, %dma_wait3A_1628] : memref<8x128x64xf32, #tpu.memory_space<vmem>> -> memref<1x128x64xf32, #tpu.memory_space<vmem>>
    %dma_wait3A_1630 = tpu.memref_squeeze %dma_wait3A_1629 : memref<1x128x64xf32, #tpu.memory_space<vmem>> -> memref<128x64xf32, #tpu.memory_space<vmem>>
    tpu.wait_dma2 semaphore(%arg19 : memref<!tpu.dma_semaphore, #tpu.memory_space<semaphore_mem>>) src(%dma_wait3A_1630 : memref<128x64xf32, #tpu.memory_space<vmem>>) dst(%dma_wait3A_1626 : memref<128x64xf32, #tpu.memory_space<hbm>>)
    %dma_wait3A_1631 = arith.constant 30 : i32
    %dma_wait3A_1632 = arith.constant 6 : i32
    %dma_wait3A_1633 = arith.constant 0 : i32
    %dma_wait3A_1634 = arith.constant 0 : i32
    %dma_wait3A_1635 = tpu.memref_slice %arg7[%dma_wait3A_1632, %dma_wait3A_1633, %dma_wait3A_1634] : memref<8x128x64xf32, #tpu.memory_space<vmem>> -> memref<1x128x64xf32, #tpu.memory_space<vmem>>
    %dma_wait3A_1636 = tpu.memref_squeeze %dma_wait3A_1635 : memref<1x128x64xf32, #tpu.memory_space<vmem>> -> memref<128x64xf32, #tpu.memory_space<vmem>>
    %dma_wait3A_1637 = arith.constant 0 : i32
    %dma_wait3A_1638 = tpu.memref_slice %arg6[%dma_wait3A_1631, %dma_wait3A_1637] : memref<32x128xi32, #tpu.memory_space<vmem>> -> memref<1x128xi32, #tpu.memory_space<vmem>>
    %dma_wait3A_1639 = tpu.memref_squeeze %dma_wait3A_1638 : memref<1x128xi32, #tpu.memory_space<vmem>> -> memref<128xi32, #tpu.memory_space<vmem>>
    %dma_wait3A_1640 = arith.constant 0 : i32
    %dma_wait3A_1641 = arith.constant 0 : i32
    %dma_wait3A_1642 = tpu.memref_slice %arg8[%dma_wait3A_1640, %dma_wait3A_1641] : memref<2048x64xf32, #tpu.memory_space<vmem_shared>> -> memref<2048x64xf32, #tpu.memory_space<vmem_shared>>
    tpu.wait_indirect_dma semaphore(%arg15 : memref<!tpu.dma_semaphore, #tpu.memory_space<semaphore_mem>>) src(%dma_wait3A_1642 : memref<2048x64xf32, #tpu.memory_space<vmem_shared>>) dst(%dma_wait3A_1636 : memref<128x64xf32, #tpu.memory_space<vmem>>)
    %add3A_1643 = arith.constant 3840 : i32
    %add3A_1644 = arith.addi %mul3A_4, %add3A_1643 : i32
    %dma_start3A_1645 = arith.constant 6 : i32
    %dma_start3A_1646 = arith.constant 0 : i32
    %dma_start3A_1647 = arith.constant 0 : i32
    %dma_start3A_1648 = tpu.memref_slice %arg7[%dma_start3A_1645, %dma_start3A_1646, %dma_start3A_1647] : memref<8x128x64xf32, #tpu.memory_space<vmem>> -> memref<1x128x64xf32, #tpu.memory_space<vmem>>
    %dma_start3A_1649 = tpu.memref_squeeze %dma_start3A_1648 : memref<1x128x64xf32, #tpu.memory_space<vmem>> -> memref<128x64xf32, #tpu.memory_space<vmem>>
    %dma_start3A_1650 = arith.constant 0 : i32
    %dma_start3A_1651 = tpu.memref_slice %arg4[%add3A_1644, %dma_start3A_1650] : memref<131072x64xf32, #tpu.memory_space<hbm>> -> memref<128x64xf32, #tpu.memory_space<hbm>>
    %dma_start3A_1652 = arith.constant 0 : i32
    %dma_start3A_1653 = tpu.memref_slice %arg4[%add3A_1644, %dma_start3A_1652] : memref<131072x64xf32, #tpu.memory_space<hbm>> -> memref<128x64xf32, #tpu.memory_space<hbm>>
    %dma_start3A_1654 = arith.constant 0 : i32
    %dma_start3A_1655 = arith.constant 0 : i32
    %dma_start3A_1656 = tpu.memref_slice %arg7[%dma_start3A_1645, %dma_start3A_1654, %dma_start3A_1655] : memref<8x128x64xf32, #tpu.memory_space<vmem>> -> memref<1x128x64xf32, #tpu.memory_space<vmem>>
    %dma_start3A_1657 = tpu.memref_squeeze %dma_start3A_1656 : memref<1x128x64xf32, #tpu.memory_space<vmem>> -> memref<128x64xf32, #tpu.memory_space<vmem>>
    tpu.enqueue_dma source(%dma_start3A_1657 : memref<128x64xf32, #tpu.memory_space<vmem>>) target(%dma_start3A_1653 : memref<128x64xf32, #tpu.memory_space<hbm>>) target_semaphore(%arg23 : memref<!tpu.dma_semaphore, #tpu.memory_space<semaphore_mem>>)
    %dma_wait3A_1658 = arith.constant 3 : i32
    %dma_wait3A_1659 = arith.constant 0 : i32
    %dma_wait3A_1660 = arith.constant 0 : i32
    %dma_wait3A_1661 = tpu.memref_slice %arg7[%dma_wait3A_1658, %dma_wait3A_1659, %dma_wait3A_1660] : memref<8x128x64xf32, #tpu.memory_space<vmem>> -> memref<1x128x64xf32, #tpu.memory_space<vmem>>
    %dma_wait3A_1662 = tpu.memref_squeeze %dma_wait3A_1661 : memref<1x128x64xf32, #tpu.memory_space<vmem>> -> memref<128x64xf32, #tpu.memory_space<vmem>>
    %dma_wait3A_1663 = arith.constant 0 : i32
    %dma_wait3A_1664 = tpu.memref_slice %arg4[%add3A_1524, %dma_wait3A_1663] : memref<131072x64xf32, #tpu.memory_space<hbm>> -> memref<128x64xf32, #tpu.memory_space<hbm>>
    %dma_wait3A_1665 = arith.constant 0 : i32
    %dma_wait3A_1666 = tpu.memref_slice %arg4[%add3A_1524, %dma_wait3A_1665] : memref<131072x64xf32, #tpu.memory_space<hbm>> -> memref<128x64xf32, #tpu.memory_space<hbm>>
    %dma_wait3A_1667 = arith.constant 0 : i32
    %dma_wait3A_1668 = arith.constant 0 : i32
    %dma_wait3A_1669 = tpu.memref_slice %arg7[%dma_wait3A_1658, %dma_wait3A_1667, %dma_wait3A_1668] : memref<8x128x64xf32, #tpu.memory_space<vmem>> -> memref<1x128x64xf32, #tpu.memory_space<vmem>>
    %dma_wait3A_1670 = tpu.memref_squeeze %dma_wait3A_1669 : memref<1x128x64xf32, #tpu.memory_space<vmem>> -> memref<128x64xf32, #tpu.memory_space<vmem>>
    tpu.wait_dma2 semaphore(%arg20 : memref<!tpu.dma_semaphore, #tpu.memory_space<semaphore_mem>>) src(%dma_wait3A_1670 : memref<128x64xf32, #tpu.memory_space<vmem>>) dst(%dma_wait3A_1666 : memref<128x64xf32, #tpu.memory_space<hbm>>)
    %dma_wait3A_1671 = arith.constant 31 : i32
    %dma_wait3A_1672 = arith.constant 7 : i32
    %dma_wait3A_1673 = arith.constant 0 : i32
    %dma_wait3A_1674 = arith.constant 0 : i32
    %dma_wait3A_1675 = tpu.memref_slice %arg7[%dma_wait3A_1672, %dma_wait3A_1673, %dma_wait3A_1674] : memref<8x128x64xf32, #tpu.memory_space<vmem>> -> memref<1x128x64xf32, #tpu.memory_space<vmem>>
    %dma_wait3A_1676 = tpu.memref_squeeze %dma_wait3A_1675 : memref<1x128x64xf32, #tpu.memory_space<vmem>> -> memref<128x64xf32, #tpu.memory_space<vmem>>
    %dma_wait3A_1677 = arith.constant 0 : i32
    %dma_wait3A_1678 = tpu.memref_slice %arg6[%dma_wait3A_1671, %dma_wait3A_1677] : memref<32x128xi32, #tpu.memory_space<vmem>> -> memref<1x128xi32, #tpu.memory_space<vmem>>
    %dma_wait3A_1679 = tpu.memref_squeeze %dma_wait3A_1678 : memref<1x128xi32, #tpu.memory_space<vmem>> -> memref<128xi32, #tpu.memory_space<vmem>>
    %dma_wait3A_1680 = arith.constant 0 : i32
    %dma_wait3A_1681 = arith.constant 0 : i32
    %dma_wait3A_1682 = tpu.memref_slice %arg8[%dma_wait3A_1680, %dma_wait3A_1681] : memref<2048x64xf32, #tpu.memory_space<vmem_shared>> -> memref<2048x64xf32, #tpu.memory_space<vmem_shared>>
    tpu.wait_indirect_dma semaphore(%arg16 : memref<!tpu.dma_semaphore, #tpu.memory_space<semaphore_mem>>) src(%dma_wait3A_1682 : memref<2048x64xf32, #tpu.memory_space<vmem_shared>>) dst(%dma_wait3A_1676 : memref<128x64xf32, #tpu.memory_space<vmem>>)
    %add3A_1683 = arith.constant 3968 : i32
    %add3A_1684 = arith.addi %mul3A_4, %add3A_1683 : i32
    %dma_start3A_1685 = arith.constant 7 : i32
    %dma_start3A_1686 = arith.constant 0 : i32
    %dma_start3A_1687 = arith.constant 0 : i32
    %dma_start3A_1688 = tpu.memref_slice %arg7[%dma_start3A_1685, %dma_start3A_1686, %dma_start3A_1687] : memref<8x128x64xf32, #tpu.memory_space<vmem>> -> memref<1x128x64xf32, #tpu.memory_space<vmem>>
    %dma_start3A_1689 = tpu.memref_squeeze %dma_start3A_1688 : memref<1x128x64xf32, #tpu.memory_space<vmem>> -> memref<128x64xf32, #tpu.memory_space<vmem>>
    %dma_start3A_1690 = arith.constant 0 : i32
    %dma_start3A_1691 = tpu.memref_slice %arg4[%add3A_1684, %dma_start3A_1690] : memref<131072x64xf32, #tpu.memory_space<hbm>> -> memref<128x64xf32, #tpu.memory_space<hbm>>
    %dma_start3A_1692 = arith.constant 0 : i32
    %dma_start3A_1693 = tpu.memref_slice %arg4[%add3A_1684, %dma_start3A_1692] : memref<131072x64xf32, #tpu.memory_space<hbm>> -> memref<128x64xf32, #tpu.memory_space<hbm>>
    %dma_start3A_1694 = arith.constant 0 : i32
    %dma_start3A_1695 = arith.constant 0 : i32
    %dma_start3A_1696 = tpu.memref_slice %arg7[%dma_start3A_1685, %dma_start3A_1694, %dma_start3A_1695] : memref<8x128x64xf32, #tpu.memory_space<vmem>> -> memref<1x128x64xf32, #tpu.memory_space<vmem>>
    %dma_start3A_1697 = tpu.memref_squeeze %dma_start3A_1696 : memref<1x128x64xf32, #tpu.memory_space<vmem>> -> memref<128x64xf32, #tpu.memory_space<vmem>>
    tpu.enqueue_dma source(%dma_start3A_1697 : memref<128x64xf32, #tpu.memory_space<vmem>>) target(%dma_start3A_1693 : memref<128x64xf32, #tpu.memory_space<hbm>>) target_semaphore(%arg24 : memref<!tpu.dma_semaphore, #tpu.memory_space<semaphore_mem>>)
    %dma_wait3A_1698 = arith.constant 4 : i32
    %dma_wait3A_1699 = arith.constant 0 : i32
    %dma_wait3A_1700 = arith.constant 0 : i32
    %dma_wait3A_1701 = tpu.memref_slice %arg7[%dma_wait3A_1698, %dma_wait3A_1699, %dma_wait3A_1700] : memref<8x128x64xf32, #tpu.memory_space<vmem>> -> memref<1x128x64xf32, #tpu.memory_space<vmem>>
    %dma_wait3A_1702 = tpu.memref_squeeze %dma_wait3A_1701 : memref<1x128x64xf32, #tpu.memory_space<vmem>> -> memref<128x64xf32, #tpu.memory_space<vmem>>
    %dma_wait3A_1703 = arith.constant 0 : i32
    %dma_wait3A_1704 = tpu.memref_slice %arg4[%add3A_1564, %dma_wait3A_1703] : memref<131072x64xf32, #tpu.memory_space<hbm>> -> memref<128x64xf32, #tpu.memory_space<hbm>>
    %dma_wait3A_1705 = arith.constant 0 : i32
    %dma_wait3A_1706 = tpu.memref_slice %arg4[%add3A_1564, %dma_wait3A_1705] : memref<131072x64xf32, #tpu.memory_space<hbm>> -> memref<128x64xf32, #tpu.memory_space<hbm>>
    %dma_wait3A_1707 = arith.constant 0 : i32
    %dma_wait3A_1708 = arith.constant 0 : i32
    %dma_wait3A_1709 = tpu.memref_slice %arg7[%dma_wait3A_1698, %dma_wait3A_1707, %dma_wait3A_1708] : memref<8x128x64xf32, #tpu.memory_space<vmem>> -> memref<1x128x64xf32, #tpu.memory_space<vmem>>
    %dma_wait3A_1710 = tpu.memref_squeeze %dma_wait3A_1709 : memref<1x128x64xf32, #tpu.memory_space<vmem>> -> memref<128x64xf32, #tpu.memory_space<vmem>>
    tpu.wait_dma2 semaphore(%arg21 : memref<!tpu.dma_semaphore, #tpu.memory_space<semaphore_mem>>) src(%dma_wait3A_1710 : memref<128x64xf32, #tpu.memory_space<vmem>>) dst(%dma_wait3A_1706 : memref<128x64xf32, #tpu.memory_space<hbm>>)
    %dma_wait3A_1711 = arith.constant 5 : i32
    %dma_wait3A_1712 = arith.constant 0 : i32
    %dma_wait3A_1713 = arith.constant 0 : i32
    %dma_wait3A_1714 = tpu.memref_slice %arg7[%dma_wait3A_1711, %dma_wait3A_1712, %dma_wait3A_1713] : memref<8x128x64xf32, #tpu.memory_space<vmem>> -> memref<1x128x64xf32, #tpu.memory_space<vmem>>
    %dma_wait3A_1715 = tpu.memref_squeeze %dma_wait3A_1714 : memref<1x128x64xf32, #tpu.memory_space<vmem>> -> memref<128x64xf32, #tpu.memory_space<vmem>>
    %dma_wait3A_1716 = arith.constant 0 : i32
    %dma_wait3A_1717 = tpu.memref_slice %arg4[%add3A_1604, %dma_wait3A_1716] : memref<131072x64xf32, #tpu.memory_space<hbm>> -> memref<128x64xf32, #tpu.memory_space<hbm>>
    %dma_wait3A_1718 = arith.constant 0 : i32
    %dma_wait3A_1719 = tpu.memref_slice %arg4[%add3A_1604, %dma_wait3A_1718] : memref<131072x64xf32, #tpu.memory_space<hbm>> -> memref<128x64xf32, #tpu.memory_space<hbm>>
    %dma_wait3A_1720 = arith.constant 0 : i32
    %dma_wait3A_1721 = arith.constant 0 : i32
    %dma_wait3A_1722 = tpu.memref_slice %arg7[%dma_wait3A_1711, %dma_wait3A_1720, %dma_wait3A_1721] : memref<8x128x64xf32, #tpu.memory_space<vmem>> -> memref<1x128x64xf32, #tpu.memory_space<vmem>>
    %dma_wait3A_1723 = tpu.memref_squeeze %dma_wait3A_1722 : memref<1x128x64xf32, #tpu.memory_space<vmem>> -> memref<128x64xf32, #tpu.memory_space<vmem>>
    tpu.wait_dma2 semaphore(%arg22 : memref<!tpu.dma_semaphore, #tpu.memory_space<semaphore_mem>>) src(%dma_wait3A_1723 : memref<128x64xf32, #tpu.memory_space<vmem>>) dst(%dma_wait3A_1719 : memref<128x64xf32, #tpu.memory_space<hbm>>)
    %dma_wait3A_1724 = arith.constant 6 : i32
    %dma_wait3A_1725 = arith.constant 0 : i32
    %dma_wait3A_1726 = arith.constant 0 : i32
    %dma_wait3A_1727 = tpu.memref_slice %arg7[%dma_wait3A_1724, %dma_wait3A_1725, %dma_wait3A_1726] : memref<8x128x64xf32, #tpu.memory_space<vmem>> -> memref<1x128x64xf32, #tpu.memory_space<vmem>>
    %dma_wait3A_1728 = tpu.memref_squeeze %dma_wait3A_1727 : memref<1x128x64xf32, #tpu.memory_space<vmem>> -> memref<128x64xf32, #tpu.memory_space<vmem>>
    %dma_wait3A_1729 = arith.constant 0 : i32
    %dma_wait3A_1730 = tpu.memref_slice %arg4[%add3A_1644, %dma_wait3A_1729] : memref<131072x64xf32, #tpu.memory_space<hbm>> -> memref<128x64xf32, #tpu.memory_space<hbm>>
    %dma_wait3A_1731 = arith.constant 0 : i32
    %dma_wait3A_1732 = tpu.memref_slice %arg4[%add3A_1644, %dma_wait3A_1731] : memref<131072x64xf32, #tpu.memory_space<hbm>> -> memref<128x64xf32, #tpu.memory_space<hbm>>
    %dma_wait3A_1733 = arith.constant 0 : i32
    %dma_wait3A_1734 = arith.constant 0 : i32
    %dma_wait3A_1735 = tpu.memref_slice %arg7[%dma_wait3A_1724, %dma_wait3A_1733, %dma_wait3A_1734] : memref<8x128x64xf32, #tpu.memory_space<vmem>> -> memref<1x128x64xf32, #tpu.memory_space<vmem>>
    %dma_wait3A_1736 = tpu.memref_squeeze %dma_wait3A_1735 : memref<1x128x64xf32, #tpu.memory_space<vmem>> -> memref<128x64xf32, #tpu.memory_space<vmem>>
    tpu.wait_dma2 semaphore(%arg23 : memref<!tpu.dma_semaphore, #tpu.memory_space<semaphore_mem>>) src(%dma_wait3A_1736 : memref<128x64xf32, #tpu.memory_space<vmem>>) dst(%dma_wait3A_1732 : memref<128x64xf32, #tpu.memory_space<hbm>>)
    %dma_wait3A_1737 = arith.constant 7 : i32
    %dma_wait3A_1738 = arith.constant 0 : i32
    %dma_wait3A_1739 = arith.constant 0 : i32
    %dma_wait3A_1740 = tpu.memref_slice %arg7[%dma_wait3A_1737, %dma_wait3A_1738, %dma_wait3A_1739] : memref<8x128x64xf32, #tpu.memory_space<vmem>> -> memref<1x128x64xf32, #tpu.memory_space<vmem>>
    %dma_wait3A_1741 = tpu.memref_squeeze %dma_wait3A_1740 : memref<1x128x64xf32, #tpu.memory_space<vmem>> -> memref<128x64xf32, #tpu.memory_space<vmem>>
    %dma_wait3A_1742 = arith.constant 0 : i32
    %dma_wait3A_1743 = tpu.memref_slice %arg4[%add3A_1684, %dma_wait3A_1742] : memref<131072x64xf32, #tpu.memory_space<hbm>> -> memref<128x64xf32, #tpu.memory_space<hbm>>
    %dma_wait3A_1744 = arith.constant 0 : i32
    %dma_wait3A_1745 = tpu.memref_slice %arg4[%add3A_1684, %dma_wait3A_1744] : memref<131072x64xf32, #tpu.memory_space<hbm>> -> memref<128x64xf32, #tpu.memory_space<hbm>>
    %dma_wait3A_1746 = arith.constant 0 : i32
    %dma_wait3A_1747 = arith.constant 0 : i32
    %dma_wait3A_1748 = tpu.memref_slice %arg7[%dma_wait3A_1737, %dma_wait3A_1746, %dma_wait3A_1747] : memref<8x128x64xf32, #tpu.memory_space<vmem>> -> memref<1x128x64xf32, #tpu.memory_space<vmem>>
    %dma_wait3A_1749 = tpu.memref_squeeze %dma_wait3A_1748 : memref<1x128x64xf32, #tpu.memory_space<vmem>> -> memref<128x64xf32, #tpu.memory_space<vmem>>
    tpu.wait_dma2 semaphore(%arg24 : memref<!tpu.dma_semaphore, #tpu.memory_space<semaphore_mem>>) src(%dma_wait3A_1749 : memref<128x64xf32, #tpu.memory_space<vmem>>) dst(%dma_wait3A_1745 : memref<128x64xf32, #tpu.memory_space<hbm>>)
    return
  }
}

</mosaic_0001>

<sc_bundles>
// kernel: kernel.3.cloned.1.call-start
scs
__scs_entry_jumppad:
0x0: {  	(pc) =	sbr.rel $0x88, $3  }
0x1: {  	(tag) =	ssettag $0x0;
	lr =	simm.s32 $0x1  }
0x2: {  	[smem:$0x3F9F] =	sst lr;
	_ =	strace $0xD0000000  }
0x3: {  	_ = 	snop  }
0x4: {  	_ = 	snop  }
0x5: {  	_ = 	snop  }
0x6: {  	_ = 	snop  }
0x7: {  	_ = 	snop  }
__scs_overlays_trampoline_lowered:
0x8: {  	[smem:$0x3FAE] =	sst s0  }
0x9: {  	[smem:$0x3FAF] =	sst s1  }
0xa: {  	[smem:$0x3FB0] =	sst s2  }
0xb: {  	[smem:$0x3FB1] =	sst s3  }
0xc: {  	[smem:$0x3FB2] =	sst s4  }
0xd: {  	[smem:$0x3FB3] =	sst s5  }
0xe: {  	[smem:$0x3FB4] =	sst s6  }
0xf: {  	[smem:$0x3FB5] =	sst s7  }
0x10: {  	[smem:$0x3FB6] =	sst s8  }
0x11: {  	[smem:$0x3FB7] =	sst s9;
	s0 =	simm.s32 @!p0 $0x0  }
0x12: {  	s1 =	sld [smem:$0x3F9D];
	s0 =	simm.s32 @p0 $0x1  }
0x13: {  	[smem:$0x3FB8] =	sst s0;
	s0 =	simm.s32 @!p1 $0x0  }
0x14: {  	s2 =	sld [smem:$0x3F9C];
	s0 =	simm.s32 @p1 $0x1  }
0x15: {  	[smem:$0x3FB9] =	sst s0;
	s0 =	simm.s32 @!p2 $0x0  }
0x16: {  	s3 =	sld [smem:$0x3FDB];
	s0 =	simm.s32 @p2 $0x1  }
0x17: {  	s4 =	simm.s32 $0x1BF5;
	[smem:$0x3FBB] =	sst s0  }
0x18: {  	s0 =	sld [smem:$0x3F9E];
	_ =	swait.ge [sflag:s4], $0x0  }
0x19: {  	s7 =	sld [smem:$0x3F9F]  }
0x1a: {  	s8 =	sadd.s32 $0xFFFFE003, lr  }
0x1b: {  	s9 =	sadd.s32 $0xFFFFFEF7, lr;
	s5 =	simm.s32 $0xFFFFFFFF;
	p2 =	slt.u32 s8, $0xFFFFF086  }
0x1c: {  	p1 =	slt.u32 s9, $0xF7A;
	s5 =	simm.s32 @!p2 $0x0  }
0x1d: {  	s5 =	simm.s32 @p1 $0x1;
	p0 =	seq.s32 s7, s2  }
0x1e: {  	s7 =	smul.u32 @!p0 $0xF7A, s2;
	p2 =	seq.s32 @!p0 s5, $0x0  }
0x1f: {  	s9 =	smul.u32 $0xF7A, s1;
	s8 =	simm.s32 @!p0 $0x1BF5;
	p2 =	por !p2, p0  }
0x20: {  	[sflag:s8] =	ssyncset.s32 @!p0 $0xFFFFF086;
	s6 =	sadd.s32 @!p0 s3, s7;
	s7 =	simm.s32 @!p0 $0x108  }
0x21: {  	s3 =	sadd.s32 s3, s9;
	s6 =	sadd.s32 @!p0 $0x88, s6;
	s7 =	simm.s32 @p2 $0x1082  }
0x22: {  	[simem:s7], [sflag:s8] =	dma.local @!p0 [hbm:s6], $0xF7A  }
0x23: {  	s9 =	sor.u32 $0xD0000000, s2;
	s6 =	simm.s32 $0x108;
	_ =	swait.ge @!p0 [sflag:s8], $0x0  }
0x24: {  	s3 =	sadd.s32 $0x88, s3;
	s6 =	simm.s32 @!p1 $0x1082;
	[sflag:s4] =	ssyncset.s32 $0xFFFFF086  }
0x25: {  	[simem:s6], [sflag:s4] =	dma.local [hbm:s3], $0xF7A  }
0x26: {  	[smem:$0x3F9F] =	sst s1;
	(tag) =	ssettag s2;
	_ =	strace s9  }
0x27: {  	s1 =	sld [smem:$0x3FAF]  }
0x28: {  	s2 =	sld [smem:$0x3FB0]  }
0x29: {  	s4 =	sld [smem:$0x3FB2]  }
0x2a: {  	p0 =	seq.s32 s5, $0x0;
	s5 =	sld [smem:$0x3FB3]  }
0x2b: {  	s6 =	sld [smem:$0x3FB4]  }
0x2c: {  	s7 =	sld [smem:$0x3FB5]  }
0x2d: {  	s3 =	simm.s32 $0x108;
	s8 =	sld [smem:$0x3FB6]  }
0x2e: {  	s3 =	simm.s32 @!p0 $0x1082;
	s9 =	sld [smem:$0x3FB7]  }
0x2f: {  	lr =	sadd.s32 s0, s3;
	s0 =	sld [smem:$0x3FAE]  }
0x30: {  	s3 =	sld [smem:$0x3FB1]  }
0x31: {  	[smem:$0x3FBA] =	sst s10  }
0x32: {  	s10 =	sld [smem:$0x3FB8];
	_ =	sdelay $0x3  }
0x33: {  	p0 =	seq.s32 s10, $0x1;
	s10 =	sld [smem:$0x3FBA];
	_ =	sdelay $0x3  }
0x34: {  	[smem:$0x3FBA] =	sst s10  }
0x35: {  	s10 =	sld [smem:$0x3FB9];
	_ =	sdelay $0x3  }
0x36: {  	p1 =	seq.s32 s10, $0x1;
	s10 =	sld [smem:$0x3FBA];
	_ =	sdelay $0x3  }
0x37: {  	[smem:$0x3FBA] =	sst s10  }
0x38: {  	s10 =	sld [smem:$0x3FBB]  }
0x39: {  	_ = 	snop;
	(pc) =	sbr.ind lr, $3  }
0x3a: {  	_ = 	snop  }
0x3b: {  	_ = 	snop  }
0x3c: {  	p2 =	seq.s32 s10, $0x1;
	s10 =	sld [smem:$0x3FBA]  }
0x3d: {  	_ =	shalt  }
0x3e: {  	_ =	shalt  }
0x3f: {  	_ =	shalt  }
0x40: {  	_ =	shalt  }
0x41: {  	_ =	shalt  }
0x42: {  	_ =	shalt  }
0x43: {  	_ =	shalt  }
0x44: {  	_ =	shalt  }
0x45: {  	_ =	shalt  }
0x46: {  	_ =	shalt  }
0x47: {  	_ =	shalt  }
0x48: {  	_ =	shalt  }
0x49: {  	_ =	shalt  }
0x4a: {  	_ =	shalt  }
0x4b: {  	_ =	shalt  }
0x4c: {  	_ =	shalt  }
0x4d: {  	_ =	shalt  }
0x4e: {  	_ =	shalt  }
0x4f: {  	_ =	shalt  }
0x50: {  	_ =	shalt  }
0x51: {  	_ =	shalt  }
0x52: {  	_ =	shalt  }
0x53: {  	_ =	shalt  }
0x54: {  	_ =	shalt  }
0x55: {  	_ =	shalt  }
0x56: {  	_ =	shalt  }
0x57: {  	_ =	shalt  }
0x58: {  	_ =	shalt  }
0x59: {  	_ =	shalt  }
0x5a: {  	_ =	shalt  }
0x5b: {  	_ =	shalt  }
0x5c: {  	_ =	shalt  }
0x5d: {  	_ =	shalt  }
0x5e: {  	_ =	shalt  }
0x5f: {  	_ =	shalt  }
0x60: {  	_ =	shalt  }
0x61: {  	_ =	shalt  }
0x62: {  	_ =	shalt  }
0x63: {  	_ =	shalt  }
0x64: {  	_ =	shalt  }
0x65: {  	_ =	shalt  }
0x66: {  	_ =	shalt  }
0x67: {  	_ =	shalt  }
0x68: {  	_ =	shalt  }
0x69: {  	_ =	shalt  }
0x6a: {  	_ =	shalt  }
0x6b: {  	_ =	shalt  }
0x6c: {  	_ =	shalt  }
0x6d: {  	_ =	shalt  }
0x6e: {  	_ =	shalt  }
0x6f: {  	_ =	shalt  }
0x70: {  	_ =	shalt  }
0x71: {  	_ =	shalt  }
0x72: {  	_ =	shalt  }
0x73: {  	_ =	shalt  }
0x74: {  	_ =	shalt  }
0x75: {  	_ =	shalt  }
0x76: {  	_ =	shalt  }
0x77: {  	_ =	shalt  }
0x78: {  	_ =	shalt  }
0x79: {  	_ =	shalt  }
0x7a: {  	_ =	shalt  }
0x7b: {  	_ =	shalt  }
0x7c: {  	_ =	shalt  }
0x7d: {  	_ =	shalt  }
0x7e: {  	_ =	shalt  }
0x7f: {  	_ =	shalt  }
0x80: {  	_ =	shalt  }
0x81: {  	_ =	shalt  }
0x82: {  	_ =	shalt  }
0x83: {  	_ =	shalt  }
0x84: {  	_ =	shalt  }
0x85: {  	_ =	shalt  }
0x86: {  	_ =	shalt  }
0x87: {  	_ =	shalt  }
.Lfunc_end0:
.L_simem_size_0:
called_computation_lowered:
.L_overlay_start_0:
0x88: {  	s2 =	sld [smem:$0x3FD9]  }
0x89: {  	s3 =	sld [smem:$0x3FFE];
	_ =	sdelay $0x1  }
0x8a: {  	s1 =	srdreg.scid  }
0x8b: {  	s0 =	sand.u32 $0x1, s1  }
0x8c: {  	s17 =	sshll.u32 s0, $0xA;
	s2 =	sadd.s32 s3, s2  }
0x8d: {  	s2 =	sadd.s32 s2, s17  }
0x8e: {  	[smem:$0x3FC6] =	sst s2  }
0x8f: {  	_ = 	snop  }
0x90: {  	s2 =	sld [smem:$0x3FC9]  }
0x91: {  	s18 =	sld [smem:$0x3FD0];
	(tm) =	ssettm $0x1  }
0x92: {  	s4 =	sld [smem:$0x3FFB];
	_ =	sdelay $0x3  }
0x93: {  	_ =	strace s4  }
0x94: {  	s4 =	sld [smem:$0x3FFC];
	_ =	sdelay $0x3  }
0x95: {  	_ =	strace s4  }
0x96: {  	s4 =	sld [smem:$0x3FFD];
	_ =	sdelay $0x3  }
0x97: {  	_ =	strace s4  }
0x98: {  	_ =	strace $0x8FFFFFFF  }
0x99: {  	s19 =	sld [smem:$0x3FDB];
	_ =	sdelay $0x1  }
0x9a: {  	s5 =	simm.s32 $_scs_section_size  }
0x9b: {  	s6 =	simm.s32 $_size__tile_overlayer_lowered;
	s7 =	simm.s32 $_tile_overlayer_lowered  }
0x9c: {  	s22 =	simm.s32 $0x1BFF;
	s21 =	sshll.u32 s7, $0x1;
	s4 =	sadd.s32 s5, s19  }
0x9d: {  	s8 =	simm.s32 $0x0;
	s20 =	sshll.u32 s6, $0x1;
	s6 =	sadd.s32 s21, s4  }
0x9e: {  	[timem:s8], [sflag:s22] =	dma.local [hbm:s6], s20  }
0x9f: {  	_ =	swait.ge [sflag:s22], s20  }
0xa0: {  	s5 =	ssub.s32 $0x0, s20;
	[sflag:s22] =	ssyncset.done $0x0  }
0xa1: {  	[sflag:s22] =	ssyncadd.s32 s5;
	_ =	sdelay $0x1  }
0xa2: {  	s23 =	simm.s32 $0x1B8B  }
0xa3: {  	_ =	swait.ge [sflag:s23], $0x1  }
0xa4: {  	[sflag:s23] =	ssyncset.done $0x0  }
0xa5: {  	s25 =	simm.s32 $0x1B8E;
	s24 =	sld [smem:$0x3FFE];
	[sflag:s23] =	ssyncadd.s32 $0xFFFFFFFF  }
0xa6: {  	s26 =	simm.s32 $execute0_lowered;
	[smem:$0x3FD2] =	sst s25  }
0xa7: {  	s6 =	sshll.u32 s26, $0x1;
	_ =	strace $0x80000046;
	[dreg:$0x1] =	wrdreg $0xFFFFFFFF  }
0xa8: {  	s28 =	simm.s32 $_size_execute0_lowered;
	s4 =	sadd.s32 s4, s6;
	[dreg:$0x0] =	wrdreg $0x0  }
0xa9: {  	s6 =	sshll.u32 s28, $0x1;
	[dreg:$0x2] =	wrdreg s4  }
0xaa: {  	[dreg:$0x3] =	wrdreg s6  }
0xab: {  	[dreg:$0x4] =	wrdreg $0xC0  }
0xac: {  	_ =	task [dreg:s8], $0x5FFFF  }
0xad: {  	[dreg:$0x1] =	wrdreg $0xFFFFFFFF  }
0xae: {  	[dreg:$0x0] =	wrdreg $0x60  }
0xaf: {  	[dreg:$0x2] =	wrdreg s2  }
0xb0: {  	[dreg:$0x3] =	wrdreg s18  }
0xb1: {  	[dreg:$0x4] =	wrdreg s24  }
0xb2: {  	[dreg:$0x5] =	wrdreg $0x112000  }
0xb3: {  	[dreg:$0x6] =	wrdreg $0x9  }
0xb4: {  	_ =	task.clear_ibuf [dreg:s8], $0x7FFFF;
	_ =	strace $0x90000046  }
0xb5: {  	s29 =	simm.s32 $0x9;
	_ =	strace $0x80000048  }
0xb6: {  	_ =	swait.ge [sflag:s29], $0x1  }
0xb7: {  	[sflag:s29] =	ssyncadd.s32 $0xFFFFFFFF  }
0xb8: {  	_ =	strace $0x90000048  }
0xb9: {  	_ =	sfence  }
0xba: {  	s30 =	sld [smem:$0x0];
	_ =	sdelay $0x2  }
0xbb: {  	s31 =	sshll.u32 s1, $0xD;
	s1 =	sshrl.u32 s1, $0x2  }
0xbc: {  	s3 =	sand.u32 $0x4000, s31;
	s1 =	sadd.s32 s1, s30  }
0xbd: {  	s0 =	sor.u32 s3, s0;
	s1 =	sshll.u32 s1, $0x11  }
0xbe: {  	s0 =	sor.u32 s1, s0  }
0xbf: {  	s0 =	sadd.s32 $0x8F2B, s0  }
0xc0: {  	[sflag:s0] =	ssyncadd.remote.s32 $0x1  }
0xc1: {  	_ =	sfence.sel $0xFFFF  }
0xc2: {  	[dreg:$0x0] =	wrdreg $0xFFFFFFFF;
	(pc) =	sbr.abs _section_cstart, $3  }
0xc3: {  	[dreg:$0x1] =	wrdreg $0xFFFFFFFF  }
0xc4: {  	_ =	task.clear_ibuf [dreg:s8], $0x2FFFF;
	_ =	strace $0x9FFFFFFF  }
0xc5: {  	(tm) =	ssettm $0x7FFFFFFF  }
tec
execute0_lowered:
.L_overlay_start_1:
0x0: {  	(tag) =	ssettag $0x1  }
0x1: {  	s0 =	rddreg [dreg:$0x0]  }
0x2: {  	s1 =	rddreg [dreg:$0x1]  }
0x3: {  	s4 =	rddreg [dreg:$0x2];
	s3 =	srdreg.scid  }
0x4: {  	s8 =	stileid.u32;
	s2 =	rddreg [dreg:$0x3];
	s5 =	sand.u32 $0x1, s3  }
0x5: {  	s6 =	sshll.u32 s8, $0x1;
	s3 =	simm.s32 $0x0;
	s13 =	sshll.u32 s8, $0xA  }
0x6: {  	s15 =	sshll.u32 s8, $0xD;
	s6 =	sor.u32 s5, s6;
	[smem:$0x7FF] =	sst s3  }
0x7: {  	s14 =	sadd.s32 s1, s13;
	s7 =	sshll.u32 s6, $0xF;
	s6 =	sshll.u32 s6, $0x6  }
0x8: {  	_ =	strace $0x80000047;
	[dreg:$0x6] =	wrdreg s14;
	s0 =	sadd.s32 s0, s6  }
0x9: {  	s4 =	sadd.s32 s7, s4;
	[dreg:$0x5] =	wrdreg s0;
	s0 =	sadd.s32 s15, s2  }
0xa: {  	s16 =	sadd.s32 $0x400, s4;
	[dreg:$0x7] =	wrdreg s0  }
0xb: {  	s17 =	sadd.s32 $0x800, s4;
	[dreg:$0x8] =	wrdreg s16  }
0xc: {  	s18 =	sadd.s32 $0xC00, s4;
	[dreg:$0x9] =	wrdreg s17  }
0xd: {  	s19 =	sadd.s32 $0x1000, s4;
	[dreg:$0xa] =	wrdreg s18  }
0xe: {  	s20 =	sadd.s32 $0x1400, s4;
	[dreg:$0xb] =	wrdreg s19  }
0xf: {  	s21 =	sadd.s32 $0x1800, s4;
	[dreg:$0xc] =	wrdreg s20  }
0x10: {  	s22 =	sadd.s32 $0x1C00, s4;
	[dreg:$0xd] =	wrdreg s21  }
0x11: {  	s23 =	sadd.s32 $0x2000, s4;
	[dreg:$0xe] =	wrdreg s22  }
0x12: {  	s24 =	sadd.s32 $0x2400, s4;
	[dreg:$0xf] =	wrdreg s23  }
0x13: {  	s25 =	sadd.s32 $0x2800, s4;
	[dreg:$0x10] =	wrdreg s24  }
0x14: {  	s26 =	sadd.s32 $0x2C00, s4;
	[dreg:$0x11] =	wrdreg s25  }
0x15: {  	s1 =	sadd.s32 $0x3000, s4;
	[dreg:$0x12] =	wrdreg s26  }
0x16: {  	s6 =	sadd.s32 $0x3400, s4;
	[dreg:$0x13] =	wrdreg s1  }
0x17: {  	s7 =	sadd.s32 $0x3800, s4;
	[dreg:$0x14] =	wrdreg s6  }
0x18: {  	s8 =	sadd.s32 $0x3C00, s4;
	[dreg:$0x15] =	wrdreg s7  }
0x19: {  	s28 =	simm.s32 $0xA;
	s9 =	sadd.s32 $0x4000, s4;
	[dreg:$0x16] =	wrdreg s8  }
0x1a: {  	s5 =	ssub.s32 $0x2, s5;
	s10 =	sadd.s32 $0x4400, s4;
	[dreg:$0x17] =	wrdreg s9  }
0x1b: {  	s12 =	sshrl.u32 s5, $0x1;
	s11 =	sadd.s32 $0x4800, s4;
	[dreg:$0x18] =	wrdreg s10  }
0x1c: {  	s5 =	ssub.s32 s5, s12;
	s12 =	sadd.s32 $0x4C00, s4;
	[dreg:$0x19] =	wrdreg s11  }
0x1d: {  	s29 =	simm.s32 $0x6;
	s13 =	sadd.s32 $0x5000, s4;
	[dreg:$0x1a] =	wrdreg s12  }
0x1e: {  	s30 =	simm.s32 $0xB;
	s14 =	sadd.s32 $0x5400, s4;
	[dreg:$0x1b] =	wrdreg s13  }
0x1f: {  	s31 =	simm.s32 $0x7;
	s15 =	sadd.s32 $0x5800, s4;
	[dreg:$0x1c] =	wrdreg s14  }
0x20: {  	[dreg:$0x1d] =	wrdreg s15;
	s16 =	sadd.s32 $0x5C00, s4;
	s17 =	sadd.s32 $0x6000, s4  }
0x21: {  	s18 =	sadd.s32 $0x6400, s4;
	s19 =	sadd.s32 $0x6800, s4;
	[dreg:$0x1e] =	wrdreg s16  }
0x22: {  	s20 =	sadd.s32 $0x6C00, s4;
	s21 =	sadd.s32 $0x7000, s4;
	[dreg:$0x1f] =	wrdreg s17  }
0x23: {  	s22 =	sadd.s32 $0x7400, s4;
	s23 =	sadd.s32 $0x7800, s4;
	[smem:$0x7F5] =	sst s18  }
0x24: {  	s24 =	sadd.s32 $0x7C00, s4;
	s25 =	sadd.s32 $0x8000, s4;
	[smem:$0x7F6] =	sst s19  }
0x25: {  	s26 =	smax.u32 s5, $0x1;
	s10 =	simm.s32 $0x11;
	[smem:$0x7F7] =	sst s20  }
0x26: {  	s12 =	simm.s32 $0x1200;
	s13 =	simm.s32 $0x1;
	[smem:$0x7F8] =	sst s21  }
0x27: {  	s14 =	simm.s32 $0x80;
	s1 =	simm.s32 $0xC;
	[smem:$0x7F9] =	sst s22  }
0x28: {  	s0 =	simm.s32 $0x8;
	s4 =	simm.s32 $0xD;
	[smem:$0x7FA] =	sst s23  }
0x29: {  	s5 =	simm.s32 $0xE;
	s6 =	simm.s32 $0xF;
	[smem:$0x7FB] =	sst s24  }
0x2a: {  	s7 =	simm.s32 $0x10;
	s8 =	simm.s32 $0x0;
	[smem:$0x7FC] =	sst s25  }
0x2b: {  	v0 =	vimm.s32 $0x0;
	vm0 =	vcmask $0x300;
	v1 =	vlaneseq.u32;
	[smem:$0x7FD] =	sst s26;
	s16 =	simm.s32 $0x5200;
	s17 =	simm.s32 $0x7200  }
0x2c: {  	v0 =	vsel vm0, $0x3, v0;
	v2 =	vand.u32 $0x3, v1;
	v3 =	vand.u32 $0x7, v1;
	s18 =	simm.s32 $0x9200;
	s19 =	simm.s32 $0xB200;
	s20 =	simm.s32 $0x2  }
0x2d: {  	v1 =	vshrl.u32 v1, $0x3;
	v2 =	vmul.u32 $0x8, v2;
	v3 =	vmul.u32 $0x100, v3;
	s21 =	simm.s32 $0xD200;
	s22 =	simm.s32 $0x3;
	s23 =	simm.s32 $0xF200  }
0x2e: {  	v4 =	vor.u32 $0x2, v1;
	v5 =	vor.u32 $0x4, v1;
	v6 =	vor.u32 $0x6, v1;
	s24 =	simm.s32 $0x4;
	s25 =	simm.s32 $0x9;
	s26 =	simm.s32 $0x5  }
.LBB2_1:
0x2f: {  	v7 =	vmov s3  }
0x30: {  	v7 =	vshrl.u32 v7, $0x3  }
0x31: {  	v7 =	vshll.u32 v7, v0  }
0x32: {  	v7 =	vbroadcast v7, $0x0  }
0x33: {  	s9 =	rddreg [dreg:$0x5]  }
0x34: {  	[tilespmem:s3], [sflag:$0x11] =	stream.linear.gather [hbm4b:s9+s3], $0x200, $0x38;
	v8 =	vor.u32 v1, v7;
	[tilespmem:$0x13200] =	vst v63  }
0x35: {  	_ =	swait.ge [sflag:s10], $0x200  }
0x36: {  	[sflag:s10] =	ssyncset.done $0x0  }
0x37: {  	[sflag:s10] =	ssyncadd.s32 $0xFFFFFE00;
	s10 =	rddreg [dreg:$0x6]  }
0x38: {  	[tilespmem:s12], [sflag:$0x1] =	stream.linear.gather [hbm4b:s10+s3], $0x2000, $0x38;
	[tilespmem:$0x13200] =	vst v63  }
0x39: {  	v8 =	vld.idx.msk [tilespmem:v8+s3+$0x0], $0xffff;
	_ =	sdelay $0x4  }
0x3a: {  	v9 =	vsub.s32 $0x0, v8  }
0x3b: {  	v8 =	vmin.u32 v8, v9;
	v9 =	vor.u32 v4, v7  }
0x3c: {  	v8 =	vshrl.u32 v8, v2  }
0x3d: {  	v8 =	vand.u32 $0xFF, v8  }
0x3e: {  	s9 =	simm.s32 $0x240;
	v8 =	vor.u32 v3, v8  }
0x3f: {  	[tilespmem:s9+$0xFFFFFFC0] =	vst v8  }
0x40: {  	v8 =	vld.idx.msk [tilespmem:v9+s3+$0x0], $0xffff;
	_ =	sdelay $0x4  }
0x41: {  	v9 =	vsub.s32 $0x0, v8  }
0x42: {  	v8 =	vmin.u32 v8, v9;
	v9 =	vor.u32 v5, v7  }
0x43: {  	v8 =	vshrl.u32 v8, v2  }
0x44: {  	v8 =	vand.u32 $0xFF, v8  }
0x45: {  	v8 =	vor.u32 v3, v8  }
0x46: {  	[tilespmem:s9+$0xFFFFFFD0] =	vst v8  }
0x47: {  	v8 =	vld.idx.msk [tilespmem:v9+s3+$0x0], $0xffff;
	_ =	sdelay $0x4  }
0x48: {  	v9 =	vsub.s32 $0x0, v8  }
0x49: {  	v7 =	vor.u32 v6, v7;
	v8 =	vmin.u32 v8, v9  }
0x4a: {  	v8 =	vshrl.u32 v8, v2  }
0x4b: {  	v8 =	vand.u32 $0xFF, v8  }
0x4c: {  	v8 =	vor.u32 v3, v8  }
0x4d: {  	[tilespmem:s9+$0xFFFFFFE0] =	vst v8  }
0x4e: {  	s11 =	simm.s32 $0x8;
	v7 =	vld.idx.msk [tilespmem:v7+s3+$0x0], $0xffff  }
0x4f: {  	v8 =	vmov s11  }
0x50: {  	v8 =	vshrl.u32 v8, $0x3  }
0x51: {  	v8 =	vshll.u32 v8, v0  }
0x52: {  	v8 =	vbroadcast v8, $0x0  }
0x53: {  	v9 =	vsub.s32 $0x0, v7  }
0x54: {  	v8 =	vor.u32 v1, v8;
	v7 =	vmin.u32 v7, v9  }
0x55: {  	v7 =	vshrl.u32 v7, v2  }
0x56: {  	v7 =	vand.u32 $0xFF, v7  }
0x57: {  	v7 =	vor.u32 v3, v7  }
0x58: {  	[tilespmem:s9+$0xFFFFFFF0] =	vst v7  }
0x59: {  	s15 =	simm.s32 $0xA;
	v7 =	vld.idx.msk [tilespmem:v8+s3+$0x0], $0xffff  }
0x5a: {  	v8 =	vmov s15  }
0x5b: {  	v8 =	vshrl.u32 v8, $0x3  }
0x5c: {  	v8 =	vshll.u32 v8, v0  }
0x5d: {  	v8 =	vbroadcast v8, $0x0  }
0x5e: {  	v9 =	vsub.s32 $0x0, v7  }
0x5f: {  	v8 =	vor.u32 v4, v8;
	v7 =	vmin.u32 v7, v9  }
0x60: {  	v7 =	vshrl.u32 v7, v2  }
0x61: {  	v7 =	vand.u32 $0xFF, v7  }
0x62: {  	v7 =	vor.u32 v3, v7  }
0x63: {  	[tilespmem:s9+$0x0] =	vst v7  }
0x64: {  	s11 =	simm.s32 $0xC;
	v7 =	vld.idx.msk [tilespmem:v8+s3+$0x0], $0xffff  }
0x65: {  	v8 =	vmov s11  }
0x66: {  	v8 =	vshrl.u32 v8, $0x3  }
0x67: {  	v8 =	vshll.u32 v8, v0  }
0x68: {  	v8 =	vbroadcast v8, $0x0  }
0x69: {  	v9 =	vsub.s32 $0x0, v7  }
0x6a: {  	v8 =	vor.u32 v5, v8;
	v7 =	vmin.u32 v7, v9  }
0x6b: {  	v7 =	vshrl.u32 v7, v2  }
0x6c: {  	v7 =	vand.u32 $0xFF, v7  }
0x6d: {  	v7 =	vor.u32 v3, v7  }
0x6e: {  	[tilespmem:s9+$0x10] =	vst v7  }
0x6f: {  	s15 =	simm.s32 $0xE;
	v7 =	vld.idx.msk [tilespmem:v8+s3+$0x0], $0xffff  }
0x70: {  	v8 =	vmov s15  }
0x71: {  	v8 =	vshrl.u32 v8, $0x3  }
0x72: {  	v8 =	vshll.u32 v8, v0  }
0x73: {  	v8 =	vbroadcast v8, $0x0  }
0x74: {  	v9 =	vsub.s32 $0x0, v7  }
0x75: {  	v8 =	vor.u32 v6, v8;
	v7 =	vmin.u32 v7, v9  }
0x76: {  	v7 =	vshrl.u32 v7, v2  }
0x77: {  	v7 =	vand.u32 $0xFF, v7  }
0x78: {  	v7 =	vor.u32 v3, v7  }
0x79: {  	[tilespmem:s9+$0x20] =	vst v7  }
0x7a: {  	s10 =	simm.s32 $0x10;
	v7 =	vld.idx.msk [tilespmem:v8+s3+$0x0], $0xffff  }
0x7b: {  	s11 =	simm.s32 $0x20;
	v8 =	vmov s10  }
.LBB2_2:
0x7c: {  	p0 =	sne.s32 s11, $0x1F0;
	v8 =	vshrl.u32 v8, $0x3  }
0x7d: {  	v8 =	vshll.u32 v8, v0  }
0x7e: {  	v8 =	vbroadcast v8, $0x0  }
0x7f: {  	v9 =	vsub.s32 $0x0, v7  }
0x80: {  	v7 =	vmin.u32 v7, v9;
	v10 =	vor.u32 v1, v8  }
0x81: {  	v7 =	vshrl.u32 v7, v2  }
0x82: {  	v7 =	vand.u32 $0xFF, v7  }
0x83: {  	v7 =	vor.u32 v3, v7  }
0x84: {  	[tilespmem:s9+$0x30] =	vst v7  }
0x85: {  	v7 =	vld.idx.msk [tilespmem:v10+s3+$0x0], $0xffff;
	_ =	sdelay $0x5  }
0x86: {  	v9 =	vsub.s32 $0x0, v7  }
0x87: {  	v7 =	vmin.u32 v7, v9;
	v9 =	vor.u32 v4, v8  }
0x88: {  	v7 =	vshrl.u32 v7, v2  }
0x89: {  	v7 =	vand.u32 $0xFF, v7  }
0x8a: {  	s9 =	sadd.s32 $0x80, s9;
	v7 =	vor.u32 v3, v7  }
0x8b: {  	[tilespmem:s9+$0xFFFFFFC0] =	vst v7  }
0x8c: {  	v7 =	vld.idx.msk [tilespmem:v9+s3+$0x0], $0xffff;
	_ =	sdelay $0x5  }
0x8d: {  	v9 =	vsub.s32 $0x0, v7  }
0x8e: {  	v7 =	vmin.u32 v7, v9;
	v9 =	vor.u32 v5, v8  }
0x8f: {  	v7 =	vshrl.u32 v7, v2  }
0x90: {  	v7 =	vand.u32 $0xFF, v7  }
0x91: {  	v7 =	vor.u32 v3, v7  }
0x92: {  	[tilespmem:s9+$0xFFFFFFD0] =	vst v7  }
0x93: {  	v7 =	vld.idx.msk [tilespmem:v9+s3+$0x0], $0xffff;
	_ =	sdelay $0x5  }
0x94: {  	v9 =	vsub.s32 $0x0, v7  }
0x95: {  	v8 =	vor.u32 v6, v8;
	v7 =	vmin.u32 v7, v9  }
0x96: {  	v7 =	vshrl.u32 v7, v2  }
0x97: {  	v7 =	vand.u32 $0xFF, v7  }
0x98: {  	v7 =	vor.u32 v3, v7  }
0x99: {  	[tilespmem:s9+$0xFFFFFFE0] =	vst v7  }
0x9a: {  	v7 =	vld.idx.msk [tilespmem:v8+s3+$0x0], $0xffff  }
0x9b: {  	s15 =	sadd.s32 $0x8, s10  }
0x9c: {  	v8 =	vmov s15  }
0x9d: {  	v8 =	vshrl.u32 v8, $0x3  }
0x9e: {  	v8 =	vshll.u32 v8, v0  }
0x9f: {  	v8 =	vbroadcast v8, $0x0  }
0xa0: {  	v9 =	vsub.s32 $0x0, v7  }
0xa1: {  	v8 =	vor.u32 v1, v8;
	v7 =	vmin.u32 v7, v9  }
0xa2: {  	v7 =	vshrl.u32 v7, v2  }
0xa3: {  	v7 =	vand.u32 $0xFF, v7  }
0xa4: {  	v7 =	vor.u32 v3, v7  }
0xa5: {  	[tilespmem:s9+$0xFFFFFFF0] =	vst v7  }
0xa6: {  	v7 =	vld.idx.msk [tilespmem:v8+s3+$0x0], $0xffff  }
0xa7: {  	s15 =	sadd.s32 $0xA, s10  }
0xa8: {  	v8 =	vmov s15  }
0xa9: {  	v8 =	vshrl.u32 v8, $0x3  }
0xaa: {  	v8 =	vshll.u32 v8, v0  }
0xab: {  	v8 =	vbroadcast v8, $0x0  }
0xac: {  	v9 =	vsub.s32 $0x0, v7  }
0xad: {  	v8 =	vor.u32 v4, v8;
	v7 =	vmin.u32 v7, v9  }
0xae: {  	v7 =	vshrl.u32 v7, v2  }
0xaf: {  	v7 =	vand.u32 $0xFF, v7  }
0xb0: {  	v7 =	vor.u32 v3, v7  }
0xb1: {  	[tilespmem:s9+$0x0] =	vst v7  }
0xb2: {  	v7 =	vld.idx.msk [tilespmem:v8+s3+$0x0], $0xffff  }
0xb3: {  	s15 =	sadd.s32 $0xC, s10  }
0xb4: {  	v8 =	vmov s15  }
0xb5: {  	v8 =	vshrl.u32 v8, $0x3  }
0xb6: {  	v8 =	vshll.u32 v8, v0  }
0xb7: {  	v8 =	vbroadcast v8, $0x0  }
0xb8: {  	v9 =	vsub.s32 $0x0, v7  }
0xb9: {  	v8 =	vor.u32 v5, v8;
	v7 =	vmin.u32 v7, v9  }
0xba: {  	v7 =	vshrl.u32 v7, v2  }
0xbb: {  	v7 =	vand.u32 $0xFF, v7  }
0xbc: {  	v7 =	vor.u32 v3, v7  }
0xbd: {  	[tilespmem:s9+$0x10] =	vst v7  }
0xbe: {  	v7 =	vld.idx.msk [tilespmem:v8+s3+$0x0], $0xffff  }
0xbf: {  	s15 =	sadd.s32 $0xE, s10;
	s10 =	smov.u32 s11  }
0xc0: {  	v8 =	vmov s15  }
0xc1: {  	v8 =	vshrl.u32 v8, $0x3  }
0xc2: {  	v8 =	vshll.u32 v8, v0  }
0xc3: {  	v8 =	vbroadcast v8, $0x0  }
0xc4: {  	v9 =	vsub.s32 $0x0, v7  }
0xc5: {  	v8 =	vor.u32 v6, v8;
	v7 =	vmin.u32 v7, v9  }
0xc6: {  	v7 =	vshrl.u32 v7, v2  }
0xc7: {  	v7 =	vand.u32 $0xFF, v7  }
.Ltmp0:
0xc8: {  	v7 =	vor.u32 v3, v7;
	(pc) =	sbr.rel @p0 .LBB2_2-.Ltmp0, $3  }
0xc9: {  	[tilespmem:s9+$0x20] =	vst v7  }
0xca: {  	v7 =	vld.idx.msk [tilespmem:v8+s3+$0x0], $0xffff;
	_ =	sdelay $0x1  }
0xcb: {  	s11 =	sadd.s32 $0x10, s11;
	v8 =	vmov s10  }
0xcc: {  	v8 =	vshrl.u32 v8, $0x3  }
0xcd: {  	v8 =	vshll.u32 v8, v0  }
0xce: {  	v8 =	vbroadcast v8, $0x0  }
0xcf: {  	v9 =	vsub.s32 $0x0, v7  }
0xd0: {  	v7 =	vmin.u32 v7, v9;
	v10 =	vor.u32 v1, v8  }
0xd1: {  	v7 =	vshrl.u32 v7, v2  }
0xd2: {  	v7 =	vand.u32 $0xFF, v7  }
0xd3: {  	v7 =	vor.u32 v3, v7  }
0xd4: {  	[tilespmem:s9+$0x30] =	vst v7  }
0xd5: {  	v7 =	vld.idx.msk [tilespmem:v10+s3+$0x0], $0xffff;
	_ =	sdelay $0x4  }
0xd6: {  	v57 =	vsub.s32 $0x0, v7  }
0xd7: {  	v58 =	vor.u32 v4, v8;
	v7 =	vmin.u32 v7, v57  }
0xd8: {  	v7 =	vshrl.u32 v7, v2  }
0xd9: {  	v7 =	vand.u32 $0xFF, v7  }
0xda: {  	s9 =	sadd.s32 $0x80, s9;
	v7 =	vor.u32 v3, v7  }
0xdb: {  	[tilespmem:s9+$0xFFFFFFC0] =	vst v7  }
0xdc: {  	v7 =	vld.idx.msk [tilespmem:v58+s3+$0x0], $0xffff;
	_ =	sdelay $0x4  }
0xdd: {  	v9 =	vsub.s32 $0x0, v7  }
0xde: {  	v59 =	vor.u32 v5, v8;
	v7 =	vmin.u32 v7, v9  }
0xdf: {  	v7 =	vshrl.u32 v7, v2  }
0xe0: {  	v7 =	vand.u32 $0xFF, v7  }
0xe1: {  	v7 =	vor.u32 v3, v7  }
0xe2: {  	[tilespmem:s9+$0xFFFFFFD0] =	vst v7  }
0xe3: {  	v7 =	vld.idx.msk [tilespmem:v59+s3+$0x0], $0xffff;
	_ =	sdelay $0x4  }
0xe4: {  	v9 =	vsub.s32 $0x0, v7  }
0xe5: {  	v8 =	vor.u32 v6, v8;
	v7 =	vmin.u32 v7, v9  }
0xe6: {  	v7 =	vshrl.u32 v7, v2  }
0xe7: {  	v7 =	vand.u32 $0xFF, v7  }
0xe8: {  	v7 =	vor.u32 v3, v7  }
0xe9: {  	[tilespmem:s9+$0xFFFFFFE0] =	vst v7  }
0xea: {  	s11 =	sadd.s32 $0x8, s10;
	v7 =	vld.idx.msk [tilespmem:v8+s3+$0x0], $0xffff  }
0xeb: {  	v8 =	vmov s11  }
0xec: {  	v8 =	vshrl.u32 v8, $0x3  }
0xed: {  	v8 =	vshll.u32 v8, v0  }
0xee: {  	v8 =	vbroadcast v8, $0x0  }
0xef: {  	v60 =	vsub.s32 $0x0, v7  }
0xf0: {  	v8 =	vor.u32 v1, v8;
	v7 =	vmin.u32 v7, v60  }
0xf1: {  	v7 =	vshrl.u32 v7, v2  }
0xf2: {  	v7 =	vand.u32 $0xFF, v7  }
0xf3: {  	v7 =	vor.u32 v3, v7  }
0xf4: {  	[tilespmem:s9+$0xFFFFFFF0] =	vst v7  }
0xf5: {  	s15 =	sadd.s32 $0xA, s10;
	v7 =	vld.idx.msk [tilespmem:v8+s3+$0x0], $0xffff  }
0xf6: {  	v8 =	vmov s15  }
0xf7: {  	v8 =	vshrl.u32 v8, $0x3  }
0xf8: {  	v8 =	vshll.u32 v8, v0  }
0xf9: {  	v8 =	vbroadcast v8, $0x0  }
0xfa: {  	v61 =	vsub.s32 $0x0, v7  }
0xfb: {  	v8 =	vor.u32 v4, v8;
	v7 =	vmin.u32 v7, v61  }
0xfc: {  	v7 =	vshrl.u32 v7, v2  }
0xfd: {  	v7 =	vand.u32 $0xFF, v7  }
0xfe: {  	v7 =	vor.u32 v3, v7  }
0xff: {  	[tilespmem:s9+$0x0] =	vst v7  }
0x100: {  	s15 =	sadd.s32 $0xC, s10;
	v7 =	vld.idx.msk [tilespmem:v8+s3+$0x0], $0xffff  }
0x101: {  	v8 =	vmov s15  }
0x102: {  	v8 =	vshrl.u32 v8, $0x3  }
0x103: {  	v8 =	vshll.u32 v8, v0  }
0x104: {  	v8 =	vbroadcast v8, $0x0  }
0x105: {  	v62 =	vsub.s32 $0x0, v7  }
0x106: {  	v8 =	vor.u32 v5, v8;
	v7 =	vmin.u32 v7, v62  }
0x107: {  	v7 =	vshrl.u32 v7, v2  }
0x108: {  	v7 =	vand.u32 $0xFF, v7  }
0x109: {  	v7 =	vor.u32 v3, v7  }
0x10a: {  	[tilespmem:s9+$0x10] =	vst v7  }
0x10b: {  	s15 =	sadd.s32 $0xE, s10;
	v7 =	vld.idx.msk [tilespmem:v8+s3+$0x0], $0xffff  }
0x10c: {  	v8 =	vmov s15  }
0x10d: {  	v8 =	vshrl.u32 v8, $0x3  }
0x10e: {  	v8 =	vshll.u32 v8, v0  }
0x10f: {  	v8 =	vbroadcast v8, $0x0  }
0x110: {  	v63 =	vsub.s32 $0x0, v7  }
0x111: {  	v8 =	vor.u32 v6, v8;
	v7 =	vmin.u32 v7, v63  }
0x112: {  	v7 =	vshrl.u32 v7, v2  }
0x113: {  	v7 =	vand.u32 $0xFF, v7  }
0x114: {  	v7 =	vor.u32 v3, v7  }
0x115: {  	[tilespmem:s9+$0x20] =	vst v7  }
0x116: {  	v7 =	vld.idx.msk [tilespmem:v8+s3+$0x0], $0xffff;
	_ =	sdelay $0x4  }
0x117: {  	v8 =	vsub.s32 $0x0, v7  }
0x118: {  	v7 =	vmin.u32 v7, v8  }
0x119: {  	v7 =	vshrl.u32 v7, v2  }
0x11a: {  	v7 =	vand.u32 $0xFF, v7  }
0x11b: {  	v7 =	vor.u32 v3, v7  }
0x11c: {  	[tilespmem:s9+$0x30] =	vst v7  }
0x11d: {  	_ =	swait.ge [sflag:s13], $0x2000  }
0x11e: {  	[sflag:s13] =	ssyncset.done $0x0  }
0x11f: {  	s10 =	rddreg [dreg:$0x7];
	[sflag:s13] =	ssyncadd.s32 $0xFFFFE000  }
0x120: {  	[spmem:s10] =	stream.linear.scatter [tilespmem:s12], [sflag:$0x11], $0x2000, $0x38;
	[tilespmem:$0x13200] =	vst v63  }
0x121: {  	s10 =	simm.s32 $0x11  }
0x122: {  	_ =	swait.ge [sflag:s10], $0x2000  }
0x123: {  	[sflag:s10] =	ssyncset.done $0x0  }
0x124: {  	[sflag:s10] =	ssyncadd.s32 $0xFFFFE000  }
0x125: {  	s11 =	simm.s32 $0x200;
	[bflag:$0x0] =	sbarrier.arrive $0xFFFF  }
0x126: {  	[tilespmem:s12], [sflag:$0x1] =	stream.indirect.gather [spmem:s2], $0x40, s11, s14, $0xb8;
	[tilespmem:$0x13200] =	vst v63  }
0x127: {  	s15 =	simm.s32 $0x280;
	s11 =	simm.s32 $0x3200  }
0x128: {  	[tilespmem:s11], [sflag:$0x2] =	stream.indirect.gather [spmem:s2], $0x40, s15, s14, $0xb8;
	[tilespmem:$0x13200] =	vst v63  }
0x129: {  	s15 =	simm.s32 $0x300  }
0x12a: {  	[tilespmem:s16], [sflag:$0x3] =	stream.indirect.gather [spmem:s2], $0x40, s15, s14, $0xb8;
	[tilespmem:$0x13200] =	vst v63  }
0x12b: {  	s15 =	simm.s32 $0x380  }
0x12c: {  	[tilespmem:s17], [sflag:$0x4] =	stream.indirect.gather [spmem:s2], $0x40, s15, s14, $0xb8;
	[tilespmem:$0x13200] =	vst v63  }
0x12d: {  	s15 =	simm.s32 $0x400  }
0x12e: {  	[tilespmem:s18], [sflag:$0x5] =	stream.indirect.gather [spmem:s2], $0x40, s15, s14, $0xb8;
	[tilespmem:$0x13200] =	vst v63  }
0x12f: {  	_ =	swait.ge [sflag:s13], $0x2000  }
0x130: {  	[sflag:s13] =	ssyncset.done $0x0  }
0x131: {  	s15 =	rddreg [dreg:$0x8];
	[sflag:s13] =	ssyncadd.s32 $0xFFFFE000  }
0x132: {  	[hbm4b:s15+s3] =	stream.linear.scatter [tilespmem:s12], [sflag:$0x9], $0x2000, $0x38;
	[tilespmem:$0x13200] =	vst v63  }
0x133: {  	s15 =	simm.s32 $0x480  }
0x134: {  	[tilespmem:s19], [sflag:$0x6] =	stream.indirect.gather [spmem:s2], $0x40, s15, s14, $0xb8;
	[tilespmem:$0x13200] =	vst v63  }
0x135: {  	_ =	swait.ge [sflag:s20], $0x2000  }
0x136: {  	[sflag:s20] =	ssyncset.done $0x0  }
0x137: {  	s15 =	rddreg [dreg:$0x9];
	[sflag:s20] =	ssyncadd.s32 $0xFFFFE000  }
0x138: {  	[hbm4b:s15+s3] =	stream.linear.scatter [tilespmem:s11], [sflag:$0xA], $0x2000, $0x38;
	[tilespmem:$0x13200] =	vst v63  }
0x139: {  	s15 =	simm.s32 $0x500  }
0x13a: {  	[tilespmem:s21], [sflag:$0x7] =	stream.indirect.gather [spmem:s2], $0x40, s15, s14, $0xb8;
	[tilespmem:$0x13200] =	vst v63  }
0x13b: {  	_ =	swait.ge [sflag:s22], $0x2000  }
0x13c: {  	[sflag:s22] =	ssyncset.done $0x0  }
0x13d: {  	s15 =	rddreg [dreg:$0xa];
	[sflag:s22] =	ssyncadd.s32 $0xFFFFE000  }
0x13e: {  	[hbm4b:s15+s3] =	stream.linear.scatter [tilespmem:s16], [sflag:$0xB], $0x2000, $0x38;
	[tilespmem:$0x13200] =	vst v63  }
0x13f: {  	s15 =	simm.s32 $0x580  }
0x140: {  	[tilespmem:s23], [sflag:$0x8] =	stream.indirect.gather [spmem:s2], $0x40, s15, s14, $0xb8;
	[tilespmem:$0x13200] =	vst v63  }
0x141: {  	_ =	swait.ge [sflag:s24], $0x2000  }
0x142: {  	[sflag:s24] =	ssyncset.done $0x0  }
0x143: {  	s15 =	rddreg [dreg:$0xb];
	[sflag:s24] =	ssyncadd.s32 $0xFFFFE000  }
0x144: {  	[hbm4b:s15+s3] =	stream.linear.scatter [tilespmem:s17], [sflag:$0xC], $0x2000, $0x38;
	[tilespmem:$0x13200] =	vst v63  }
0x145: {  	_ =	swait.ge [sflag:s25], $0x2000  }
0x146: {  	[sflag:s25] =	ssyncset.done $0x0  }
0x147: {  	s15 =	simm.s32 $0x600;
	[sflag:s25] =	ssyncadd.s32 $0xFFFFE000  }
0x148: {  	[tilespmem:s12], [sflag:$0x1] =	stream.indirect.gather [spmem:s2], $0x40, s15, s14, $0xb8;
	[tilespmem:$0x13200] =	vst v63  }
0x149: {  	_ =	swait.ge [sflag:s26], $0x2000  }
0x14a: {  	[sflag:s26] =	ssyncset.done $0x0  }
0x14b: {  	s15 =	rddreg [dreg:$0xc];
	[sflag:s26] =	ssyncadd.s32 $0xFFFFE000  }
0x14c: {  	[hbm4b:s15+s3] =	stream.linear.scatter [tilespmem:s18], [sflag:$0xD], $0x2000, $0x38;
	[tilespmem:$0x13200] =	vst v63  }
0x14d: {  	_ =	swait.ge [sflag:s28], $0x2000  }
0x14e: {  	[sflag:s28] =	ssyncset.done $0x0  }
0x14f: {  	s15 =	simm.s32 $0x680;
	[sflag:s28] =	ssyncadd.s32 $0xFFFFE000  }
0x150: {  	[tilespmem:s11], [sflag:$0x2] =	stream.indirect.gather [spmem:s2], $0x40, s15, s14, $0xb8;
	[tilespmem:$0x13200] =	vst v63  }
0x151: {  	_ =	swait.ge [sflag:s29], $0x2000  }
0x152: {  	[sflag:s29] =	ssyncset.done $0x0  }
0x153: {  	s15 =	rddreg [dreg:$0xd];
	[sflag:s29] =	ssyncadd.s32 $0xFFFFE000  }
0x154: {  	[hbm4b:s15+s3] =	stream.linear.scatter [tilespmem:s19], [sflag:$0xE], $0x2000, $0x38;
	[tilespmem:$0x13200] =	vst v63  }
0x155: {  	_ =	swait.ge [sflag:s30], $0x2000  }
0x156: {  	[sflag:s30] =	ssyncset.done $0x0  }
0x157: {  	s15 =	simm.s32 $0x700;
	[sflag:s30] =	ssyncadd.s32 $0xFFFFE000  }
0x158: {  	[tilespmem:s16], [sflag:$0x3] =	stream.indirect.gather [spmem:s2], $0x40, s15, s14, $0xb8;
	[tilespmem:$0x13200] =	vst v63  }
0x159: {  	_ =	swait.ge [sflag:s31], $0x2000  }
0x15a: {  	[sflag:s31] =	ssyncset.done $0x0  }
0x15b: {  	s15 =	rddreg [dreg:$0xe];
	[sflag:s31] =	ssyncadd.s32 $0xFFFFE000  }
0x15c: {  	[hbm4b:s15+s3] =	stream.linear.scatter [tilespmem:s21], [sflag:$0xF], $0x2000, $0x38;
	[tilespmem:$0x13200] =	vst v63  }
0x15d: {  	_ =	swait.ge [sflag:s1], $0x2000  }
0x15e: {  	[sflag:s1] =	ssyncset.done $0x0  }
0x15f: {  	s15 =	simm.s32 $0x780;
	[sflag:s1] =	ssyncadd.s32 $0xFFFFE000  }
0x160: {  	[tilespmem:s17], [sflag:$0x4] =	stream.indirect.gather [spmem:s2], $0x40, s15, s14, $0xb8;
	[tilespmem:$0x13200] =	vst v63  }
0x161: {  	_ =	swait.ge [sflag:s0], $0x2000  }
0x162: {  	[sflag:s0] =	ssyncset.done $0x0  }
0x163: {  	s15 =	rddreg [dreg:$0xf];
	[sflag:s0] =	ssyncadd.s32 $0xFFFFE000  }
0x164: {  	[hbm4b:s15+s3] =	stream.linear.scatter [tilespmem:s23], [sflag:$0x10], $0x2000, $0x38;
	[tilespmem:$0x13200] =	vst v63  }
0x165: {  	_ =	swait.ge [sflag:s4], $0x2000  }
0x166: {  	[sflag:s4] =	ssyncset.done $0x0  }
0x167: {  	s15 =	simm.s32 $0x800;
	[sflag:s4] =	ssyncadd.s32 $0xFFFFE000  }
0x168: {  	[tilespmem:s18], [sflag:$0x5] =	stream.indirect.gather [spmem:s2], $0x40, s15, s14, $0xb8;
	[tilespmem:$0x13200] =	vst v63  }
0x169: {  	_ =	swait.ge [sflag:s13], $0x2000  }
0x16a: {  	[sflag:s13] =	ssyncset.done $0x0  }
0x16b: {  	s15 =	rddreg [dreg:$0x10];
	[sflag:s13] =	ssyncadd.s32 $0xFFFFE000  }
0x16c: {  	[hbm4b:s15+s3] =	stream.linear.scatter [tilespmem:s12], [sflag:$0x9], $0x2000, $0x38;
	[tilespmem:$0x13200] =	vst v63  }
0x16d: {  	_ =	swait.ge [sflag:s5], $0x2000  }
0x16e: {  	[sflag:s5] =	ssyncset.done $0x0  }
0x16f: {  	s15 =	simm.s32 $0x880;
	[sflag:s5] =	ssyncadd.s32 $0xFFFFE000  }
0x170: {  	[tilespmem:s19], [sflag:$0x6] =	stream.indirect.gather [spmem:s2], $0x40, s15, s14, $0xb8;
	[tilespmem:$0x13200] =	vst v63  }
0x171: {  	_ =	swait.ge [sflag:s20], $0x2000  }
0x172: {  	[sflag:s20] =	ssyncset.done $0x0  }
0x173: {  	s15 =	rddreg [dreg:$0x11];
	[sflag:s20] =	ssyncadd.s32 $0xFFFFE000  }
0x174: {  	[hbm4b:s15+s3] =	stream.linear.scatter [tilespmem:s11], [sflag:$0xA], $0x2000, $0x38;
	[tilespmem:$0x13200] =	vst v63  }
0x175: {  	_ =	swait.ge [sflag:s6], $0x2000  }
0x176: {  	[sflag:s6] =	ssyncset.done $0x0  }
0x177: {  	s15 =	simm.s32 $0x900;
	[sflag:s6] =	ssyncadd.s32 $0xFFFFE000  }
0x178: {  	[tilespmem:s21], [sflag:$0x7] =	stream.indirect.gather [spmem:s2], $0x40, s15, s14, $0xb8;
	[tilespmem:$0x13200] =	vst v63  }
0x179: {  	_ =	swait.ge [sflag:s22], $0x2000  }
0x17a: {  	[sflag:s22] =	ssyncset.done $0x0  }
0x17b: {  	s15 =	rddreg [dreg:$0x12];
	[sflag:s22] =	ssyncadd.s32 $0xFFFFE000  }
0x17c: {  	[hbm4b:s15+s3] =	stream.linear.scatter [tilespmem:s16], [sflag:$0xB], $0x2000, $0x38;
	[tilespmem:$0x13200] =	vst v63  }
0x17d: {  	_ =	swait.ge [sflag:s7], $0x2000  }
0x17e: {  	[sflag:s7] =	ssyncset.done $0x0  }
0x17f: {  	s15 =	simm.s32 $0x980;
	[sflag:s7] =	ssyncadd.s32 $0xFFFFE000  }
0x180: {  	[tilespmem:s23], [sflag:$0x8] =	stream.indirect.gather [spmem:s2], $0x40, s15, s14, $0xb8;
	[tilespmem:$0x13200] =	vst v63  }
0x181: {  	_ =	swait.ge [sflag:s24], $0x2000  }
0x182: {  	[sflag:s24] =	ssyncset.done $0x0  }
0x183: {  	s15 =	rddreg [dreg:$0x13];
	[sflag:s24] =	ssyncadd.s32 $0xFFFFE000  }
0x184: {  	[hbm4b:s15+s3] =	stream.linear.scatter [tilespmem:s17], [sflag:$0xC], $0x2000, $0x38;
	[tilespmem:$0x13200] =	vst v63  }
0x185: {  	_ =	swait.ge [sflag:s25], $0x2000  }
0x186: {  	[sflag:s25] =	ssyncset.done $0x0  }
0x187: {  	s15 =	simm.s32 $0xA00;
	[sflag:s25] =	ssyncadd.s32 $0xFFFFE000  }
0x188: {  	[tilespmem:s12], [sflag:$0x1] =	stream.indirect.gather [spmem:s2], $0x40, s15, s14, $0xb8;
	[tilespmem:$0x13200] =	vst v63  }
0x189: {  	_ =	swait.ge [sflag:s26], $0x2000  }
0x18a: {  	[sflag:s26] =	ssyncset.done $0x0  }
0x18b: {  	s15 =	rddreg [dreg:$0x14];
	[sflag:s26] =	ssyncadd.s32 $0xFFFFE000  }
0x18c: {  	[hbm4b:s15+s3] =	stream.linear.scatter [tilespmem:s18], [sflag:$0xD], $0x2000, $0x38;
	[tilespmem:$0x13200] =	vst v63  }
0x18d: {  	_ =	swait.ge [sflag:s28], $0x2000  }
0x18e: {  	[sflag:s28] =	ssyncset.done $0x0  }
0x18f: {  	s15 =	simm.s32 $0xA80;
	[sflag:s28] =	ssyncadd.s32 $0xFFFFE000  }
0x190: {  	[tilespmem:s11], [sflag:$0x2] =	stream.indirect.gather [spmem:s2], $0x40, s15, s14, $0xb8;
	[tilespmem:$0x13200] =	vst v63  }
0x191: {  	_ =	swait.ge [sflag:s29], $0x2000  }
0x192: {  	[sflag:s29] =	ssyncset.done $0x0  }
0x193: {  	s15 =	rddreg [dreg:$0x15];
	[sflag:s29] =	ssyncadd.s32 $0xFFFFE000  }
0x194: {  	[hbm4b:s15+s3] =	stream.linear.scatter [tilespmem:s19], [sflag:$0xE], $0x2000, $0x38;
	[tilespmem:$0x13200] =	vst v63  }
0x195: {  	_ =	swait.ge [sflag:s30], $0x2000  }
0x196: {  	[sflag:s30] =	ssyncset.done $0x0  }
0x197: {  	s15 =	simm.s32 $0xB00;
	[sflag:s30] =	ssyncadd.s32 $0xFFFFE000  }
0x198: {  	[tilespmem:s16], [sflag:$0x3] =	stream.indirect.gather [spmem:s2], $0x40, s15, s14, $0xb8;
	[tilespmem:$0x13200] =	vst v63  }
0x199: {  	_ =	swait.ge [sflag:s31], $0x2000  }
0x19a: {  	[sflag:s31] =	ssyncset.done $0x0  }
0x19b: {  	s15 =	rddreg [dreg:$0x16];
	[sflag:s31] =	ssyncadd.s32 $0xFFFFE000  }
0x19c: {  	[hbm4b:s15+s3] =	stream.linear.scatter [tilespmem:s21], [sflag:$0xF], $0x2000, $0x38;
	[tilespmem:$0x13200] =	vst v63  }
0x19d: {  	_ =	swait.ge [sflag:s1], $0x2000  }
0x19e: {  	[sflag:s1] =	ssyncset.done $0x0  }
0x19f: {  	s15 =	simm.s32 $0xB80;
	[sflag:s1] =	ssyncadd.s32 $0xFFFFE000  }
0x1a0: {  	[tilespmem:s17], [sflag:$0x4] =	stream.indirect.gather [spmem:s2], $0x40, s15, s14, $0xb8;
	[tilespmem:$0x13200] =	vst v63  }
0x1a1: {  	_ =	swait.ge [sflag:s0], $0x2000  }
0x1a2: {  	[sflag:s0] =	ssyncset.done $0x0  }
0x1a3: {  	s15 =	rddreg [dreg:$0x17];
	[sflag:s0] =	ssyncadd.s32 $0xFFFFE000  }
0x1a4: {  	[hbm4b:s15+s3] =	stream.linear.scatter [tilespmem:s23], [sflag:$0x10], $0x2000, $0x38;
	[tilespmem:$0x13200] =	vst v63  }
0x1a5: {  	_ =	swait.ge [sflag:s4], $0x2000  }
0x1a6: {  	[sflag:s4] =	ssyncset.done $0x0  }
0x1a7: {  	s15 =	simm.s32 $0xC00;
	[sflag:s4] =	ssyncadd.s32 $0xFFFFE000  }
0x1a8: {  	[tilespmem:s18], [sflag:$0x5] =	stream.indirect.gather [spmem:s2], $0x40, s15, s14, $0xb8;
	[tilespmem:$0x13200] =	vst v63  }
0x1a9: {  	_ =	swait.ge [sflag:s13], $0x2000  }
0x1aa: {  	[sflag:s13] =	ssyncset.done $0x0  }
0x1ab: {  	s15 =	rddreg [dreg:$0x18];
	[sflag:s13] =	ssyncadd.s32 $0xFFFFE000  }
0x1ac: {  	[hbm4b:s15+s3] =	stream.linear.scatter [tilespmem:s12], [sflag:$0x9], $0x2000, $0x38;
	[tilespmem:$0x13200] =	vst v63  }
0x1ad: {  	_ =	swait.ge [sflag:s5], $0x2000  }
0x1ae: {  	[sflag:s5] =	ssyncset.done $0x0  }
0x1af: {  	s15 =	simm.s32 $0xC80;
	[sflag:s5] =	ssyncadd.s32 $0xFFFFE000  }
0x1b0: {  	[tilespmem:s19], [sflag:$0x6] =	stream.indirect.gather [spmem:s2], $0x40, s15, s14, $0xb8;
	[tilespmem:$0x13200] =	vst v63  }
0x1b1: {  	_ =	swait.ge [sflag:s20], $0x2000  }
0x1b2: {  	[sflag:s20] =	ssyncset.done $0x0  }
0x1b3: {  	s15 =	rddreg [dreg:$0x19];
	[sflag:s20] =	ssyncadd.s32 $0xFFFFE000  }
0x1b4: {  	[hbm4b:s15+s3] =	stream.linear.scatter [tilespmem:s11], [sflag:$0xA], $0x2000, $0x38;
	[tilespmem:$0x13200] =	vst v63  }
0x1b5: {  	_ =	swait.ge [sflag:s6], $0x2000  }
0x1b6: {  	[sflag:s6] =	ssyncset.done $0x0  }
0x1b7: {  	s15 =	simm.s32 $0xD00;
	[sflag:s6] =	ssyncadd.s32 $0xFFFFE000  }
0x1b8: {  	[tilespmem:s21], [sflag:$0x7] =	stream.indirect.gather [spmem:s2], $0x40, s15, s14, $0xb8;
	[tilespmem:$0x13200] =	vst v63  }
0x1b9: {  	_ =	swait.ge [sflag:s22], $0x2000  }
0x1ba: {  	[sflag:s22] =	ssyncset.done $0x0  }
0x1bb: {  	s15 =	rddreg [dreg:$0x1a];
	[sflag:s22] =	ssyncadd.s32 $0xFFFFE000  }
0x1bc: {  	[hbm4b:s15+s3] =	stream.linear.scatter [tilespmem:s16], [sflag:$0xB], $0x2000, $0x38;
	[tilespmem:$0x13200] =	vst v63  }
0x1bd: {  	_ =	swait.ge [sflag:s7], $0x2000  }
0x1be: {  	[sflag:s7] =	ssyncset.done $0x0  }
0x1bf: {  	s15 =	simm.s32 $0xD80;
	[sflag:s7] =	ssyncadd.s32 $0xFFFFE000  }
0x1c0: {  	[tilespmem:s23], [sflag:$0x8] =	stream.indirect.gather [spmem:s2], $0x40, s15, s14, $0xb8;
	[tilespmem:$0x13200] =	vst v63  }
0x1c1: {  	_ =	swait.ge [sflag:s24], $0x2000  }
0x1c2: {  	[sflag:s24] =	ssyncset.done $0x0  }
0x1c3: {  	s15 =	rddreg [dreg:$0x1b];
	[sflag:s24] =	ssyncadd.s32 $0xFFFFE000  }
0x1c4: {  	[hbm4b:s15+s3] =	stream.linear.scatter [tilespmem:s17], [sflag:$0xC], $0x2000, $0x38;
	[tilespmem:$0x13200] =	vst v63  }
0x1c5: {  	_ =	swait.ge [sflag:s25], $0x2000  }
0x1c6: {  	[sflag:s25] =	ssyncset.done $0x0  }
0x1c7: {  	s15 =	simm.s32 $0xE00;
	[sflag:s25] =	ssyncadd.s32 $0xFFFFE000  }
0x1c8: {  	[tilespmem:s12], [sflag:$0x1] =	stream.indirect.gather [spmem:s2], $0x40, s15, s14, $0xb8;
	[tilespmem:$0x13200] =	vst v63  }
0x1c9: {  	_ =	swait.ge [sflag:s26], $0x2000  }
0x1ca: {  	[sflag:s26] =	ssyncset.done $0x0  }
0x1cb: {  	s15 =	rddreg [dreg:$0x1c];
	[sflag:s26] =	ssyncadd.s32 $0xFFFFE000  }
0x1cc: {  	[hbm4b:s15+s3] =	stream.linear.scatter [tilespmem:s18], [sflag:$0xD], $0x2000, $0x38;
	[tilespmem:$0x13200] =	vst v63  }
0x1cd: {  	_ =	swait.ge [sflag:s28], $0x2000  }
0x1ce: {  	[sflag:s28] =	ssyncset.done $0x0  }
0x1cf: {  	s15 =	simm.s32 $0xE80;
	[sflag:s28] =	ssyncadd.s32 $0xFFFFE000  }
0x1d0: {  	[tilespmem:s11], [sflag:$0x2] =	stream.indirect.gather [spmem:s2], $0x40, s15, s14, $0xb8;
	[tilespmem:$0x13200] =	vst v63  }
0x1d1: {  	_ =	swait.ge [sflag:s29], $0x2000  }
0x1d2: {  	[sflag:s29] =	ssyncset.done $0x0  }
0x1d3: {  	s15 =	rddreg [dreg:$0x1d];
	[sflag:s29] =	ssyncadd.s32 $0xFFFFE000  }
0x1d4: {  	[hbm4b:s15+s3] =	stream.linear.scatter [tilespmem:s19], [sflag:$0xE], $0x2000, $0x38;
	[tilespmem:$0x13200] =	vst v63  }
0x1d5: {  	_ =	swait.ge [sflag:s30], $0x2000  }
0x1d6: {  	[sflag:s30] =	ssyncset.done $0x0  }
0x1d7: {  	s15 =	simm.s32 $0xF00;
	[sflag:s30] =	ssyncadd.s32 $0xFFFFE000  }
0x1d8: {  	[tilespmem:s16], [sflag:$0x3] =	stream.indirect.gather [spmem:s2], $0x40, s15, s14, $0xb8;
	[tilespmem:$0x13200] =	vst v63  }
0x1d9: {  	_ =	swait.ge [sflag:s31], $0x2000  }
0x1da: {  	[sflag:s31] =	ssyncset.done $0x0  }
0x1db: {  	s15 =	rddreg [dreg:$0x1e];
	[sflag:s31] =	ssyncadd.s32 $0xFFFFE000  }
0x1dc: {  	[hbm4b:s15+s3] =	stream.linear.scatter [tilespmem:s21], [sflag:$0xF], $0x2000, $0x38;
	[tilespmem:$0x13200] =	vst v63  }
0x1dd: {  	_ =	swait.ge [sflag:s1], $0x2000  }
0x1de: {  	[sflag:s1] =	ssyncset.done $0x0  }
0x1df: {  	s15 =	simm.s32 $0xF80;
	[sflag:s1] =	ssyncadd.s32 $0xFFFFE000  }
0x1e0: {  	[tilespmem:s17], [sflag:$0x4] =	stream.indirect.gather [spmem:s2], $0x40, s15, s14, $0xb8;
	[tilespmem:$0x13200] =	vst v63  }
0x1e1: {  	_ =	swait.ge [sflag:s0], $0x2000  }
0x1e2: {  	[sflag:s0] =	ssyncset.done $0x0  }
0x1e3: {  	s15 =	rddreg [dreg:$0x1f];
	[sflag:s0] =	ssyncadd.s32 $0xFFFFE000  }
0x1e4: {  	[hbm4b:s15+s3] =	stream.linear.scatter [tilespmem:s23], [sflag:$0x10], $0x2000, $0x38;
	[tilespmem:$0x13200] =	vst v63  }
0x1e5: {  	_ =	swait.ge [sflag:s4], $0x2000  }
0x1e6: {  	[sflag:s4] =	ssyncset.done $0x0  }
0x1e7: {  	s15 =	simm.s32 $0x1000;
	[sflag:s4] =	ssyncadd.s32 $0xFFFFE000  }
0x1e8: {  	[tilespmem:s18], [sflag:$0x5] =	stream.indirect.gather [spmem:s2], $0x40, s15, s14, $0xb8;
	[tilespmem:$0x13200] =	vst v63  }
0x1e9: {  	_ =	swait.ge [sflag:s13], $0x2000  }
0x1ea: {  	s15 =	sld [smem:$0x7F5]  }
0x1eb: {  	[sflag:s13] =	ssyncset.done $0x0  }
0x1ec: {  	[sflag:s13] =	ssyncadd.s32 $0xFFFFE000  }
0x1ed: {  	[hbm4b:s15+s3] =	stream.linear.scatter [tilespmem:s12], [sflag:$0x9], $0x2000, $0x38;
	[tilespmem:$0x13200] =	vst v63  }
0x1ee: {  	_ =	swait.ge [sflag:s5], $0x2000  }
0x1ef: {  	[sflag:s5] =	ssyncset.done $0x0  }
0x1f0: {  	s15 =	simm.s32 $0x1080;
	[sflag:s5] =	ssyncadd.s32 $0xFFFFE000  }
0x1f1: {  	[tilespmem:s19], [sflag:$0x6] =	stream.indirect.gather [spmem:s2], $0x40, s15, s14, $0xb8;
	[tilespmem:$0x13200] =	vst v63  }
0x1f2: {  	_ =	swait.ge [sflag:s20], $0x2000  }
0x1f3: {  	s15 =	sld [smem:$0x7F6]  }
0x1f4: {  	[sflag:s20] =	ssyncset.done $0x0  }
0x1f5: {  	[sflag:s20] =	ssyncadd.s32 $0xFFFFE000  }
0x1f6: {  	[hbm4b:s15+s3] =	stream.linear.scatter [tilespmem:s11], [sflag:$0xA], $0x2000, $0x38;
	[tilespmem:$0x13200] =	vst v63  }
0x1f7: {  	_ =	swait.ge [sflag:s6], $0x2000  }
0x1f8: {  	[sflag:s6] =	ssyncset.done $0x0  }
0x1f9: {  	s15 =	simm.s32 $0x1100;
	[sflag:s6] =	ssyncadd.s32 $0xFFFFE000  }
0x1fa: {  	[tilespmem:s21], [sflag:$0x7] =	stream.indirect.gather [spmem:s2], $0x40, s15, s14, $0xb8;
	[tilespmem:$0x13200] =	vst v63  }
0x1fb: {  	_ =	swait.ge [sflag:s22], $0x2000  }
0x1fc: {  	s11 =	sld [smem:$0x7F7]  }
0x1fd: {  	[sflag:s22] =	ssyncset.done $0x0  }
0x1fe: {  	[sflag:s22] =	ssyncadd.s32 $0xFFFFE000  }
0x1ff: {  	[hbm4b:s11+s3] =	stream.linear.scatter [tilespmem:s16], [sflag:$0xB], $0x2000, $0x38;
	[tilespmem:$0x13200] =	vst v63  }
0x200: {  	_ =	swait.ge [sflag:s7], $0x2000  }
0x201: {  	[sflag:s7] =	ssyncset.done $0x0  }
0x202: {  	s15 =	simm.s32 $0x1180;
	[sflag:s7] =	ssyncadd.s32 $0xFFFFE000  }
0x203: {  	[tilespmem:s23], [sflag:$0x8] =	stream.indirect.gather [spmem:s2], $0x40, s15, s14, $0xb8;
	[tilespmem:$0x13200] =	vst v63  }
0x204: {  	_ =	swait.ge [sflag:s24], $0x2000  }
0x205: {  	s11 =	sld [smem:$0x7F8]  }
0x206: {  	[sflag:s24] =	ssyncset.done $0x0  }
0x207: {  	[sflag:s24] =	ssyncadd.s32 $0xFFFFE000  }
0x208: {  	[hbm4b:s11+s3] =	stream.linear.scatter [tilespmem:s17], [sflag:$0xC], $0x2000, $0x38;
	[tilespmem:$0x13200] =	vst v63  }
0x209: {  	_ =	swait.ge [sflag:s25], $0x2000  }
0x20a: {  	[sflag:s25] =	ssyncset.done $0x0  }
0x20b: {  	[sflag:s25] =	ssyncadd.s32 $0xFFFFE000  }
0x20c: {  	_ =	swait.ge [sflag:s26], $0x2000  }
0x20d: {  	s15 =	sld [smem:$0x7F9]  }
0x20e: {  	[sflag:s26] =	ssyncset.done $0x0  }
0x20f: {  	[sflag:s26] =	ssyncadd.s32 $0xFFFFE000  }
0x210: {  	[hbm4b:s15+s3] =	stream.linear.scatter [tilespmem:s18], [sflag:$0xD], $0x2000, $0x38;
	[tilespmem:$0x13200] =	vst v63  }
0x211: {  	_ =	swait.ge [sflag:s28], $0x2000  }
0x212: {  	[sflag:s28] =	ssyncset.done $0x0  }
0x213: {  	[sflag:s28] =	ssyncadd.s32 $0xFFFFE000  }
0x214: {  	_ =	swait.ge [sflag:s29], $0x2000  }
0x215: {  	s11 =	sld [smem:$0x7FA]  }
0x216: {  	[sflag:s29] =	ssyncset.done $0x0  }
0x217: {  	[sflag:s29] =	ssyncadd.s32 $0xFFFFE000  }
0x218: {  	[hbm4b:s11+s3] =	stream.linear.scatter [tilespmem:s19], [sflag:$0xE], $0x2000, $0x38;
	[tilespmem:$0x13200] =	vst v63  }
0x219: {  	_ =	swait.ge [sflag:s30], $0x2000  }
0x21a: {  	[sflag:s30] =	ssyncset.done $0x0  }
0x21b: {  	[sflag:s30] =	ssyncadd.s32 $0xFFFFE000  }
0x21c: {  	_ =	swait.ge [sflag:s31], $0x2000  }
0x21d: {  	s15 =	sld [smem:$0x7FB]  }
0x21e: {  	[sflag:s31] =	ssyncset.done $0x0  }
0x21f: {  	[sflag:s31] =	ssyncadd.s32 $0xFFFFE000  }
0x220: {  	[hbm4b:s15+s3] =	stream.linear.scatter [tilespmem:s21], [sflag:$0xF], $0x2000, $0x38;
	[tilespmem:$0x13200] =	vst v63  }
0x221: {  	_ =	swait.ge [sflag:s1], $0x2000  }
0x222: {  	[sflag:s1] =	ssyncset.done $0x0  }
0x223: {  	[sflag:s1] =	ssyncadd.s32 $0xFFFFE000  }
0x224: {  	_ =	swait.ge [sflag:s0], $0x2000  }
0x225: {  	s11 =	sld [smem:$0x7FC]  }
0x226: {  	[sflag:s0] =	ssyncset.done $0x0  }
0x227: {  	[sflag:s0] =	ssyncadd.s32 $0xFFFFE000  }
0x228: {  	[hbm4b:s11+s3] =	stream.linear.scatter [tilespmem:s23], [sflag:$0x10], $0x2000, $0x38;
	[tilespmem:$0x13200] =	vst v63  }
0x229: {  	_ =	swait.ge [sflag:s4], $0x2000  }
0x22a: {  	[sflag:s4] =	ssyncset.done $0x0  }
0x22b: {  	[sflag:s4] =	ssyncadd.s32 $0xFFFFE000  }
0x22c: {  	_ =	swait.ge [sflag:s5], $0x2000  }
0x22d: {  	[sflag:s5] =	ssyncset.done $0x0  }
0x22e: {  	[sflag:s5] =	ssyncadd.s32 $0xFFFFE000  }
0x22f: {  	_ =	swait.ge [sflag:s6], $0x2000  }
0x230: {  	[sflag:s6] =	ssyncset.done $0x0  }
0x231: {  	[sflag:s6] =	ssyncadd.s32 $0xFFFFE000  }
0x232: {  	_ =	swait.ge [sflag:s7], $0x2000  }
0x233: {  	s15 =	sld [smem:$0x7FD];
	_ =	sdelay $0x1  }
0x234: {  	s8 =	sadd.s32 $0x1, s8  }
0x235: {  	p0 =	sne.s32 s8, s15  }
.Ltmp1:
0x236: {  	_ = 	snop;
	(pc) =	sbr.rel @p0 .LBB2_1-.Ltmp1, $3  }
0x237: {  	_ =	sdelay $0x1  }
0x238: {  	[sflag:s7] =	ssyncset.done $0x0  }
0x239: {  	[sflag:s7] =	ssyncadd.s32 $0xFFFFE000  }
0x23a: {  	_ =	sfence.sel $0x180000  }
0x23b: {  	[bflag:$0x0] =	sbarrier.arrive $0xFFFF  }
0x23c: {  	_ =	strace $0x90000047  }
0x23d: {  	s0 =	stileid.u32;
	[bflag:$0x2] =	sbarrier.arrive $0xFFFF  }
0x23e: {  	p0 =	sne.s32 s0, $0x0;
	s0 =	rddreg [dreg:$0x4]  }
0x23f: {  	s0 =	sadd.s32 @!p0 $0x100000, s0  }
0x240: {  	[sflag:s0] =	ssyncadd.tile.s32 @!p0 $0x1;
	_ =	shalt  }
.Lfunc_end2:
_tile_overlayer_lowered:
.L_overlay_start_2:
0x241: {  	(tag) =	ssettag $0x2  }
0x242: {  	s0 =	rddreg [dreg:$0x0];
	s2 =	stileid.u32  }
0x243: {  	s1 =	rddreg [dreg:$0x1];
	p0 =	sne.s32 s2, $0x0  }
0x244: {  	s3 =	rddreg [dreg:$0x2];
	[bflag:$0x3] =	sbarrier.arrive $0xFFFF;
	s2 =	simm.s32 @!p0 $0x1C11  }
0x245: {  	[timem:s3], [sflag:s2] =	dma.local @!p0 [hbm:s0], s1  }
0x246: {  	s0 =	simm.s32 @!p0 $0x11  }
0x247: {  	_ =	swait.ge @!p0 [sflag:s0], s1  }
0x248: {  	s1 =	ssub.s32 @!p0 $0x0, s1;
	[sflag:s0] =	ssyncset.done @!p0 $0x0  }
0x249: {  	[sflag:s0] =	ssyncadd.s32 @!p0 s1  }
0x24a: {  	[bflag:$0x3] =	sbarrier.arrive $0xFFFF  }
0x24b: {  	_ =	shalt  }

</sc_bundles>
